<compile_context>
chip_gen: v7x
topology: tpu7x:2x2x1
jax: 0.10.2.dev20260603
libtpu: 0.0.44.dev20260713+nightly
codegen_flags: <defaults>
</compile_context>

<pallas_src>
import functools

import jax
import jax.numpy as jnp
from jax import lax
from jax.experimental import pallas as pl
from jax.experimental.pallas import tpu as pltpu
from jax.experimental.pallas import tpu_sc as plsc

_BATCH = 16384
_EMB = 32
_NROWS = 100000
_NC, _NS = 2, 16
_GRP = 16
_UNROLL = 16

_mesh = plsc.VectorSubcoreMesh(
    core_axis_name="c", subcore_axis_name="s", num_cores=_NC, num_subcores=_NS
)


@functools.partial(
    pl.kernel,
    out_type=jax.ShapeDtypeStruct((2 * _EMB, _BATCH), jnp.float32),
    mesh=_mesh,
    scratch_types=(
        pltpu.VMEM((_NROWS,), jnp.float32),
        pltpu.VMEM((_BATCH,), jnp.int32),
        pltpu.VMEM((_BATCH // 4,), jnp.float32),
        pltpu.VMEM((_BATCH // 4,), jnp.float32),
        pltpu.SemaphoreType.DMA,
        pltpu.SemaphoreType.DMA,
        pltpu.SemaphoreType.DMA,
    ),
    compiler_params=pltpu.CompilerParams(needs_layout_passes=False),
)
def _sc_gather_t(ut, it, uids, iids, out_t, rowbuf, idxbuf, outa, outb, s0, s1, s2):
    wid = lax.axis_index("s") * _NC + lax.axis_index("c")
    chunk = _BATCH // 4
    obufs = (outa, outb)
    osems = (s1, s2)
    for half, (tab, ids) in enumerate(((ut, uids), (it, iids))):
        c0 = pltpu.async_copy(tab.at[wid], rowbuf, s0)
        ci = pltpu.async_copy(ids, idxbuf, s1)
        ci.wait()
        c0.wait()
        writes = [None, None]
        for c in range(4):
            base = c * chunk
            obuf = obufs[c % 2]
            if writes[c % 2] is not None:
                writes[c % 2].wait()

            def body(g, carry, base=base, obuf=obuf):
                idxs = []
                for u in range(_UNROLL):
                    off = (g * _UNROLL + u) * _GRP
                    idxs.append(idxbuf[pl.ds(base + off, _GRP)])
                vals = [plsc.load_gather(rowbuf, [idx]) for idx in idxs]
                for u in range(_UNROLL):
                    off = (g * _UNROLL + u) * _GRP
                    obuf[pl.ds(off, _GRP)] = vals[u]
                return carry

            lax.fori_loop(0, chunk // (_GRP * _UNROLL), body, 0)
            writes[c % 2] = pltpu.async_copy(
                obuf, out_t.at[half * _EMB + wid, pl.ds(base, chunk)], osems[c % 2]
            )
        writes[0].wait()
        writes[1].wait()


_GRID = 2
_BLK = _BATCH // _GRID


def _fm_body(feat_ref, lab_ref, v_ref, pred_ref, mse_ref, obj_ref):
    g = pl.program_id(0)
    feat = feat_ref[...]
    v = v_ref[...]
    a = lax.dot_general(
        v, feat, (((0,), (0,)), ((), ())), preferred_element_type=jnp.float32
    )
    t1 = jnp.sum(a * a, axis=0)
    w = jnp.sum(v * v, axis=1)
    t2 = jnp.sum(feat * feat * w[:, None], axis=0)
    pred = 0.5 * (t1 - t2)
    mse = jnp.square(pred - lab_ref[...])
    pred_ref[...] = pred
    mse_ref[...] = mse

    @pl.when(g == 0)
    def _():
        obj_ref[0, 0] = 0.0

    obj_ref[0, 0] += jnp.sum(mse) * (1.0 / _BATCH)


_fm_call = pl.pallas_call(
    _fm_body,
    grid=(_GRID,),
    out_shape=(
        jax.ShapeDtypeStruct((_BATCH,), jnp.float32),
        jax.ShapeDtypeStruct((_BATCH,), jnp.float32),
        jax.ShapeDtypeStruct((1, 1), jnp.float32),
    ),
    in_specs=[
        pl.BlockSpec((2 * _EMB, _BLK), lambda g: (0, g)),
        pl.BlockSpec((_BLK,), lambda g: (g,)),
        pl.BlockSpec((2 * _EMB, 10), lambda g: (0, 0)),
    ],
    out_specs=(
        pl.BlockSpec((_BLK,), lambda g: (g,)),
        pl.BlockSpec((_BLK,), lambda g: (g,)),
        pl.BlockSpec(memory_space=pltpu.SMEM),
    ),
)


def kernel(uids, iids, labels, user_emb, item_emb, fc_W, fc_b, fm_V):
    del fc_W, fc_b
    feat_t = _sc_gather_t(
        user_emb.T, item_emb.T, uids.astype(jnp.int32), iids.astype(jnp.int32)
    )
    pred, mse, obj = _fm_call(feat_t, labels, fm_V)
    return pred, obj[0, 0], mse

# --- scband reference (transcript-rebuilt; emitter-appended) ---
"""Pipeline reference for scband-fm-59554016526546 (READ-ONLY COPY).

The authoritative reference and input builder live on the scoring server;
editing this copy changes nothing except your own understanding.
"""

import jax, jax.numpy as jnp
import numpy as np

NUM_USERS = 100000
NUM_ITEMS = 100000
EMB_DIM = 32
BATCH = 16384
FM_K = 10


def setup_inputs(seed: int = 0) -> dict:
    key = jax.random.key(seed)
    k1, k2, k3, k4, k5, k6, k7, k8 = jax.random.split(key, 8)
    uids = jax.random.randint(k1, (BATCH,), 0, NUM_USERS, dtype=jnp.int64 if jax.config.jax_enable_x64 else jnp.int32)
    iids = jax.random.randint(k2, (BATCH,), 0, NUM_ITEMS, dtype=jnp.int64 if jax.config.jax_enable_x64 else jnp.int32)
    labels = jax.random.uniform(k3, (BATCH,), dtype=jnp.float32)
    user_emb = jax.random.uniform(k4, (NUM_USERS, EMB_DIM), minval=-0.1, maxval=0.1, dtype=jnp.float32)
    item_emb = jax.random.uniform(k5, (NUM_ITEMS, EMB_DIM), minval=-0.1, maxval=0.1, dtype=jnp.float32)
    dim = EMB_DIM * 2
    fc_W = jax.random.uniform(k6, (dim, 1), minval=-0.05, maxval=0.05, dtype=jnp.float32)
    fc_b = jnp.zeros((1,), dtype=jnp.float32)
    fm_V = jax.random.uniform(k7, (dim, FM_K), minval=-0.05, maxval=0.05, dtype=jnp.float32)
    return {"uids": uids, "iids": iids, "labels": labels, "user_emb": user_emb,
            "item_emb": item_emb, "fc_W": fc_W, "fc_b": fc_b, "fm_V": fm_V}


def reference(uids, iids, labels, user_emb, item_emb, fc_W, fc_b, fm_V):
    u_fea = jnp.take(user_emb, uids, axis=0)
    i_fea = jnp.take(item_emb, iids, axis=0)
    input_vec = jnp.concatenate([u_fea, i_fea], axis=1)
    fm_linear_part = input_vec @ fc_W + fc_b  # computed as in original (unused in prediction)
    fm_interactions_1 = jnp.square(input_vec @ fm_V)
    fm_interactions_2 = jnp.square(input_vec) @ jnp.square(fm_V)
    fm_output = 0.5 * jnp.sum(fm_interactions_1 - fm_interactions_2, axis=1, keepdims=True)
    prediction = jnp.squeeze(fm_output, axis=1)
    mse_loss = jnp.square(prediction - labels)
    obj_loss = jnp.mean(jnp.square(prediction - labels))
    return (prediction, obj_loss, mse_loss)

if __name__ == "__main__":
    import jax
    _d = setup_inputs()
    print(jax.jit(kernel)(*tuple(_d.values())))

</pallas_src>

<mosaic_0001>
#map = affine_map<(d0, d1) -> (0, 0)>
#map1 = affine_map<(d0, d1) -> (0)>
module attributes {stable_mosaic.version = 14 : i64} {
  func.func @_sc_gather_t(%arg0: i32, %arg1: i32, %arg2: memref<32x100000xf32, #tpu.memory_space<hbm>>, %arg3: memref<32x100000xf32, #tpu.memory_space<hbm>>, %arg4: memref<16384xi32, #tpu.memory_space<hbm>>, %arg5: memref<16384xi32, #tpu.memory_space<hbm>>, %arg6: memref<64x16384xf32, #tpu.memory_space<hbm>>, %arg7: memref<100000xf32, #tpu.memory_space<vmem>>, %arg8: memref<16384xi32, #tpu.memory_space<vmem>>, %arg9: memref<4096xf32, #tpu.memory_space<vmem>>, %arg10: memref<4096xf32, #tpu.memory_space<vmem>>, %arg11: memref<!tpu.dma_semaphore, #tpu.memory_space<semaphore_mem>>, %arg12: memref<!tpu.dma_semaphore, #tpu.memory_space<semaphore_mem>>, %arg13: memref<!tpu.dma_semaphore, #tpu.memory_space<semaphore_mem>>) attributes {dimension_semantics = [#tpu.dimension_semantics<core_parallel>, #tpu.dimension_semantics<subcore_parallel>], iteration_bounds = array<i64: 2, 16>, scalar_prefetch = 0 : i64, scratch_operands = 7 : i64, tpu.core_type = #tpu.core_type<sc_vector_subcore>, window_params = [{transform_indices = #map}, {transform_indices = #map}, {transform_indices = #map1}, {transform_indices = #map1}, {transform_indices = #map}]} {
    %mul3A = arith.constant 2 : i32
    %mul3A_0 = arith.muli %arg1, %mul3A : i32
    %add3A = arith.addi %mul3A_0, %arg0 : i32
    %dma_start3A = arith.constant 0 : i32
    %dma_start3A_1 = tpu.memref_slice %arg2[%add3A, %dma_start3A] : memref<32x100000xf32, #tpu.memory_space<hbm>> -> memref<1x100000xf32, #tpu.memory_space<hbm>>
    %dma_start3A_2 = tpu.memref_squeeze %dma_start3A_1 : memref<1x100000xf32, #tpu.memory_space<hbm>> -> memref<100000xf32, #tpu.memory_space<hbm>>
    %dma_start3A_3 = arith.constant 0 : i32
    %dma_start3A_4 = tpu.memref_slice %arg2[%add3A, %dma_start3A_3] : memref<32x100000xf32, #tpu.memory_space<hbm>> -> memref<1x100000xf32, #tpu.memory_space<hbm>>
    %dma_start3A_5 = tpu.memref_squeeze %dma_start3A_4 : memref<1x100000xf32, #tpu.memory_space<hbm>> -> memref<100000xf32, #tpu.memory_space<hbm>>
    tpu.enqueue_dma source(%dma_start3A_5 : memref<100000xf32, #tpu.memory_space<hbm>>) target(%arg7 : memref<100000xf32, #tpu.memory_space<vmem>>) target_semaphore(%arg11 : memref<!tpu.dma_semaphore, #tpu.memory_space<semaphore_mem>>)
    tpu.enqueue_dma source(%arg4 : memref<16384xi32, #tpu.memory_space<hbm>>) target(%arg8 : memref<16384xi32, #tpu.memory_space<vmem>>) target_semaphore(%arg12 : memref<!tpu.dma_semaphore, #tpu.memory_space<semaphore_mem>>)
    tpu.wait_dma2 semaphore(%arg12 : memref<!tpu.dma_semaphore, #tpu.memory_space<semaphore_mem>>) src(%arg4 : memref<16384xi32, #tpu.memory_space<hbm>>) dst(%arg8 : memref<16384xi32, #tpu.memory_space<vmem>>)
    %dma_wait3A = arith.constant 0 : i32
    %dma_wait3A_6 = tpu.memref_slice %arg2[%add3A, %dma_wait3A] : memref<32x100000xf32, #tpu.memory_space<hbm>> -> memref<1x100000xf32, #tpu.memory_space<hbm>>
    %dma_wait3A_7 = tpu.memref_squeeze %dma_wait3A_6 : memref<1x100000xf32, #tpu.memory_space<hbm>> -> memref<100000xf32, #tpu.memory_space<hbm>>
    %dma_wait3A_8 = arith.constant 0 : i32
    %dma_wait3A_9 = tpu.memref_slice %arg2[%add3A, %dma_wait3A_8] : memref<32x100000xf32, #tpu.memory_space<hbm>> -> memref<1x100000xf32, #tpu.memory_space<hbm>>
    %dma_wait3A_10 = tpu.memref_squeeze %dma_wait3A_9 : memref<1x100000xf32, #tpu.memory_space<hbm>> -> memref<100000xf32, #tpu.memory_space<hbm>>
    tpu.wait_dma2 semaphore(%arg11 : memref<!tpu.dma_semaphore, #tpu.memory_space<semaphore_mem>>) src(%dma_wait3A_10 : memref<100000xf32, #tpu.memory_space<hbm>>) dst(%arg7 : memref<100000xf32, #tpu.memory_space<vmem>>)
    %scan3A = arith.constant 0 : i32
    %scan3A_11 = arith.constant 0 : i32
    %scan3A_12 = arith.constant 16 : i32
    %scan3A_13 = arith.addi %scan3A_11, %scan3A_12 : i32
    %scan3A_14 = arith.constant 1 : i32
    scf.for %scan3A_182 = %scan3A_11 to %scan3A_13 step %scan3A_14  : i32 {
      %mul3A_183 = arith.constant 16 : i32
      %mul3A_184 = arith.muli %scan3A_182, %mul3A_183 : i32
      %add3A_185 = arith.constant 0 : i32
      %add3A_186 = arith.addi %mul3A_184, %add3A_185 : i32
      %mul3A_187 = arith.constant 16 : i32
      %mul3A_188 = arith.muli %add3A_186, %mul3A_187 : i32
      %add3A_189 = arith.constant 0 : i32
      %add3A_190 = arith.addi %add3A_189, %mul3A_188 : i32
      %get3A = arith.index_cast %add3A_190 : i32 to index
      %get3A_191 = tpu.vector_load %arg8[%get3A] {strides = array<i32>} : memref<16384xi32, #tpu.memory_space<vmem>>, vector<16xi32>,
      %mul3A_192 = arith.constant 16 : i32
      %mul3A_193 = arith.muli %scan3A_182, %mul3A_192 : i32
      %add3A_194 = arith.constant 1 : i32
      %add3A_195 = arith.addi %mul3A_193, %add3A_194 : i32
      %mul3A_196 = arith.constant 16 : i32
      %mul3A_197 = arith.muli %add3A_195, %mul3A_196 : i32
      %add3A_198 = arith.constant 0 : i32
      %add3A_199 = arith.addi %add3A_198, %mul3A_197 : i32
      %get3A_200 = arith.index_cast %add3A_199 : i32 to index
      %get3A_201 = tpu.vector_load %arg8[%get3A_200] {strides = array<i32>} : memref<16384xi32, #tpu.memory_space<vmem>>, vector<16xi32>,
      %mul3A_202 = arith.constant 16 : i32
      %mul3A_203 = arith.muli %scan3A_182, %mul3A_202 : i32
      %add3A_204 = arith.constant 2 : i32
      %add3A_205 = arith.addi %mul3A_203, %add3A_204 : i32
      %mul3A_206 = arith.constant 16 : i32
      %mul3A_207 = arith.muli %add3A_205, %mul3A_206 : i32
      %add3A_208 = arith.constant 0 : i32
      %add3A_209 = arith.addi %add3A_208, %mul3A_207 : i32
      %get3A_210 = arith.index_cast %add3A_209 : i32 to index
      %get3A_211 = tpu.vector_load %arg8[%get3A_210] {strides = array<i32>} : memref<16384xi32, #tpu.memory_space<vmem>>, vector<16xi32>,
      %mul3A_212 = arith.constant 16 : i32
      %mul3A_213 = arith.muli %scan3A_182, %mul3A_212 : i32
      %add3A_214 = arith.constant 3 : i32
      %add3A_215 = arith.addi %mul3A_213, %add3A_214 : i32
      %mul3A_216 = arith.constant 16 : i32
      %mul3A_217 = arith.muli %add3A_215, %mul3A_216 : i32
      %add3A_218 = arith.constant 0 : i32
      %add3A_219 = arith.addi %add3A_218, %mul3A_217 : i32
      %get3A_220 = arith.index_cast %add3A_219 : i32 to index
      %get3A_221 = tpu.vector_load %arg8[%get3A_220] {strides = array<i32>} : memref<16384xi32, #tpu.memory_space<vmem>>, vector<16xi32>,
      %mul3A_222 = arith.constant 16 : i32
      %mul3A_223 = arith.muli %scan3A_182, %mul3A_222 : i32
      %add3A_224 = arith.constant 4 : i32
      %add3A_225 = arith.addi %mul3A_223, %add3A_224 : i32
      %mul3A_226 = arith.constant 16 : i32
      %mul3A_227 = arith.muli %add3A_225, %mul3A_226 : i32
      %add3A_228 = arith.constant 0 : i32
      %add3A_229 = arith.addi %add3A_228, %mul3A_227 : i32
      %get3A_230 = arith.index_cast %add3A_229 : i32 to index
      %get3A_231 = tpu.vector_load %arg8[%get3A_230] {strides = array<i32>} : memref<16384xi32, #tpu.memory_space<vmem>>, vector<16xi32>,
      %mul3A_232 = arith.constant 16 : i32
      %mul3A_233 = arith.muli %scan3A_182, %mul3A_232 : i32
      %add3A_234 = arith.constant 5 : i32
      %add3A_235 = arith.addi %mul3A_233, %add3A_234 : i32
      %mul3A_236 = arith.constant 16 : i32
      %mul3A_237 = arith.muli %add3A_235, %mul3A_236 : i32
      %add3A_238 = arith.constant 0 : i32
      %add3A_239 = arith.addi %add3A_238, %mul3A_237 : i32
      %get3A_240 = arith.index_cast %add3A_239 : i32 to index
      %get3A_241 = tpu.vector_load %arg8[%get3A_240] {strides = array<i32>} : memref<16384xi32, #tpu.memory_space<vmem>>, vector<16xi32>,
      %mul3A_242 = arith.constant 16 : i32
      %mul3A_243 = arith.muli %scan3A_182, %mul3A_242 : i32
      %add3A_244 = arith.constant 6 : i32
      %add3A_245 = arith.addi %mul3A_243, %add3A_244 : i32
      %mul3A_246 = arith.constant 16 : i32
      %mul3A_247 = arith.muli %add3A_245, %mul3A_246 : i32
      %add3A_248 = arith.constant 0 : i32
      %add3A_249 = arith.addi %add3A_248, %mul3A_247 : i32
      %get3A_250 = arith.index_cast %add3A_249 : i32 to index
      %get3A_251 = tpu.vector_load %arg8[%get3A_250] {strides = array<i32>} : memref<16384xi32, #tpu.memory_space<vmem>>, vector<16xi32>,
      %mul3A_252 = arith.constant 16 : i32
      %mul3A_253 = arith.muli %scan3A_182, %mul3A_252 : i32
      %add3A_254 = arith.constant 7 : i32
      %add3A_255 = arith.addi %mul3A_253, %add3A_254 : i32
      %mul3A_256 = arith.constant 16 : i32
      %mul3A_257 = arith.muli %add3A_255, %mul3A_256 : i32
      %add3A_258 = arith.constant 0 : i32
      %add3A_259 = arith.addi %add3A_258, %mul3A_257 : i32
      %get3A_260 = arith.index_cast %add3A_259 : i32 to index
      %get3A_261 = tpu.vector_load %arg8[%get3A_260] {strides = array<i32>} : memref<16384xi32, #tpu.memory_space<vmem>>, vector<16xi32>,
      %mul3A_262 = arith.constant 16 : i32
      %mul3A_263 = arith.muli %scan3A_182, %mul3A_262 : i32
      %add3A_264 = arith.constant 8 : i32
      %add3A_265 = arith.addi %mul3A_263, %add3A_264 : i32
      %mul3A_266 = arith.constant 16 : i32
      %mul3A_267 = arith.muli %add3A_265, %mul3A_266 : i32
      %add3A_268 = arith.constant 0 : i32
      %add3A_269 = arith.addi %add3A_268, %mul3A_267 : i32
      %get3A_270 = arith.index_cast %add3A_269 : i32 to index
      %get3A_271 = tpu.vector_load %arg8[%get3A_270] {strides = array<i32>} : memref<16384xi32, #tpu.memory_space<vmem>>, vector<16xi32>,
      %mul3A_272 = arith.constant 16 : i32
      %mul3A_273 = arith.muli %scan3A_182, %mul3A_272 : i32
      %add3A_274 = arith.constant 9 : i32
      %add3A_275 = arith.addi %mul3A_273, %add3A_274 : i32
      %mul3A_276 = arith.constant 16 : i32
      %mul3A_277 = arith.muli %add3A_275, %mul3A_276 : i32
      %add3A_278 = arith.constant 0 : i32
      %add3A_279 = arith.addi %add3A_278, %mul3A_277 : i32
      %get3A_280 = arith.index_cast %add3A_279 : i32 to index
      %get3A_281 = tpu.vector_load %arg8[%get3A_280] {strides = array<i32>} : memref<16384xi32, #tpu.memory_space<vmem>>, vector<16xi32>,
      %mul3A_282 = arith.constant 16 : i32
      %mul3A_283 = arith.muli %scan3A_182, %mul3A_282 : i32
      %add3A_284 = arith.constant 10 : i32
      %add3A_285 = arith.addi %mul3A_283, %add3A_284 : i32
      %mul3A_286 = arith.constant 16 : i32
      %mul3A_287 = arith.muli %add3A_285, %mul3A_286 : i32
      %add3A_288 = arith.constant 0 : i32
      %add3A_289 = arith.addi %add3A_288, %mul3A_287 : i32
      %get3A_290 = arith.index_cast %add3A_289 : i32 to index
      %get3A_291 = tpu.vector_load %arg8[%get3A_290] {strides = array<i32>} : memref<16384xi32, #tpu.memory_space<vmem>>, vector<16xi32>,
      %mul3A_292 = arith.constant 16 : i32
      %mul3A_293 = arith.muli %scan3A_182, %mul3A_292 : i32
      %add3A_294 = arith.constant 11 : i32
      %add3A_295 = arith.addi %mul3A_293, %add3A_294 : i32
      %mul3A_296 = arith.constant 16 : i32
      %mul3A_297 = arith.muli %add3A_295, %mul3A_296 : i32
      %add3A_298 = arith.constant 0 : i32
      %add3A_299 = arith.addi %add3A_298, %mul3A_297 : i32
      %get3A_300 = arith.index_cast %add3A_299 : i32 to index
      %get3A_301 = tpu.vector_load %arg8[%get3A_300] {strides = array<i32>} : memref<16384xi32, #tpu.memory_space<vmem>>, vector<16xi32>,
      %mul3A_302 = arith.constant 16 : i32
      %mul3A_303 = arith.muli %scan3A_182, %mul3A_302 : i32
      %add3A_304 = arith.constant 12 : i32
      %add3A_305 = arith.addi %mul3A_303, %add3A_304 : i32
      %mul3A_306 = arith.constant 16 : i32
      %mul3A_307 = arith.muli %add3A_305, %mul3A_306 : i32
      %add3A_308 = arith.constant 0 : i32
      %add3A_309 = arith.addi %add3A_308, %mul3A_307 : i32
      %get3A_310 = arith.index_cast %add3A_309 : i32 to index
      %get3A_311 = tpu.vector_load %arg8[%get3A_310] {strides = array<i32>} : memref<16384xi32, #tpu.memory_space<vmem>>, vector<16xi32>,
      %mul3A_312 = arith.constant 16 : i32
      %mul3A_313 = arith.muli %scan3A_182, %mul3A_312 : i32
      %add3A_314 = arith.constant 13 : i32
      %add3A_315 = arith.addi %mul3A_313, %add3A_314 : i32
      %mul3A_316 = arith.constant 16 : i32
      %mul3A_317 = arith.muli %add3A_315, %mul3A_316 : i32
      %add3A_318 = arith.constant 0 : i32
      %add3A_319 = arith.addi %add3A_318, %mul3A_317 : i32
      %get3A_320 = arith.index_cast %add3A_319 : i32 to index
      %get3A_321 = tpu.vector_load %arg8[%get3A_320] {strides = array<i32>} : memref<16384xi32, #tpu.memory_space<vmem>>, vector<16xi32>,
      %mul3A_322 = arith.constant 16 : i32
      %mul3A_323 = arith.muli %scan3A_182, %mul3A_322 : i32
      %add3A_324 = arith.constant 14 : i32
      %add3A_325 = arith.addi %mul3A_323, %add3A_324 : i32
      %mul3A_326 = arith.constant 16 : i32
      %mul3A_327 = arith.muli %add3A_325, %mul3A_326 : i32
      %add3A_328 = arith.constant 0 : i32
      %add3A_329 = arith.addi %add3A_328, %mul3A_327 : i32
      %get3A_330 = arith.index_cast %add3A_329 : i32 to index
      %get3A_331 = tpu.vector_load %arg8[%get3A_330] {strides = array<i32>} : memref<16384xi32, #tpu.memory_space<vmem>>, vector<16xi32>,
      %mul3A_332 = arith.constant 16 : i32
      %mul3A_333 = arith.muli %scan3A_182, %mul3A_332 : i32
      %add3A_334 = arith.constant 15 : i32
      %add3A_335 = arith.addi %mul3A_333, %add3A_334 : i32
      %mul3A_336 = arith.constant 16 : i32
      %mul3A_337 = arith.muli %add3A_335, %mul3A_336 : i32
      %add3A_338 = arith.constant 0 : i32
      %add3A_339 = arith.addi %add3A_338, %mul3A_337 : i32
      %get3A_340 = arith.index_cast %add3A_339 : i32 to index
      %get3A_341 = tpu.vector_load %arg8[%get3A_340] {strides = array<i32>} : memref<16384xi32, #tpu.memory_space<vmem>>, vector<16xi32>,
      %gather3A = tpu.vector_load_idx %arg7[%get3A_191] : memref<100000xf32, #tpu.memory_space<vmem>>[vector<16xi32>], vector<16xf32>,
      %gather3A_342 = tpu.vector_load_idx %arg7[%get3A_201] : memref<100000xf32, #tpu.memory_space<vmem>>[vector<16xi32>], vector<16xf32>,
      %gather3A_343 = tpu.vector_load_idx %arg7[%get3A_211] : memref<100000xf32, #tpu.memory_space<vmem>>[vector<16xi32>], vector<16xf32>,
      %gather3A_344 = tpu.vector_load_idx %arg7[%get3A_221] : memref<100000xf32, #tpu.memory_space<vmem>>[vector<16xi32>], vector<16xf32>,
      %gather3A_345 = tpu.vector_load_idx %arg7[%get3A_231] : memref<100000xf32, #tpu.memory_space<vmem>>[vector<16xi32>], vector<16xf32>,
      %gather3A_346 = tpu.vector_load_idx %arg7[%get3A_241] : memref<100000xf32, #tpu.memory_space<vmem>>[vector<16xi32>], vector<16xf32>,
      %gather3A_347 = tpu.vector_load_idx %arg7[%get3A_251] : memref<100000xf32, #tpu.memory_space<vmem>>[vector<16xi32>], vector<16xf32>,
      %gather3A_348 = tpu.vector_load_idx %arg7[%get3A_261] : memref<100000xf32, #tpu.memory_space<vmem>>[vector<16xi32>], vector<16xf32>,
      %gather3A_349 = tpu.vector_load_idx %arg7[%get3A_271] : memref<100000xf32, #tpu.memory_space<vmem>>[vector<16xi32>], vector<16xf32>,
      %gather3A_350 = tpu.vector_load_idx %arg7[%get3A_281] : memref<100000xf32, #tpu.memory_space<vmem>>[vector<16xi32>], vector<16xf32>,
      %gather3A_351 = tpu.vector_load_idx %arg7[%get3A_291] : memref<100000xf32, #tpu.memory_space<vmem>>[vector<16xi32>], vector<16xf32>,
      %gather3A_352 = tpu.vector_load_idx %arg7[%get3A_301] : memref<100000xf32, #tpu.memory_space<vmem>>[vector<16xi32>], vector<16xf32>,
      %gather3A_353 = tpu.vector_load_idx %arg7[%get3A_311] : memref<100000xf32, #tpu.memory_space<vmem>>[vector<16xi32>], vector<16xf32>,
      %gather3A_354 = tpu.vector_load_idx %arg7[%get3A_321] : memref<100000xf32, #tpu.memory_space<vmem>>[vector<16xi32>], vector<16xf32>,
      %gather3A_355 = tpu.vector_load_idx %arg7[%get3A_331] : memref<100000xf32, #tpu.memory_space<vmem>>[vector<16xi32>], vector<16xf32>,
      %gather3A_356 = tpu.vector_load_idx %arg7[%get3A_341] : memref<100000xf32, #tpu.memory_space<vmem>>[vector<16xi32>], vector<16xf32>,
      %mul3A_357 = arith.constant 16 : i32
      %mul3A_358 = arith.muli %scan3A_182, %mul3A_357 : i32
      %add3A_359 = arith.constant 0 : i32
      %add3A_360 = arith.addi %mul3A_358, %add3A_359 : i32
      %mul3A_361 = arith.constant 16 : i32
      %mul3A_362 = arith.muli %add3A_360, %mul3A_361 : i32
      %swap3A = arith.index_cast %mul3A_362 : i32 to index
      %swap3A_363 = tpu.vector_load %arg9[%swap3A] {strides = array<i32>} : memref<4096xf32, #tpu.memory_space<vmem>>, vector<16xf32>,
      tpu.vector_store %arg9[%swap3A], %gather3A {strides = array<i32>} : memref<4096xf32, #tpu.memory_space<vmem>>, vector<16xf32>,
      %mul3A_364 = arith.constant 16 : i32
      %mul3A_365 = arith.muli %scan3A_182, %mul3A_364 : i32
      %add3A_366 = arith.constant 1 : i32
      %add3A_367 = arith.addi %mul3A_365, %add3A_366 : i32
      %mul3A_368 = arith.constant 16 : i32
      %mul3A_369 = arith.muli %add3A_367, %mul3A_368 : i32
      %swap3A_370 = arith.index_cast %mul3A_369 : i32 to index
      %swap3A_371 = tpu.vector_load %arg9[%swap3A_370] {strides = array<i32>} : memref<4096xf32, #tpu.memory_space<vmem>>, vector<16xf32>,
      tpu.vector_store %arg9[%swap3A_370], %gather3A_342 {strides = array<i32>} : memref<4096xf32, #tpu.memory_space<vmem>>, vector<16xf32>,
      %mul3A_372 = arith.constant 16 : i32
      %mul3A_373 = arith.muli %scan3A_182, %mul3A_372 : i32
      %add3A_374 = arith.constant 2 : i32
      %add3A_375 = arith.addi %mul3A_373, %add3A_374 : i32
      %mul3A_376 = arith.constant 16 : i32
      %mul3A_377 = arith.muli %add3A_375, %mul3A_376 : i32
      %swap3A_378 = arith.index_cast %mul3A_377 : i32 to index
      %swap3A_379 = tpu.vector_load %arg9[%swap3A_378] {strides = array<i32>} : memref<4096xf32, #tpu.memory_space<vmem>>, vector<16xf32>,
      tpu.vector_store %arg9[%swap3A_378], %gather3A_343 {strides = array<i32>} : memref<4096xf32, #tpu.memory_space<vmem>>, vector<16xf32>,
      %mul3A_380 = arith.constant 16 : i32
      %mul3A_381 = arith.muli %scan3A_182, %mul3A_380 : i32
      %add3A_382 = arith.constant 3 : i32
      %add3A_383 = arith.addi %mul3A_381, %add3A_382 : i32
      %mul3A_384 = arith.constant 16 : i32
      %mul3A_385 = arith.muli %add3A_383, %mul3A_384 : i32
      %swap3A_386 = arith.index_cast %mul3A_385 : i32 to index
      %swap3A_387 = tpu.vector_load %arg9[%swap3A_386] {strides = array<i32>} : memref<4096xf32, #tpu.memory_space<vmem>>, vector<16xf32>,
      tpu.vector_store %arg9[%swap3A_386], %gather3A_344 {strides = array<i32>} : memref<4096xf32, #tpu.memory_space<vmem>>, vector<16xf32>,
      %mul3A_388 = arith.constant 16 : i32
      %mul3A_389 = arith.muli %scan3A_182, %mul3A_388 : i32
      %add3A_390 = arith.constant 4 : i32
      %add3A_391 = arith.addi %mul3A_389, %add3A_390 : i32
      %mul3A_392 = arith.constant 16 : i32
      %mul3A_393 = arith.muli %add3A_391, %mul3A_392 : i32
      %swap3A_394 = arith.index_cast %mul3A_393 : i32 to index
      %swap3A_395 = tpu.vector_load %arg9[%swap3A_394] {strides = array<i32>} : memref<4096xf32, #tpu.memory_space<vmem>>, vector<16xf32>,
      tpu.vector_store %arg9[%swap3A_394], %gather3A_345 {strides = array<i32>} : memref<4096xf32, #tpu.memory_space<vmem>>, vector<16xf32>,
      %mul3A_396 = arith.constant 16 : i32
      %mul3A_397 = arith.muli %scan3A_182, %mul3A_396 : i32
      %add3A_398 = arith.constant 5 : i32
      %add3A_399 = arith.addi %mul3A_397, %add3A_398 : i32
      %mul3A_400 = arith.constant 16 : i32
      %mul3A_401 = arith.muli %add3A_399, %mul3A_400 : i32
      %swap3A_402 = arith.index_cast %mul3A_401 : i32 to index
      %swap3A_403 = tpu.vector_load %arg9[%swap3A_402] {strides = array<i32>} : memref<4096xf32, #tpu.memory_space<vmem>>, vector<16xf32>,
      tpu.vector_store %arg9[%swap3A_402], %gather3A_346 {strides = array<i32>} : memref<4096xf32, #tpu.memory_space<vmem>>, vector<16xf32>,
      %mul3A_404 = arith.constant 16 : i32
      %mul3A_405 = arith.muli %scan3A_182, %mul3A_404 : i32
      %add3A_406 = arith.constant 6 : i32
      %add3A_407 = arith.addi %mul3A_405, %add3A_406 : i32
      %mul3A_408 = arith.constant 16 : i32
      %mul3A_409 = arith.muli %add3A_407, %mul3A_408 : i32
      %swap3A_410 = arith.index_cast %mul3A_409 : i32 to index
      %swap3A_411 = tpu.vector_load %arg9[%swap3A_410] {strides = array<i32>} : memref<4096xf32, #tpu.memory_space<vmem>>, vector<16xf32>,
      tpu.vector_store %arg9[%swap3A_410], %gather3A_347 {strides = array<i32>} : memref<4096xf32, #tpu.memory_space<vmem>>, vector<16xf32>,
      %mul3A_412 = arith.constant 16 : i32
      %mul3A_413 = arith.muli %scan3A_182, %mul3A_412 : i32
      %add3A_414 = arith.constant 7 : i32
      %add3A_415 = arith.addi %mul3A_413, %add3A_414 : i32
      %mul3A_416 = arith.constant 16 : i32
      %mul3A_417 = arith.muli %add3A_415, %mul3A_416 : i32
      %swap3A_418 = arith.index_cast %mul3A_417 : i32 to index
      %swap3A_419 = tpu.vector_load %arg9[%swap3A_418] {strides = array<i32>} : memref<4096xf32, #tpu.memory_space<vmem>>, vector<16xf32>,
      tpu.vector_store %arg9[%swap3A_418], %gather3A_348 {strides = array<i32>} : memref<4096xf32, #tpu.memory_space<vmem>>, vector<16xf32>,
      %mul3A_420 = arith.constant 16 : i32
      %mul3A_421 = arith.muli %scan3A_182, %mul3A_420 : i32
      %add3A_422 = arith.constant 8 : i32
      %add3A_423 = arith.addi %mul3A_421, %add3A_422 : i32
      %mul3A_424 = arith.constant 16 : i32
      %mul3A_425 = arith.muli %add3A_423, %mul3A_424 : i32
      %swap3A_426 = arith.index_cast %mul3A_425 : i32 to index
      %swap3A_427 = tpu.vector_load %arg9[%swap3A_426] {strides = array<i32>} : memref<4096xf32, #tpu.memory_space<vmem>>, vector<16xf32>,
      tpu.vector_store %arg9[%swap3A_426], %gather3A_349 {strides = array<i32>} : memref<4096xf32, #tpu.memory_space<vmem>>, vector<16xf32>,
      %mul3A_428 = arith.constant 16 : i32
      %mul3A_429 = arith.muli %scan3A_182, %mul3A_428 : i32
      %add3A_430 = arith.constant 9 : i32
      %add3A_431 = arith.addi %mul3A_429, %add3A_430 : i32
      %mul3A_432 = arith.constant 16 : i32
      %mul3A_433 = arith.muli %add3A_431, %mul3A_432 : i32
      %swap3A_434 = arith.index_cast %mul3A_433 : i32 to index
      %swap3A_435 = tpu.vector_load %arg9[%swap3A_434] {strides = array<i32>} : memref<4096xf32, #tpu.memory_space<vmem>>, vector<16xf32>,
      tpu.vector_store %arg9[%swap3A_434], %gather3A_350 {strides = array<i32>} : memref<4096xf32, #tpu.memory_space<vmem>>, vector<16xf32>,
      %mul3A_436 = arith.constant 16 : i32
      %mul3A_437 = arith.muli %scan3A_182, %mul3A_436 : i32
      %add3A_438 = arith.constant 10 : i32
      %add3A_439 = arith.addi %mul3A_437, %add3A_438 : i32
      %mul3A_440 = arith.constant 16 : i32
      %mul3A_441 = arith.muli %add3A_439, %mul3A_440 : i32
      %swap3A_442 = arith.index_cast %mul3A_441 : i32 to index
      %swap3A_443 = tpu.vector_load %arg9[%swap3A_442] {strides = array<i32>} : memref<4096xf32, #tpu.memory_space<vmem>>, vector<16xf32>,
      tpu.vector_store %arg9[%swap3A_442], %gather3A_351 {strides = array<i32>} : memref<4096xf32, #tpu.memory_space<vmem>>, vector<16xf32>,
      %mul3A_444 = arith.constant 16 : i32
      %mul3A_445 = arith.muli %scan3A_182, %mul3A_444 : i32
      %add3A_446 = arith.constant 11 : i32
      %add3A_447 = arith.addi %mul3A_445, %add3A_446 : i32
      %mul3A_448 = arith.constant 16 : i32
      %mul3A_449 = arith.muli %add3A_447, %mul3A_448 : i32
      %swap3A_450 = arith.index_cast %mul3A_449 : i32 to index
      %swap3A_451 = tpu.vector_load %arg9[%swap3A_450] {strides = array<i32>} : memref<4096xf32, #tpu.memory_space<vmem>>, vector<16xf32>,
      tpu.vector_store %arg9[%swap3A_450], %gather3A_352 {strides = array<i32>} : memref<4096xf32, #tpu.memory_space<vmem>>, vector<16xf32>,
      %mul3A_452 = arith.constant 16 : i32
      %mul3A_453 = arith.muli %scan3A_182, %mul3A_452 : i32
      %add3A_454 = arith.constant 12 : i32
      %add3A_455 = arith.addi %mul3A_453, %add3A_454 : i32
      %mul3A_456 = arith.constant 16 : i32
      %mul3A_457 = arith.muli %add3A_455, %mul3A_456 : i32
      %swap3A_458 = arith.index_cast %mul3A_457 : i32 to index
      %swap3A_459 = tpu.vector_load %arg9[%swap3A_458] {strides = array<i32>} : memref<4096xf32, #tpu.memory_space<vmem>>, vector<16xf32>,
      tpu.vector_store %arg9[%swap3A_458], %gather3A_353 {strides = array<i32>} : memref<4096xf32, #tpu.memory_space<vmem>>, vector<16xf32>,
      %mul3A_460 = arith.constant 16 : i32
      %mul3A_461 = arith.muli %scan3A_182, %mul3A_460 : i32
      %add3A_462 = arith.constant 13 : i32
      %add3A_463 = arith.addi %mul3A_461, %add3A_462 : i32
      %mul3A_464 = arith.constant 16 : i32
      %mul3A_465 = arith.muli %add3A_463, %mul3A_464 : i32
      %swap3A_466 = arith.index_cast %mul3A_465 : i32 to index
      %swap3A_467 = tpu.vector_load %arg9[%swap3A_466] {strides = array<i32>} : memref<4096xf32, #tpu.memory_space<vmem>>, vector<16xf32>,
      tpu.vector_store %arg9[%swap3A_466], %gather3A_354 {strides = array<i32>} : memref<4096xf32, #tpu.memory_space<vmem>>, vector<16xf32>,
      %mul3A_468 = arith.constant 16 : i32
      %mul3A_469 = arith.muli %scan3A_182, %mul3A_468 : i32
      %add3A_470 = arith.constant 14 : i32
      %add3A_471 = arith.addi %mul3A_469, %add3A_470 : i32
      %mul3A_472 = arith.constant 16 : i32
      %mul3A_473 = arith.muli %add3A_471, %mul3A_472 : i32
      %swap3A_474 = arith.index_cast %mul3A_473 : i32 to index
      %swap3A_475 = tpu.vector_load %arg9[%swap3A_474] {strides = array<i32>} : memref<4096xf32, #tpu.memory_space<vmem>>, vector<16xf32>,
      tpu.vector_store %arg9[%swap3A_474], %gather3A_355 {strides = array<i32>} : memref<4096xf32, #tpu.memory_space<vmem>>, vector<16xf32>,
      %mul3A_476 = arith.constant 16 : i32
      %mul3A_477 = arith.muli %scan3A_182, %mul3A_476 : i32
      %add3A_478 = arith.constant 15 : i32
      %add3A_479 = arith.addi %mul3A_477, %add3A_478 : i32
      %mul3A_480 = arith.constant 16 : i32
      %mul3A_481 = arith.muli %add3A_479, %mul3A_480 : i32
      %swap3A_482 = arith.index_cast %mul3A_481 : i32 to index
      %swap3A_483 = tpu.vector_load %arg9[%swap3A_482] {strides = array<i32>} : memref<4096xf32, #tpu.memory_space<vmem>>, vector<16xf32>,
      tpu.vector_store %arg9[%swap3A_482], %gather3A_356 {strides = array<i32>} : memref<4096xf32, #tpu.memory_space<vmem>>, vector<16xf32>,
    }
    %scan3A_15 = arith.constant 16 : i32
    %add3A_16 = arith.constant 0 : i32
    %add3A_17 = arith.addi %add3A_16, %add3A : i32
    %dma_start3A_18 = arith.constant 0 : i32
    %dma_start3A_19 = tpu.memref_slice %arg6[%add3A_17, %dma_start3A_18] : memref<64x16384xf32, #tpu.memory_space<hbm>> -> memref<1x4096xf32, #tpu.memory_space<hbm>>
    %dma_start3A_20 = tpu.memref_squeeze %dma_start3A_19 : memref<1x4096xf32, #tpu.memory_space<hbm>> -> memref<4096xf32, #tpu.memory_space<hbm>>
    %dma_start3A_21 = arith.constant 0 : i32
    %dma_start3A_22 = tpu.memref_slice %arg6[%add3A_17, %dma_start3A_21] : memref<64x16384xf32, #tpu.memory_space<hbm>> -> memref<1x4096xf32, #tpu.memory_space<hbm>>
    %dma_start3A_23 = tpu.memref_squeeze %dma_start3A_22 : memref<1x4096xf32, #tpu.memory_space<hbm>> -> memref<4096xf32, #tpu.memory_space<hbm>>
    tpu.enqueue_dma source(%arg9 : memref<4096xf32, #tpu.memory_space<vmem>>) target(%dma_start3A_23 : memref<4096xf32, #tpu.memory_space<hbm>>) target_semaphore(%arg12 : memref<!tpu.dma_semaphore, #tpu.memory_space<semaphore_mem>>)
    %scan3A_24 = arith.constant 0 : i32
    %scan3A_25 = arith.constant 0 : i32
    %scan3A_26 = arith.constant 16 : i32
    %scan3A_27 = arith.addi %scan3A_25, %scan3A_26 : i32
    %scan3A_28 = arith.constant 1 : i32
    scf.for %scan3A_182 = %scan3A_25 to %scan3A_27 step %scan3A_28  : i32 {
      %mul3A_183 = arith.constant 16 : i32
      %mul3A_184 = arith.muli %scan3A_182, %mul3A_183 : i32
      %add3A_185 = arith.constant 0 : i32
      %add3A_186 = arith.addi %mul3A_184, %add3A_185 : i32
      %mul3A_187 = arith.constant 16 : i32
      %mul3A_188 = arith.muli %add3A_186, %mul3A_187 : i32
      %add3A_189 = arith.constant 4096 : i32
      %add3A_190 = arith.addi %add3A_189, %mul3A_188 : i32
      %get3A = arith.index_cast %add3A_190 : i32 to index
      %get3A_191 = tpu.vector_load %arg8[%get3A] {strides = array<i32>} : memref<16384xi32, #tpu.memory_space<vmem>>, vector<16xi32>,
      %mul3A_192 = arith.constant 16 : i32
      %mul3A_193 = arith.muli %scan3A_182, %mul3A_192 : i32
      %add3A_194 = arith.constant 1 : i32
      %add3A_195 = arith.addi %mul3A_193, %add3A_194 : i32
      %mul3A_196 = arith.constant 16 : i32
      %mul3A_197 = arith.muli %add3A_195, %mul3A_196 : i32
      %add3A_198 = arith.constant 4096 : i32
      %add3A_199 = arith.addi %add3A_198, %mul3A_197 : i32
      %get3A_200 = arith.index_cast %add3A_199 : i32 to index
      %get3A_201 = tpu.vector_load %arg8[%get3A_200] {strides = array<i32>} : memref<16384xi32, #tpu.memory_space<vmem>>, vector<16xi32>,
      %mul3A_202 = arith.constant 16 : i32
      %mul3A_203 = arith.muli %scan3A_182, %mul3A_202 : i32
      %add3A_204 = arith.constant 2 : i32
      %add3A_205 = arith.addi %mul3A_203, %add3A_204 : i32
      %mul3A_206 = arith.constant 16 : i32
      %mul3A_207 = arith.muli %add3A_205, %mul3A_206 : i32
      %add3A_208 = arith.constant 4096 : i32
      %add3A_209 = arith.addi %add3A_208, %mul3A_207 : i32
      %get3A_210 = arith.index_cast %add3A_209 : i32 to index
      %get3A_211 = tpu.vector_load %arg8[%get3A_210] {strides = array<i32>} : memref<16384xi32, #tpu.memory_space<vmem>>, vector<16xi32>,
      %mul3A_212 = arith.constant 16 : i32
      %mul3A_213 = arith.muli %scan3A_182, %mul3A_212 : i32
      %add3A_214 = arith.constant 3 : i32
      %add3A_215 = arith.addi %mul3A_213, %add3A_214 : i32
      %mul3A_216 = arith.constant 16 : i32
      %mul3A_217 = arith.muli %add3A_215, %mul3A_216 : i32
      %add3A_218 = arith.constant 4096 : i32
      %add3A_219 = arith.addi %add3A_218, %mul3A_217 : i32
      %get3A_220 = arith.index_cast %add3A_219 : i32 to index
      %get3A_221 = tpu.vector_load %arg8[%get3A_220] {strides = array<i32>} : memref<16384xi32, #tpu.memory_space<vmem>>, vector<16xi32>,
      %mul3A_222 = arith.constant 16 : i32
      %mul3A_223 = arith.muli %scan3A_182, %mul3A_222 : i32
      %add3A_224 = arith.constant 4 : i32
      %add3A_225 = arith.addi %mul3A_223, %add3A_224 : i32
      %mul3A_226 = arith.constant 16 : i32
      %mul3A_227 = arith.muli %add3A_225, %mul3A_226 : i32
      %add3A_228 = arith.constant 4096 : i32
      %add3A_229 = arith.addi %add3A_228, %mul3A_227 : i32
      %get3A_230 = arith.index_cast %add3A_229 : i32 to index
      %get3A_231 = tpu.vector_load %arg8[%get3A_230] {strides = array<i32>} : memref<16384xi32, #tpu.memory_space<vmem>>, vector<16xi32>,
      %mul3A_232 = arith.constant 16 : i32
      %mul3A_233 = arith.muli %scan3A_182, %mul3A_232 : i32
      %add3A_234 = arith.constant 5 : i32
      %add3A_235 = arith.addi %mul3A_233, %add3A_234 : i32
      %mul3A_236 = arith.constant 16 : i32
      %mul3A_237 = arith.muli %add3A_235, %mul3A_236 : i32
      %add3A_238 = arith.constant 4096 : i32
      %add3A_239 = arith.addi %add3A_238, %mul3A_237 : i32
      %get3A_240 = arith.index_cast %add3A_239 : i32 to index
      %get3A_241 = tpu.vector_load %arg8[%get3A_240] {strides = array<i32>} : memref<16384xi32, #tpu.memory_space<vmem>>, vector<16xi32>,
      %mul3A_242 = arith.constant 16 : i32
      %mul3A_243 = arith.muli %scan3A_182, %mul3A_242 : i32
      %add3A_244 = arith.constant 6 : i32
      %add3A_245 = arith.addi %mul3A_243, %add3A_244 : i32
      %mul3A_246 = arith.constant 16 : i32
      %mul3A_247 = arith.muli %add3A_245, %mul3A_246 : i32
      %add3A_248 = arith.constant 4096 : i32
      %add3A_249 = arith.addi %add3A_248, %mul3A_247 : i32
      %get3A_250 = arith.index_cast %add3A_249 : i32 to index
      %get3A_251 = tpu.vector_load %arg8[%get3A_250] {strides = array<i32>} : memref<16384xi32, #tpu.memory_space<vmem>>, vector<16xi32>,
      %mul3A_252 = arith.constant 16 : i32
      %mul3A_253 = arith.muli %scan3A_182, %mul3A_252 : i32
      %add3A_254 = arith.constant 7 : i32
      %add3A_255 = arith.addi %mul3A_253, %add3A_254 : i32
      %mul3A_256 = arith.constant 16 : i32
      %mul3A_257 = arith.muli %add3A_255, %mul3A_256 : i32
      %add3A_258 = arith.constant 4096 : i32
      %add3A_259 = arith.addi %add3A_258, %mul3A_257 : i32
      %get3A_260 = arith.index_cast %add3A_259 : i32 to index
      %get3A_261 = tpu.vector_load %arg8[%get3A_260] {strides = array<i32>} : memref<16384xi32, #tpu.memory_space<vmem>>, vector<16xi32>,
      %mul3A_262 = arith.constant 16 : i32
      %mul3A_263 = arith.muli %scan3A_182, %mul3A_262 : i32
      %add3A_264 = arith.constant 8 : i32
      %add3A_265 = arith.addi %mul3A_263, %add3A_264 : i32
      %mul3A_266 = arith.constant 16 : i32
      %mul3A_267 = arith.muli %add3A_265, %mul3A_266 : i32
      %add3A_268 = arith.constant 4096 : i32
      %add3A_269 = arith.addi %add3A_268, %mul3A_267 : i32
      %get3A_270 = arith.index_cast %add3A_269 : i32 to index
      %get3A_271 = tpu.vector_load %arg8[%get3A_270] {strides = array<i32>} : memref<16384xi32, #tpu.memory_space<vmem>>, vector<16xi32>,
      %mul3A_272 = arith.constant 16 : i32
      %mul3A_273 = arith.muli %scan3A_182, %mul3A_272 : i32
      %add3A_274 = arith.constant 9 : i32
      %add3A_275 = arith.addi %mul3A_273, %add3A_274 : i32
      %mul3A_276 = arith.constant 16 : i32
      %mul3A_277 = arith.muli %add3A_275, %mul3A_276 : i32
      %add3A_278 = arith.constant 4096 : i32
      %add3A_279 = arith.addi %add3A_278, %mul3A_277 : i32
      %get3A_280 = arith.index_cast %add3A_279 : i32 to index
      %get3A_281 = tpu.vector_load %arg8[%get3A_280] {strides = array<i32>} : memref<16384xi32, #tpu.memory_space<vmem>>, vector<16xi32>,
      %mul3A_282 = arith.constant 16 : i32
      %mul3A_283 = arith.muli %scan3A_182, %mul3A_282 : i32
      %add3A_284 = arith.constant 10 : i32
      %add3A_285 = arith.addi %mul3A_283, %add3A_284 : i32
      %mul3A_286 = arith.constant 16 : i32
      %mul3A_287 = arith.muli %add3A_285, %mul3A_286 : i32
      %add3A_288 = arith.constant 4096 : i32
      %add3A_289 = arith.addi %add3A_288, %mul3A_287 : i32
      %get3A_290 = arith.index_cast %add3A_289 : i32 to index
      %get3A_291 = tpu.vector_load %arg8[%get3A_290] {strides = array<i32>} : memref<16384xi32, #tpu.memory_space<vmem>>, vector<16xi32>,
      %mul3A_292 = arith.constant 16 : i32
      %mul3A_293 = arith.muli %scan3A_182, %mul3A_292 : i32
      %add3A_294 = arith.constant 11 : i32
      %add3A_295 = arith.addi %mul3A_293, %add3A_294 : i32
      %mul3A_296 = arith.constant 16 : i32
      %mul3A_297 = arith.muli %add3A_295, %mul3A_296 : i32
      %add3A_298 = arith.constant 4096 : i32
      %add3A_299 = arith.addi %add3A_298, %mul3A_297 : i32
      %get3A_300 = arith.index_cast %add3A_299 : i32 to index
      %get3A_301 = tpu.vector_load %arg8[%get3A_300] {strides = array<i32>} : memref<16384xi32, #tpu.memory_space<vmem>>, vector<16xi32>,
      %mul3A_302 = arith.constant 16 : i32
      %mul3A_303 = arith.muli %scan3A_182, %mul3A_302 : i32
      %add3A_304 = arith.constant 12 : i32
      %add3A_305 = arith.addi %mul3A_303, %add3A_304 : i32
      %mul3A_306 = arith.constant 16 : i32
      %mul3A_307 = arith.muli %add3A_305, %mul3A_306 : i32
      %add3A_308 = arith.constant 4096 : i32
      %add3A_309 = arith.addi %add3A_308, %mul3A_307 : i32
      %get3A_310 = arith.index_cast %add3A_309 : i32 to index
      %get3A_311 = tpu.vector_load %arg8[%get3A_310] {strides = array<i32>} : memref<16384xi32, #tpu.memory_space<vmem>>, vector<16xi32>,
      %mul3A_312 = arith.constant 16 : i32
      %mul3A_313 = arith.muli %scan3A_182, %mul3A_312 : i32
      %add3A_314 = arith.constant 13 : i32
      %add3A_315 = arith.addi %mul3A_313, %add3A_314 : i32
      %mul3A_316 = arith.constant 16 : i32
      %mul3A_317 = arith.muli %add3A_315, %mul3A_316 : i32
      %add3A_318 = arith.constant 4096 : i32
      %add3A_319 = arith.addi %add3A_318, %mul3A_317 : i32
      %get3A_320 = arith.index_cast %add3A_319 : i32 to index
      %get3A_321 = tpu.vector_load %arg8[%get3A_320] {strides = array<i32>} : memref<16384xi32, #tpu.memory_space<vmem>>, vector<16xi32>,
      %mul3A_322 = arith.constant 16 : i32
      %mul3A_323 = arith.muli %scan3A_182, %mul3A_322 : i32
      %add3A_324 = arith.constant 14 : i32
      %add3A_325 = arith.addi %mul3A_323, %add3A_324 : i32
      %mul3A_326 = arith.constant 16 : i32
      %mul3A_327 = arith.muli %add3A_325, %mul3A_326 : i32
      %add3A_328 = arith.constant 4096 : i32
      %add3A_329 = arith.addi %add3A_328, %mul3A_327 : i32
      %get3A_330 = arith.index_cast %add3A_329 : i32 to index
      %get3A_331 = tpu.vector_load %arg8[%get3A_330] {strides = array<i32>} : memref<16384xi32, #tpu.memory_space<vmem>>, vector<16xi32>,
      %mul3A_332 = arith.constant 16 : i32
      %mul3A_333 = arith.muli %scan3A_182, %mul3A_332 : i32
      %add3A_334 = arith.constant 15 : i32
      %add3A_335 = arith.addi %mul3A_333, %add3A_334 : i32
      %mul3A_336 = arith.constant 16 : i32
      %mul3A_337 = arith.muli %add3A_335, %mul3A_336 : i32
      %add3A_338 = arith.constant 4096 : i32
      %add3A_339 = arith.addi %add3A_338, %mul3A_337 : i32
      %get3A_340 = arith.index_cast %add3A_339 : i32 to index
      %get3A_341 = tpu.vector_load %arg8[%get3A_340] {strides = array<i32>} : memref<16384xi32, #tpu.memory_space<vmem>>, vector<16xi32>,
      %gather3A = tpu.vector_load_idx %arg7[%get3A_191] : memref<100000xf32, #tpu.memory_space<vmem>>[vector<16xi32>], vector<16xf32>,
      %gather3A_342 = tpu.vector_load_idx %arg7[%get3A_201] : memref<100000xf32, #tpu.memory_space<vmem>>[vector<16xi32>], vector<16xf32>,
      %gather3A_343 = tpu.vector_load_idx %arg7[%get3A_211] : memref<100000xf32, #tpu.memory_space<vmem>>[vector<16xi32>], vector<16xf32>,
      %gather3A_344 = tpu.vector_load_idx %arg7[%get3A_221] : memref<100000xf32, #tpu.memory_space<vmem>>[vector<16xi32>], vector<16xf32>,
      %gather3A_345 = tpu.vector_load_idx %arg7[%get3A_231] : memref<100000xf32, #tpu.memory_space<vmem>>[vector<16xi32>], vector<16xf32>,
      %gather3A_346 = tpu.vector_load_idx %arg7[%get3A_241] : memref<100000xf32, #tpu.memory_space<vmem>>[vector<16xi32>], vector<16xf32>,
      %gather3A_347 = tpu.vector_load_idx %arg7[%get3A_251] : memref<100000xf32, #tpu.memory_space<vmem>>[vector<16xi32>], vector<16xf32>,
      %gather3A_348 = tpu.vector_load_idx %arg7[%get3A_261] : memref<100000xf32, #tpu.memory_space<vmem>>[vector<16xi32>], vector<16xf32>,
      %gather3A_349 = tpu.vector_load_idx %arg7[%get3A_271] : memref<100000xf32, #tpu.memory_space<vmem>>[vector<16xi32>], vector<16xf32>,
      %gather3A_350 = tpu.vector_load_idx %arg7[%get3A_281] : memref<100000xf32, #tpu.memory_space<vmem>>[vector<16xi32>], vector<16xf32>,
      %gather3A_351 = tpu.vector_load_idx %arg7[%get3A_291] : memref<100000xf32, #tpu.memory_space<vmem>>[vector<16xi32>], vector<16xf32>,
      %gather3A_352 = tpu.vector_load_idx %arg7[%get3A_301] : memref<100000xf32, #tpu.memory_space<vmem>>[vector<16xi32>], vector<16xf32>,
      %gather3A_353 = tpu.vector_load_idx %arg7[%get3A_311] : memref<100000xf32, #tpu.memory_space<vmem>>[vector<16xi32>], vector<16xf32>,
      %gather3A_354 = tpu.vector_load_idx %arg7[%get3A_321] : memref<100000xf32, #tpu.memory_space<vmem>>[vector<16xi32>], vector<16xf32>,
      %gather3A_355 = tpu.vector_load_idx %arg7[%get3A_331] : memref<100000xf32, #tpu.memory_space<vmem>>[vector<16xi32>], vector<16xf32>,
      %gather3A_356 = tpu.vector_load_idx %arg7[%get3A_341] : memref<100000xf32, #tpu.memory_space<vmem>>[vector<16xi32>], vector<16xf32>,
      %mul3A_357 = arith.constant 16 : i32
      %mul3A_358 = arith.muli %scan3A_182, %mul3A_357 : i32
      %add3A_359 = arith.constant 0 : i32
      %add3A_360 = arith.addi %mul3A_358, %add3A_359 : i32
      %mul3A_361 = arith.constant 16 : i32
      %mul3A_362 = arith.muli %add3A_360, %mul3A_361 : i32
      %swap3A = arith.index_cast %mul3A_362 : i32 to index
      %swap3A_363 = tpu.vector_load %arg10[%swap3A] {strides = array<i32>} : memref<4096xf32, #tpu.memory_space<vmem>>, vector<16xf32>,
      tpu.vector_store %arg10[%swap3A], %gather3A {strides = array<i32>} : memref<4096xf32, #tpu.memory_space<vmem>>, vector<16xf32>,
      %mul3A_364 = arith.constant 16 : i32
      %mul3A_365 = arith.muli %scan3A_182, %mul3A_364 : i32
      %add3A_366 = arith.constant 1 : i32
      %add3A_367 = arith.addi %mul3A_365, %add3A_366 : i32
      %mul3A_368 = arith.constant 16 : i32
      %mul3A_369 = arith.muli %add3A_367, %mul3A_368 : i32
      %swap3A_370 = arith.index_cast %mul3A_369 : i32 to index
      %swap3A_371 = tpu.vector_load %arg10[%swap3A_370] {strides = array<i32>} : memref<4096xf32, #tpu.memory_space<vmem>>, vector<16xf32>,
      tpu.vector_store %arg10[%swap3A_370], %gather3A_342 {strides = array<i32>} : memref<4096xf32, #tpu.memory_space<vmem>>, vector<16xf32>,
      %mul3A_372 = arith.constant 16 : i32
      %mul3A_373 = arith.muli %scan3A_182, %mul3A_372 : i32
      %add3A_374 = arith.constant 2 : i32
      %add3A_375 = arith.addi %mul3A_373, %add3A_374 : i32
      %mul3A_376 = arith.constant 16 : i32
      %mul3A_377 = arith.muli %add3A_375, %mul3A_376 : i32
      %swap3A_378 = arith.index_cast %mul3A_377 : i32 to index
      %swap3A_379 = tpu.vector_load %arg10[%swap3A_378] {strides = array<i32>} : memref<4096xf32, #tpu.memory_space<vmem>>, vector<16xf32>,
      tpu.vector_store %arg10[%swap3A_378], %gather3A_343 {strides = array<i32>} : memref<4096xf32, #tpu.memory_space<vmem>>, vector<16xf32>,
      %mul3A_380 = arith.constant 16 : i32
      %mul3A_381 = arith.muli %scan3A_182, %mul3A_380 : i32
      %add3A_382 = arith.constant 3 : i32
      %add3A_383 = arith.addi %mul3A_381, %add3A_382 : i32
      %mul3A_384 = arith.constant 16 : i32
      %mul3A_385 = arith.muli %add3A_383, %mul3A_384 : i32
      %swap3A_386 = arith.index_cast %mul3A_385 : i32 to index
      %swap3A_387 = tpu.vector_load %arg10[%swap3A_386] {strides = array<i32>} : memref<4096xf32, #tpu.memory_space<vmem>>, vector<16xf32>,
      tpu.vector_store %arg10[%swap3A_386], %gather3A_344 {strides = array<i32>} : memref<4096xf32, #tpu.memory_space<vmem>>, vector<16xf32>,
      %mul3A_388 = arith.constant 16 : i32
      %mul3A_389 = arith.muli %scan3A_182, %mul3A_388 : i32
      %add3A_390 = arith.constant 4 : i32
      %add3A_391 = arith.addi %mul3A_389, %add3A_390 : i32
      %mul3A_392 = arith.constant 16 : i32
      %mul3A_393 = arith.muli %add3A_391, %mul3A_392 : i32
      %swap3A_394 = arith.index_cast %mul3A_393 : i32 to index
      %swap3A_395 = tpu.vector_load %arg10[%swap3A_394] {strides = array<i32>} : memref<4096xf32, #tpu.memory_space<vmem>>, vector<16xf32>,
      tpu.vector_store %arg10[%swap3A_394], %gather3A_345 {strides = array<i32>} : memref<4096xf32, #tpu.memory_space<vmem>>, vector<16xf32>,
      %mul3A_396 = arith.constant 16 : i32
      %mul3A_397 = arith.muli %scan3A_182, %mul3A_396 : i32
      %add3A_398 = arith.constant 5 : i32
      %add3A_399 = arith.addi %mul3A_397, %add3A_398 : i32
      %mul3A_400 = arith.constant 16 : i32
      %mul3A_401 = arith.muli %add3A_399, %mul3A_400 : i32
      %swap3A_402 = arith.index_cast %mul3A_401 : i32 to index
      %swap3A_403 = tpu.vector_load %arg10[%swap3A_402] {strides = array<i32>} : memref<4096xf32, #tpu.memory_space<vmem>>, vector<16xf32>,
      tpu.vector_store %arg10[%swap3A_402], %gather3A_346 {strides = array<i32>} : memref<4096xf32, #tpu.memory_space<vmem>>, vector<16xf32>,
      %mul3A_404 = arith.constant 16 : i32
      %mul3A_405 = arith.muli %scan3A_182, %mul3A_404 : i32
      %add3A_406 = arith.constant 6 : i32
      %add3A_407 = arith.addi %mul3A_405, %add3A_406 : i32
      %mul3A_408 = arith.constant 16 : i32
      %mul3A_409 = arith.muli %add3A_407, %mul3A_408 : i32
      %swap3A_410 = arith.index_cast %mul3A_409 : i32 to index
      %swap3A_411 = tpu.vector_load %arg10[%swap3A_410] {strides = array<i32>} : memref<4096xf32, #tpu.memory_space<vmem>>, vector<16xf32>,
      tpu.vector_store %arg10[%swap3A_410], %gather3A_347 {strides = array<i32>} : memref<4096xf32, #tpu.memory_space<vmem>>, vector<16xf32>,
      %mul3A_412 = arith.constant 16 : i32
      %mul3A_413 = arith.muli %scan3A_182, %mul3A_412 : i32
      %add3A_414 = arith.constant 7 : i32
      %add3A_415 = arith.addi %mul3A_413, %add3A_414 : i32
      %mul3A_416 = arith.constant 16 : i32
      %mul3A_417 = arith.muli %add3A_415, %mul3A_416 : i32
      %swap3A_418 = arith.index_cast %mul3A_417 : i32 to index
      %swap3A_419 = tpu.vector_load %arg10[%swap3A_418] {strides = array<i32>} : memref<4096xf32, #tpu.memory_space<vmem>>, vector<16xf32>,
      tpu.vector_store %arg10[%swap3A_418], %gather3A_348 {strides = array<i32>} : memref<4096xf32, #tpu.memory_space<vmem>>, vector<16xf32>,
      %mul3A_420 = arith.constant 16 : i32
      %mul3A_421 = arith.muli %scan3A_182, %mul3A_420 : i32
      %add3A_422 = arith.constant 8 : i32
      %add3A_423 = arith.addi %mul3A_421, %add3A_422 : i32
      %mul3A_424 = arith.constant 16 : i32
      %mul3A_425 = arith.muli %add3A_423, %mul3A_424 : i32
      %swap3A_426 = arith.index_cast %mul3A_425 : i32 to index
      %swap3A_427 = tpu.vector_load %arg10[%swap3A_426] {strides = array<i32>} : memref<4096xf32, #tpu.memory_space<vmem>>, vector<16xf32>,
      tpu.vector_store %arg10[%swap3A_426], %gather3A_349 {strides = array<i32>} : memref<4096xf32, #tpu.memory_space<vmem>>, vector<16xf32>,
      %mul3A_428 = arith.constant 16 : i32
      %mul3A_429 = arith.muli %scan3A_182, %mul3A_428 : i32
      %add3A_430 = arith.constant 9 : i32
      %add3A_431 = arith.addi %mul3A_429, %add3A_430 : i32
      %mul3A_432 = arith.constant 16 : i32
      %mul3A_433 = arith.muli %add3A_431, %mul3A_432 : i32
      %swap3A_434 = arith.index_cast %mul3A_433 : i32 to index
      %swap3A_435 = tpu.vector_load %arg10[%swap3A_434] {strides = array<i32>} : memref<4096xf32, #tpu.memory_space<vmem>>, vector<16xf32>,
      tpu.vector_store %arg10[%swap3A_434], %gather3A_350 {strides = array<i32>} : memref<4096xf32, #tpu.memory_space<vmem>>, vector<16xf32>,
      %mul3A_436 = arith.constant 16 : i32
      %mul3A_437 = arith.muli %scan3A_182, %mul3A_436 : i32
      %add3A_438 = arith.constant 10 : i32
      %add3A_439 = arith.addi %mul3A_437, %add3A_438 : i32
      %mul3A_440 = arith.constant 16 : i32
      %mul3A_441 = arith.muli %add3A_439, %mul3A_440 : i32
      %swap3A_442 = arith.index_cast %mul3A_441 : i32 to index
      %swap3A_443 = tpu.vector_load %arg10[%swap3A_442] {strides = array<i32>} : memref<4096xf32, #tpu.memory_space<vmem>>, vector<16xf32>,
      tpu.vector_store %arg10[%swap3A_442], %gather3A_351 {strides = array<i32>} : memref<4096xf32, #tpu.memory_space<vmem>>, vector<16xf32>,
      %mul3A_444 = arith.constant 16 : i32
      %mul3A_445 = arith.muli %scan3A_182, %mul3A_444 : i32
      %add3A_446 = arith.constant 11 : i32
      %add3A_447 = arith.addi %mul3A_445, %add3A_446 : i32
      %mul3A_448 = arith.constant 16 : i32
      %mul3A_449 = arith.muli %add3A_447, %mul3A_448 : i32
      %swap3A_450 = arith.index_cast %mul3A_449 : i32 to index
      %swap3A_451 = tpu.vector_load %arg10[%swap3A_450] {strides = array<i32>} : memref<4096xf32, #tpu.memory_space<vmem>>, vector<16xf32>,
      tpu.vector_store %arg10[%swap3A_450], %gather3A_352 {strides = array<i32>} : memref<4096xf32, #tpu.memory_space<vmem>>, vector<16xf32>,
      %mul3A_452 = arith.constant 16 : i32
      %mul3A_453 = arith.muli %scan3A_182, %mul3A_452 : i32
      %add3A_454 = arith.constant 12 : i32
      %add3A_455 = arith.addi %mul3A_453, %add3A_454 : i32
      %mul3A_456 = arith.constant 16 : i32
      %mul3A_457 = arith.muli %add3A_455, %mul3A_456 : i32
      %swap3A_458 = arith.index_cast %mul3A_457 : i32 to index
      %swap3A_459 = tpu.vector_load %arg10[%swap3A_458] {strides = array<i32>} : memref<4096xf32, #tpu.memory_space<vmem>>, vector<16xf32>,
      tpu.vector_store %arg10[%swap3A_458], %gather3A_353 {strides = array<i32>} : memref<4096xf32, #tpu.memory_space<vmem>>, vector<16xf32>,
      %mul3A_460 = arith.constant 16 : i32
      %mul3A_461 = arith.muli %scan3A_182, %mul3A_460 : i32
      %add3A_462 = arith.constant 13 : i32
      %add3A_463 = arith.addi %mul3A_461, %add3A_462 : i32
      %mul3A_464 = arith.constant 16 : i32
      %mul3A_465 = arith.muli %add3A_463, %mul3A_464 : i32
      %swap3A_466 = arith.index_cast %mul3A_465 : i32 to index
      %swap3A_467 = tpu.vector_load %arg10[%swap3A_466] {strides = array<i32>} : memref<4096xf32, #tpu.memory_space<vmem>>, vector<16xf32>,
      tpu.vector_store %arg10[%swap3A_466], %gather3A_354 {strides = array<i32>} : memref<4096xf32, #tpu.memory_space<vmem>>, vector<16xf32>,
      %mul3A_468 = arith.constant 16 : i32
      %mul3A_469 = arith.muli %scan3A_182, %mul3A_468 : i32
      %add3A_470 = arith.constant 14 : i32
      %add3A_471 = arith.addi %mul3A_469, %add3A_470 : i32
      %mul3A_472 = arith.constant 16 : i32
      %mul3A_473 = arith.muli %add3A_471, %mul3A_472 : i32
      %swap3A_474 = arith.index_cast %mul3A_473 : i32 to index
      %swap3A_475 = tpu.vector_load %arg10[%swap3A_474] {strides = array<i32>} : memref<4096xf32, #tpu.memory_space<vmem>>, vector<16xf32>,
      tpu.vector_store %arg10[%swap3A_474], %gather3A_355 {strides = array<i32>} : memref<4096xf32, #tpu.memory_space<vmem>>, vector<16xf32>,
      %mul3A_476 = arith.constant 16 : i32
      %mul3A_477 = arith.muli %scan3A_182, %mul3A_476 : i32
      %add3A_478 = arith.constant 15 : i32
      %add3A_479 = arith.addi %mul3A_477, %add3A_478 : i32
      %mul3A_480 = arith.constant 16 : i32
      %mul3A_481 = arith.muli %add3A_479, %mul3A_480 : i32
      %swap3A_482 = arith.index_cast %mul3A_481 : i32 to index
      %swap3A_483 = tpu.vector_load %arg10[%swap3A_482] {strides = array<i32>} : memref<4096xf32, #tpu.memory_space<vmem>>, vector<16xf32>,
      tpu.vector_store %arg10[%swap3A_482], %gather3A_356 {strides = array<i32>} : memref<4096xf32, #tpu.memory_space<vmem>>, vector<16xf32>,
    }
    %scan3A_29 = arith.constant 16 : i32
    %add3A_30 = arith.constant 0 : i32
    %add3A_31 = arith.addi %add3A_30, %add3A : i32
    %dma_start3A_32 = arith.constant 4096 : i32
    %dma_start3A_33 = tpu.memref_slice %arg6[%add3A_31, %dma_start3A_32] : memref<64x16384xf32, #tpu.memory_space<hbm>> -> memref<1x4096xf32, #tpu.memory_space<hbm>>
    %dma_start3A_34 = tpu.memref_squeeze %dma_start3A_33 : memref<1x4096xf32, #tpu.memory_space<hbm>> -> memref<4096xf32, #tpu.memory_space<hbm>>
    %dma_start3A_35 = arith.constant 4096 : i32
    %dma_start3A_36 = tpu.memref_slice %arg6[%add3A_31, %dma_start3A_35] : memref<64x16384xf32, #tpu.memory_space<hbm>> -> memref<1x4096xf32, #tpu.memory_space<hbm>>
    %dma_start3A_37 = tpu.memref_squeeze %dma_start3A_36 : memref<1x4096xf32, #tpu.memory_space<hbm>> -> memref<4096xf32, #tpu.memory_space<hbm>>
    tpu.enqueue_dma source(%arg10 : memref<4096xf32, #tpu.memory_space<vmem>>) target(%dma_start3A_37 : memref<4096xf32, #tpu.memory_space<hbm>>) target_semaphore(%arg13 : memref<!tpu.dma_semaphore, #tpu.memory_space<semaphore_mem>>)
    %dma_wait3A_38 = arith.constant 0 : i32
    %dma_wait3A_39 = tpu.memref_slice %arg6[%add3A_17, %dma_wait3A_38] : memref<64x16384xf32, #tpu.memory_space<hbm>> -> memref<1x4096xf32, #tpu.memory_space<hbm>>
    %dma_wait3A_40 = tpu.memref_squeeze %dma_wait3A_39 : memref<1x4096xf32, #tpu.memory_space<hbm>> -> memref<4096xf32, #tpu.memory_space<hbm>>
    %dma_wait3A_41 = arith.constant 0 : i32
    %dma_wait3A_42 = tpu.memref_slice %arg6[%add3A_17, %dma_wait3A_41] : memref<64x16384xf32, #tpu.memory_space<hbm>> -> memref<1x4096xf32, #tpu.memory_space<hbm>>
    %dma_wait3A_43 = tpu.memref_squeeze %dma_wait3A_42 : memref<1x4096xf32, #tpu.memory_space<hbm>> -> memref<4096xf32, #tpu.memory_space<hbm>>
    tpu.wait_dma2 semaphore(%arg12 : memref<!tpu.dma_semaphore, #tpu.memory_space<semaphore_mem>>) src(%arg9 : memref<4096xf32, #tpu.memory_space<vmem>>) dst(%dma_wait3A_43 : memref<4096xf32, #tpu.memory_space<hbm>>)
    %scan3A_44 = arith.constant 0 : i32
    %scan3A_45 = arith.constant 0 : i32
    %scan3A_46 = arith.constant 16 : i32
    %scan3A_47 = arith.addi %scan3A_45, %scan3A_46 : i32
    %scan3A_48 = arith.constant 1 : i32
    scf.for %scan3A_182 = %scan3A_45 to %scan3A_47 step %scan3A_48  : i32 {
      %mul3A_183 = arith.constant 16 : i32
      %mul3A_184 = arith.muli %scan3A_182, %mul3A_183 : i32
      %add3A_185 = arith.constant 0 : i32
      %add3A_186 = arith.addi %mul3A_184, %add3A_185 : i32
      %mul3A_187 = arith.constant 16 : i32
      %mul3A_188 = arith.muli %add3A_186, %mul3A_187 : i32
      %add3A_189 = arith.constant 8192 : i32
      %add3A_190 = arith.addi %add3A_189, %mul3A_188 : i32
      %get3A = arith.index_cast %add3A_190 : i32 to index
      %get3A_191 = tpu.vector_load %arg8[%get3A] {strides = array<i32>} : memref<16384xi32, #tpu.memory_space<vmem>>, vector<16xi32>,
      %mul3A_192 = arith.constant 16 : i32
      %mul3A_193 = arith.muli %scan3A_182, %mul3A_192 : i32
      %add3A_194 = arith.constant 1 : i32
      %add3A_195 = arith.addi %mul3A_193, %add3A_194 : i32
      %mul3A_196 = arith.constant 16 : i32
      %mul3A_197 = arith.muli %add3A_195, %mul3A_196 : i32
      %add3A_198 = arith.constant 8192 : i32
      %add3A_199 = arith.addi %add3A_198, %mul3A_197 : i32
      %get3A_200 = arith.index_cast %add3A_199 : i32 to index
      %get3A_201 = tpu.vector_load %arg8[%get3A_200] {strides = array<i32>} : memref<16384xi32, #tpu.memory_space<vmem>>, vector<16xi32>,
      %mul3A_202 = arith.constant 16 : i32
      %mul3A_203 = arith.muli %scan3A_182, %mul3A_202 : i32
      %add3A_204 = arith.constant 2 : i32
      %add3A_205 = arith.addi %mul3A_203, %add3A_204 : i32
      %mul3A_206 = arith.constant 16 : i32
      %mul3A_207 = arith.muli %add3A_205, %mul3A_206 : i32
      %add3A_208 = arith.constant 8192 : i32
      %add3A_209 = arith.addi %add3A_208, %mul3A_207 : i32
      %get3A_210 = arith.index_cast %add3A_209 : i32 to index
      %get3A_211 = tpu.vector_load %arg8[%get3A_210] {strides = array<i32>} : memref<16384xi32, #tpu.memory_space<vmem>>, vector<16xi32>,
      %mul3A_212 = arith.constant 16 : i32
      %mul3A_213 = arith.muli %scan3A_182, %mul3A_212 : i32
      %add3A_214 = arith.constant 3 : i32
      %add3A_215 = arith.addi %mul3A_213, %add3A_214 : i32
      %mul3A_216 = arith.constant 16 : i32
      %mul3A_217 = arith.muli %add3A_215, %mul3A_216 : i32
      %add3A_218 = arith.constant 8192 : i32
      %add3A_219 = arith.addi %add3A_218, %mul3A_217 : i32
      %get3A_220 = arith.index_cast %add3A_219 : i32 to index
      %get3A_221 = tpu.vector_load %arg8[%get3A_220] {strides = array<i32>} : memref<16384xi32, #tpu.memory_space<vmem>>, vector<16xi32>,
      %mul3A_222 = arith.constant 16 : i32
      %mul3A_223 = arith.muli %scan3A_182, %mul3A_222 : i32
      %add3A_224 = arith.constant 4 : i32
      %add3A_225 = arith.addi %mul3A_223, %add3A_224 : i32
      %mul3A_226 = arith.constant 16 : i32
      %mul3A_227 = arith.muli %add3A_225, %mul3A_226 : i32
      %add3A_228 = arith.constant 8192 : i32
      %add3A_229 = arith.addi %add3A_228, %mul3A_227 : i32
      %get3A_230 = arith.index_cast %add3A_229 : i32 to index
      %get3A_231 = tpu.vector_load %arg8[%get3A_230] {strides = array<i32>} : memref<16384xi32, #tpu.memory_space<vmem>>, vector<16xi32>,
      %mul3A_232 = arith.constant 16 : i32
      %mul3A_233 = arith.muli %scan3A_182, %mul3A_232 : i32
      %add3A_234 = arith.constant 5 : i32
      %add3A_235 = arith.addi %mul3A_233, %add3A_234 : i32
      %mul3A_236 = arith.constant 16 : i32
      %mul3A_237 = arith.muli %add3A_235, %mul3A_236 : i32
      %add3A_238 = arith.constant 8192 : i32
      %add3A_239 = arith.addi %add3A_238, %mul3A_237 : i32
      %get3A_240 = arith.index_cast %add3A_239 : i32 to index
      %get3A_241 = tpu.vector_load %arg8[%get3A_240] {strides = array<i32>} : memref<16384xi32, #tpu.memory_space<vmem>>, vector<16xi32>,
      %mul3A_242 = arith.constant 16 : i32
      %mul3A_243 = arith.muli %scan3A_182, %mul3A_242 : i32
      %add3A_244 = arith.constant 6 : i32
      %add3A_245 = arith.addi %mul3A_243, %add3A_244 : i32
      %mul3A_246 = arith.constant 16 : i32
      %mul3A_247 = arith.muli %add3A_245, %mul3A_246 : i32
      %add3A_248 = arith.constant 8192 : i32
      %add3A_249 = arith.addi %add3A_248, %mul3A_247 : i32
      %get3A_250 = arith.index_cast %add3A_249 : i32 to index
      %get3A_251 = tpu.vector_load %arg8[%get3A_250] {strides = array<i32>} : memref<16384xi32, #tpu.memory_space<vmem>>, vector<16xi32>,
      %mul3A_252 = arith.constant 16 : i32
      %mul3A_253 = arith.muli %scan3A_182, %mul3A_252 : i32
      %add3A_254 = arith.constant 7 : i32
      %add3A_255 = arith.addi %mul3A_253, %add3A_254 : i32
      %mul3A_256 = arith.constant 16 : i32
      %mul3A_257 = arith.muli %add3A_255, %mul3A_256 : i32
      %add3A_258 = arith.constant 8192 : i32
      %add3A_259 = arith.addi %add3A_258, %mul3A_257 : i32
      %get3A_260 = arith.index_cast %add3A_259 : i32 to index
      %get3A_261 = tpu.vector_load %arg8[%get3A_260] {strides = array<i32>} : memref<16384xi32, #tpu.memory_space<vmem>>, vector<16xi32>,
      %mul3A_262 = arith.constant 16 : i32
      %mul3A_263 = arith.muli %scan3A_182, %mul3A_262 : i32
      %add3A_264 = arith.constant 8 : i32
      %add3A_265 = arith.addi %mul3A_263, %add3A_264 : i32
      %mul3A_266 = arith.constant 16 : i32
      %mul3A_267 = arith.muli %add3A_265, %mul3A_266 : i32
      %add3A_268 = arith.constant 8192 : i32
      %add3A_269 = arith.addi %add3A_268, %mul3A_267 : i32
      %get3A_270 = arith.index_cast %add3A_269 : i32 to index
      %get3A_271 = tpu.vector_load %arg8[%get3A_270] {strides = array<i32>} : memref<16384xi32, #tpu.memory_space<vmem>>, vector<16xi32>,
      %mul3A_272 = arith.constant 16 : i32
      %mul3A_273 = arith.muli %scan3A_182, %mul3A_272 : i32
      %add3A_274 = arith.constant 9 : i32
      %add3A_275 = arith.addi %mul3A_273, %add3A_274 : i32
      %mul3A_276 = arith.constant 16 : i32
      %mul3A_277 = arith.muli %add3A_275, %mul3A_276 : i32
      %add3A_278 = arith.constant 8192 : i32
      %add3A_279 = arith.addi %add3A_278, %mul3A_277 : i32
      %get3A_280 = arith.index_cast %add3A_279 : i32 to index
      %get3A_281 = tpu.vector_load %arg8[%get3A_280] {strides = array<i32>} : memref<16384xi32, #tpu.memory_space<vmem>>, vector<16xi32>,
      %mul3A_282 = arith.constant 16 : i32
      %mul3A_283 = arith.muli %scan3A_182, %mul3A_282 : i32
      %add3A_284 = arith.constant 10 : i32
      %add3A_285 = arith.addi %mul3A_283, %add3A_284 : i32
      %mul3A_286 = arith.constant 16 : i32
      %mul3A_287 = arith.muli %add3A_285, %mul3A_286 : i32
      %add3A_288 = arith.constant 8192 : i32
      %add3A_289 = arith.addi %add3A_288, %mul3A_287 : i32
      %get3A_290 = arith.index_cast %add3A_289 : i32 to index
      %get3A_291 = tpu.vector_load %arg8[%get3A_290] {strides = array<i32>} : memref<16384xi32, #tpu.memory_space<vmem>>, vector<16xi32>,
      %mul3A_292 = arith.constant 16 : i32
      %mul3A_293 = arith.muli %scan3A_182, %mul3A_292 : i32
      %add3A_294 = arith.constant 11 : i32
      %add3A_295 = arith.addi %mul3A_293, %add3A_294 : i32
      %mul3A_296 = arith.constant 16 : i32
      %mul3A_297 = arith.muli %add3A_295, %mul3A_296 : i32
      %add3A_298 = arith.constant 8192 : i32
      %add3A_299 = arith.addi %add3A_298, %mul3A_297 : i32
      %get3A_300 = arith.index_cast %add3A_299 : i32 to index
      %get3A_301 = tpu.vector_load %arg8[%get3A_300] {strides = array<i32>} : memref<16384xi32, #tpu.memory_space<vmem>>, vector<16xi32>,
      %mul3A_302 = arith.constant 16 : i32
      %mul3A_303 = arith.muli %scan3A_182, %mul3A_302 : i32
      %add3A_304 = arith.constant 12 : i32
      %add3A_305 = arith.addi %mul3A_303, %add3A_304 : i32
      %mul3A_306 = arith.constant 16 : i32
      %mul3A_307 = arith.muli %add3A_305, %mul3A_306 : i32
      %add3A_308 = arith.constant 8192 : i32
      %add3A_309 = arith.addi %add3A_308, %mul3A_307 : i32
      %get3A_310 = arith.index_cast %add3A_309 : i32 to index
      %get3A_311 = tpu.vector_load %arg8[%get3A_310] {strides = array<i32>} : memref<16384xi32, #tpu.memory_space<vmem>>, vector<16xi32>,
      %mul3A_312 = arith.constant 16 : i32
      %mul3A_313 = arith.muli %scan3A_182, %mul3A_312 : i32
      %add3A_314 = arith.constant 13 : i32
      %add3A_315 = arith.addi %mul3A_313, %add3A_314 : i32
      %mul3A_316 = arith.constant 16 : i32
      %mul3A_317 = arith.muli %add3A_315, %mul3A_316 : i32
      %add3A_318 = arith.constant 8192 : i32
      %add3A_319 = arith.addi %add3A_318, %mul3A_317 : i32
      %get3A_320 = arith.index_cast %add3A_319 : i32 to index
      %get3A_321 = tpu.vector_load %arg8[%get3A_320] {strides = array<i32>} : memref<16384xi32, #tpu.memory_space<vmem>>, vector<16xi32>,
      %mul3A_322 = arith.constant 16 : i32
      %mul3A_323 = arith.muli %scan3A_182, %mul3A_322 : i32
      %add3A_324 = arith.constant 14 : i32
      %add3A_325 = arith.addi %mul3A_323, %add3A_324 : i32
      %mul3A_326 = arith.constant 16 : i32
      %mul3A_327 = arith.muli %add3A_325, %mul3A_326 : i32
      %add3A_328 = arith.constant 8192 : i32
      %add3A_329 = arith.addi %add3A_328, %mul3A_327 : i32
      %get3A_330 = arith.index_cast %add3A_329 : i32 to index
      %get3A_331 = tpu.vector_load %arg8[%get3A_330] {strides = array<i32>} : memref<16384xi32, #tpu.memory_space<vmem>>, vector<16xi32>,
      %mul3A_332 = arith.constant 16 : i32
      %mul3A_333 = arith.muli %scan3A_182, %mul3A_332 : i32
      %add3A_334 = arith.constant 15 : i32
      %add3A_335 = arith.addi %mul3A_333, %add3A_334 : i32
      %mul3A_336 = arith.constant 16 : i32
      %mul3A_337 = arith.muli %add3A_335, %mul3A_336 : i32
      %add3A_338 = arith.constant 8192 : i32
      %add3A_339 = arith.addi %add3A_338, %mul3A_337 : i32
      %get3A_340 = arith.index_cast %add3A_339 : i32 to index
      %get3A_341 = tpu.vector_load %arg8[%get3A_340] {strides = array<i32>} : memref<16384xi32, #tpu.memory_space<vmem>>, vector<16xi32>,
      %gather3A = tpu.vector_load_idx %arg7[%get3A_191] : memref<100000xf32, #tpu.memory_space<vmem>>[vector<16xi32>], vector<16xf32>,
      %gather3A_342 = tpu.vector_load_idx %arg7[%get3A_201] : memref<100000xf32, #tpu.memory_space<vmem>>[vector<16xi32>], vector<16xf32>,
      %gather3A_343 = tpu.vector_load_idx %arg7[%get3A_211] : memref<100000xf32, #tpu.memory_space<vmem>>[vector<16xi32>], vector<16xf32>,
      %gather3A_344 = tpu.vector_load_idx %arg7[%get3A_221] : memref<100000xf32, #tpu.memory_space<vmem>>[vector<16xi32>], vector<16xf32>,
      %gather3A_345 = tpu.vector_load_idx %arg7[%get3A_231] : memref<100000xf32, #tpu.memory_space<vmem>>[vector<16xi32>], vector<16xf32>,
      %gather3A_346 = tpu.vector_load_idx %arg7[%get3A_241] : memref<100000xf32, #tpu.memory_space<vmem>>[vector<16xi32>], vector<16xf32>,
      %gather3A_347 = tpu.vector_load_idx %arg7[%get3A_251] : memref<100000xf32, #tpu.memory_space<vmem>>[vector<16xi32>], vector<16xf32>,
      %gather3A_348 = tpu.vector_load_idx %arg7[%get3A_261] : memref<100000xf32, #tpu.memory_space<vmem>>[vector<16xi32>], vector<16xf32>,
      %gather3A_349 = tpu.vector_load_idx %arg7[%get3A_271] : memref<100000xf32, #tpu.memory_space<vmem>>[vector<16xi32>], vector<16xf32>,
      %gather3A_350 = tpu.vector_load_idx %arg7[%get3A_281] : memref<100000xf32, #tpu.memory_space<vmem>>[vector<16xi32>], vector<16xf32>,
      %gather3A_351 = tpu.vector_load_idx %arg7[%get3A_291] : memref<100000xf32, #tpu.memory_space<vmem>>[vector<16xi32>], vector<16xf32>,
      %gather3A_352 = tpu.vector_load_idx %arg7[%get3A_301] : memref<100000xf32, #tpu.memory_space<vmem>>[vector<16xi32>], vector<16xf32>,
      %gather3A_353 = tpu.vector_load_idx %arg7[%get3A_311] : memref<100000xf32, #tpu.memory_space<vmem>>[vector<16xi32>], vector<16xf32>,
      %gather3A_354 = tpu.vector_load_idx %arg7[%get3A_321] : memref<100000xf32, #tpu.memory_space<vmem>>[vector<16xi32>], vector<16xf32>,
      %gather3A_355 = tpu.vector_load_idx %arg7[%get3A_331] : memref<100000xf32, #tpu.memory_space<vmem>>[vector<16xi32>], vector<16xf32>,
      %gather3A_356 = tpu.vector_load_idx %arg7[%get3A_341] : memref<100000xf32, #tpu.memory_space<vmem>>[vector<16xi32>], vector<16xf32>,
      %mul3A_357 = arith.constant 16 : i32
      %mul3A_358 = arith.muli %scan3A_182, %mul3A_357 : i32
      %add3A_359 = arith.constant 0 : i32
      %add3A_360 = arith.addi %mul3A_358, %add3A_359 : i32
      %mul3A_361 = arith.constant 16 : i32
      %mul3A_362 = arith.muli %add3A_360, %mul3A_361 : i32
      %swap3A = arith.index_cast %mul3A_362 : i32 to index
      %swap3A_363 = tpu.vector_load %arg9[%swap3A] {strides = array<i32>} : memref<4096xf32, #tpu.memory_space<vmem>>, vector<16xf32>,
      tpu.vector_store %arg9[%swap3A], %gather3A {strides = array<i32>} : memref<4096xf32, #tpu.memory_space<vmem>>, vector<16xf32>,
      %mul3A_364 = arith.constant 16 : i32
      %mul3A_365 = arith.muli %scan3A_182, %mul3A_364 : i32
      %add3A_366 = arith.constant 1 : i32
      %add3A_367 = arith.addi %mul3A_365, %add3A_366 : i32
      %mul3A_368 = arith.constant 16 : i32
      %mul3A_369 = arith.muli %add3A_367, %mul3A_368 : i32
      %swap3A_370 = arith.index_cast %mul3A_369 : i32 to index
      %swap3A_371 = tpu.vector_load %arg9[%swap3A_370] {strides = array<i32>} : memref<4096xf32, #tpu.memory_space<vmem>>, vector<16xf32>,
      tpu.vector_store %arg9[%swap3A_370], %gather3A_342 {strides = array<i32>} : memref<4096xf32, #tpu.memory_space<vmem>>, vector<16xf32>,
      %mul3A_372 = arith.constant 16 : i32
      %mul3A_373 = arith.muli %scan3A_182, %mul3A_372 : i32
      %add3A_374 = arith.constant 2 : i32
      %add3A_375 = arith.addi %mul3A_373, %add3A_374 : i32
      %mul3A_376 = arith.constant 16 : i32
      %mul3A_377 = arith.muli %add3A_375, %mul3A_376 : i32
      %swap3A_378 = arith.index_cast %mul3A_377 : i32 to index
      %swap3A_379 = tpu.vector_load %arg9[%swap3A_378] {strides = array<i32>} : memref<4096xf32, #tpu.memory_space<vmem>>, vector<16xf32>,
      tpu.vector_store %arg9[%swap3A_378], %gather3A_343 {strides = array<i32>} : memref<4096xf32, #tpu.memory_space<vmem>>, vector<16xf32>,
      %mul3A_380 = arith.constant 16 : i32
      %mul3A_381 = arith.muli %scan3A_182, %mul3A_380 : i32
      %add3A_382 = arith.constant 3 : i32
      %add3A_383 = arith.addi %mul3A_381, %add3A_382 : i32
      %mul3A_384 = arith.constant 16 : i32
      %mul3A_385 = arith.muli %add3A_383, %mul3A_384 : i32
      %swap3A_386 = arith.index_cast %mul3A_385 : i32 to index
      %swap3A_387 = tpu.vector_load %arg9[%swap3A_386] {strides = array<i32>} : memref<4096xf32, #tpu.memory_space<vmem>>, vector<16xf32>,
      tpu.vector_store %arg9[%swap3A_386], %gather3A_344 {strides = array<i32>} : memref<4096xf32, #tpu.memory_space<vmem>>, vector<16xf32>,
      %mul3A_388 = arith.constant 16 : i32
      %mul3A_389 = arith.muli %scan3A_182, %mul3A_388 : i32
      %add3A_390 = arith.constant 4 : i32
      %add3A_391 = arith.addi %mul3A_389, %add3A_390 : i32
      %mul3A_392 = arith.constant 16 : i32
      %mul3A_393 = arith.muli %add3A_391, %mul3A_392 : i32
      %swap3A_394 = arith.index_cast %mul3A_393 : i32 to index
      %swap3A_395 = tpu.vector_load %arg9[%swap3A_394] {strides = array<i32>} : memref<4096xf32, #tpu.memory_space<vmem>>, vector<16xf32>,
      tpu.vector_store %arg9[%swap3A_394], %gather3A_345 {strides = array<i32>} : memref<4096xf32, #tpu.memory_space<vmem>>, vector<16xf32>,
      %mul3A_396 = arith.constant 16 : i32
      %mul3A_397 = arith.muli %scan3A_182, %mul3A_396 : i32
      %add3A_398 = arith.constant 5 : i32
      %add3A_399 = arith.addi %mul3A_397, %add3A_398 : i32
      %mul3A_400 = arith.constant 16 : i32
      %mul3A_401 = arith.muli %add3A_399, %mul3A_400 : i32
      %swap3A_402 = arith.index_cast %mul3A_401 : i32 to index
      %swap3A_403 = tpu.vector_load %arg9[%swap3A_402] {strides = array<i32>} : memref<4096xf32, #tpu.memory_space<vmem>>, vector<16xf32>,
      tpu.vector_store %arg9[%swap3A_402], %gather3A_346 {strides = array<i32>} : memref<4096xf32, #tpu.memory_space<vmem>>, vector<16xf32>,
      %mul3A_404 = arith.constant 16 : i32
      %mul3A_405 = arith.muli %scan3A_182, %mul3A_404 : i32
      %add3A_406 = arith.constant 6 : i32
      %add3A_407 = arith.addi %mul3A_405, %add3A_406 : i32
      %mul3A_408 = arith.constant 16 : i32
      %mul3A_409 = arith.muli %add3A_407, %mul3A_408 : i32
      %swap3A_410 = arith.index_cast %mul3A_409 : i32 to index
      %swap3A_411 = tpu.vector_load %arg9[%swap3A_410] {strides = array<i32>} : memref<4096xf32, #tpu.memory_space<vmem>>, vector<16xf32>,
      tpu.vector_store %arg9[%swap3A_410], %gather3A_347 {strides = array<i32>} : memref<4096xf32, #tpu.memory_space<vmem>>, vector<16xf32>,
      %mul3A_412 = arith.constant 16 : i32
      %mul3A_413 = arith.muli %scan3A_182, %mul3A_412 : i32
      %add3A_414 = arith.constant 7 : i32
      %add3A_415 = arith.addi %mul3A_413, %add3A_414 : i32
      %mul3A_416 = arith.constant 16 : i32
      %mul3A_417 = arith.muli %add3A_415, %mul3A_416 : i32
      %swap3A_418 = arith.index_cast %mul3A_417 : i32 to index
      %swap3A_419 = tpu.vector_load %arg9[%swap3A_418] {strides = array<i32>} : memref<4096xf32, #tpu.memory_space<vmem>>, vector<16xf32>,
      tpu.vector_store %arg9[%swap3A_418], %gather3A_348 {strides = array<i32>} : memref<4096xf32, #tpu.memory_space<vmem>>, vector<16xf32>,
      %mul3A_420 = arith.constant 16 : i32
      %mul3A_421 = arith.muli %scan3A_182, %mul3A_420 : i32
      %add3A_422 = arith.constant 8 : i32
      %add3A_423 = arith.addi %mul3A_421, %add3A_422 : i32
      %mul3A_424 = arith.constant 16 : i32
      %mul3A_425 = arith.muli %add3A_423, %mul3A_424 : i32
      %swap3A_426 = arith.index_cast %mul3A_425 : i32 to index
      %swap3A_427 = tpu.vector_load %arg9[%swap3A_426] {strides = array<i32>} : memref<4096xf32, #tpu.memory_space<vmem>>, vector<16xf32>,
      tpu.vector_store %arg9[%swap3A_426], %gather3A_349 {strides = array<i32>} : memref<4096xf32, #tpu.memory_space<vmem>>, vector<16xf32>,
      %mul3A_428 = arith.constant 16 : i32
      %mul3A_429 = arith.muli %scan3A_182, %mul3A_428 : i32
      %add3A_430 = arith.constant 9 : i32
      %add3A_431 = arith.addi %mul3A_429, %add3A_430 : i32
      %mul3A_432 = arith.constant 16 : i32
      %mul3A_433 = arith.muli %add3A_431, %mul3A_432 : i32
      %swap3A_434 = arith.index_cast %mul3A_433 : i32 to index
      %swap3A_435 = tpu.vector_load %arg9[%swap3A_434] {strides = array<i32>} : memref<4096xf32, #tpu.memory_space<vmem>>, vector<16xf32>,
      tpu.vector_store %arg9[%swap3A_434], %gather3A_350 {strides = array<i32>} : memref<4096xf32, #tpu.memory_space<vmem>>, vector<16xf32>,
      %mul3A_436 = arith.constant 16 : i32
      %mul3A_437 = arith.muli %scan3A_182, %mul3A_436 : i32
      %add3A_438 = arith.constant 10 : i32
      %add3A_439 = arith.addi %mul3A_437, %add3A_438 : i32
      %mul3A_440 = arith.constant 16 : i32
      %mul3A_441 = arith.muli %add3A_439, %mul3A_440 : i32
      %swap3A_442 = arith.index_cast %mul3A_441 : i32 to index
      %swap3A_443 = tpu.vector_load %arg9[%swap3A_442] {strides = array<i32>} : memref<4096xf32, #tpu.memory_space<vmem>>, vector<16xf32>,
      tpu.vector_store %arg9[%swap3A_442], %gather3A_351 {strides = array<i32>} : memref<4096xf32, #tpu.memory_space<vmem>>, vector<16xf32>,
      %mul3A_444 = arith.constant 16 : i32
      %mul3A_445 = arith.muli %scan3A_182, %mul3A_444 : i32
      %add3A_446 = arith.constant 11 : i32
      %add3A_447 = arith.addi %mul3A_445, %add3A_446 : i32
      %mul3A_448 = arith.constant 16 : i32
      %mul3A_449 = arith.muli %add3A_447, %mul3A_448 : i32
      %swap3A_450 = arith.index_cast %mul3A_449 : i32 to index
      %swap3A_451 = tpu.vector_load %arg9[%swap3A_450] {strides = array<i32>} : memref<4096xf32, #tpu.memory_space<vmem>>, vector<16xf32>,
      tpu.vector_store %arg9[%swap3A_450], %gather3A_352 {strides = array<i32>} : memref<4096xf32, #tpu.memory_space<vmem>>, vector<16xf32>,
      %mul3A_452 = arith.constant 16 : i32
      %mul3A_453 = arith.muli %scan3A_182, %mul3A_452 : i32
      %add3A_454 = arith.constant 12 : i32
      %add3A_455 = arith.addi %mul3A_453, %add3A_454 : i32
      %mul3A_456 = arith.constant 16 : i32
      %mul3A_457 = arith.muli %add3A_455, %mul3A_456 : i32
      %swap3A_458 = arith.index_cast %mul3A_457 : i32 to index
      %swap3A_459 = tpu.vector_load %arg9[%swap3A_458] {strides = array<i32>} : memref<4096xf32, #tpu.memory_space<vmem>>, vector<16xf32>,
      tpu.vector_store %arg9[%swap3A_458], %gather3A_353 {strides = array<i32>} : memref<4096xf32, #tpu.memory_space<vmem>>, vector<16xf32>,
      %mul3A_460 = arith.constant 16 : i32
      %mul3A_461 = arith.muli %scan3A_182, %mul3A_460 : i32
      %add3A_462 = arith.constant 13 : i32
      %add3A_463 = arith.addi %mul3A_461, %add3A_462 : i32
      %mul3A_464 = arith.constant 16 : i32
      %mul3A_465 = arith.muli %add3A_463, %mul3A_464 : i32
      %swap3A_466 = arith.index_cast %mul3A_465 : i32 to index
      %swap3A_467 = tpu.vector_load %arg9[%swap3A_466] {strides = array<i32>} : memref<4096xf32, #tpu.memory_space<vmem>>, vector<16xf32>,
      tpu.vector_store %arg9[%swap3A_466], %gather3A_354 {strides = array<i32>} : memref<4096xf32, #tpu.memory_space<vmem>>, vector<16xf32>,
      %mul3A_468 = arith.constant 16 : i32
      %mul3A_469 = arith.muli %scan3A_182, %mul3A_468 : i32
      %add3A_470 = arith.constant 14 : i32
      %add3A_471 = arith.addi %mul3A_469, %add3A_470 : i32
      %mul3A_472 = arith.constant 16 : i32
      %mul3A_473 = arith.muli %add3A_471, %mul3A_472 : i32
      %swap3A_474 = arith.index_cast %mul3A_473 : i32 to index
      %swap3A_475 = tpu.vector_load %arg9[%swap3A_474] {strides = array<i32>} : memref<4096xf32, #tpu.memory_space<vmem>>, vector<16xf32>,
      tpu.vector_store %arg9[%swap3A_474], %gather3A_355 {strides = array<i32>} : memref<4096xf32, #tpu.memory_space<vmem>>, vector<16xf32>,
      %mul3A_476 = arith.constant 16 : i32
      %mul3A_477 = arith.muli %scan3A_182, %mul3A_476 : i32
      %add3A_478 = arith.constant 15 : i32
      %add3A_479 = arith.addi %mul3A_477, %add3A_478 : i32
      %mul3A_480 = arith.constant 16 : i32
      %mul3A_481 = arith.muli %add3A_479, %mul3A_480 : i32
      %swap3A_482 = arith.index_cast %mul3A_481 : i32 to index
      %swap3A_483 = tpu.vector_load %arg9[%swap3A_482] {strides = array<i32>} : memref<4096xf32, #tpu.memory_space<vmem>>, vector<16xf32>,
      tpu.vector_store %arg9[%swap3A_482], %gather3A_356 {strides = array<i32>} : memref<4096xf32, #tpu.memory_space<vmem>>, vector<16xf32>,
    }
    %scan3A_49 = arith.constant 16 : i32
    %add3A_50 = arith.constant 0 : i32
    %add3A_51 = arith.addi %add3A_50, %add3A : i32
    %dma_start3A_52 = arith.constant 8192 : i32
    %dma_start3A_53 = tpu.memref_slice %arg6[%add3A_51, %dma_start3A_52] : memref<64x16384xf32, #tpu.memory_space<hbm>> -> memref<1x4096xf32, #tpu.memory_space<hbm>>
    %dma_start3A_54 = tpu.memref_squeeze %dma_start3A_53 : memref<1x4096xf32, #tpu.memory_space<hbm>> -> memref<4096xf32, #tpu.memory_space<hbm>>
    %dma_start3A_55 = arith.constant 8192 : i32
    %dma_start3A_56 = tpu.memref_slice %arg6[%add3A_51, %dma_start3A_55] : memref<64x16384xf32, #tpu.memory_space<hbm>> -> memref<1x4096xf32, #tpu.memory_space<hbm>>
    %dma_start3A_57 = tpu.memref_squeeze %dma_start3A_56 : memref<1x4096xf32, #tpu.memory_space<hbm>> -> memref<4096xf32, #tpu.memory_space<hbm>>
    tpu.enqueue_dma source(%arg9 : memref<4096xf32, #tpu.memory_space<vmem>>) target(%dma_start3A_57 : memref<4096xf32, #tpu.memory_space<hbm>>) target_semaphore(%arg12 : memref<!tpu.dma_semaphore, #tpu.memory_space<semaphore_mem>>)
    %dma_wait3A_58 = arith.constant 4096 : i32
    %dma_wait3A_59 = tpu.memref_slice %arg6[%add3A_31, %dma_wait3A_58] : memref<64x16384xf32, #tpu.memory_space<hbm>> -> memref<1x4096xf32, #tpu.memory_space<hbm>>
    %dma_wait3A_60 = tpu.memref_squeeze %dma_wait3A_59 : memref<1x4096xf32, #tpu.memory_space<hbm>> -> memref<4096xf32, #tpu.memory_space<hbm>>
    %dma_wait3A_61 = arith.constant 4096 : i32
    %dma_wait3A_62 = tpu.memref_slice %arg6[%add3A_31, %dma_wait3A_61] : memref<64x16384xf32, #tpu.memory_space<hbm>> -> memref<1x4096xf32, #tpu.memory_space<hbm>>
    %dma_wait3A_63 = tpu.memref_squeeze %dma_wait3A_62 : memref<1x4096xf32, #tpu.memory_space<hbm>> -> memref<4096xf32, #tpu.memory_space<hbm>>
    tpu.wait_dma2 semaphore(%arg13 : memref<!tpu.dma_semaphore, #tpu.memory_space<semaphore_mem>>) src(%arg10 : memref<4096xf32, #tpu.memory_space<vmem>>) dst(%dma_wait3A_63 : memref<4096xf32, #tpu.memory_space<hbm>>)
    %scan3A_64 = arith.constant 0 : i32
    %scan3A_65 = arith.constant 0 : i32
    %scan3A_66 = arith.constant 16 : i32
    %scan3A_67 = arith.addi %scan3A_65, %scan3A_66 : i32
    %scan3A_68 = arith.constant 1 : i32
    scf.for %scan3A_182 = %scan3A_65 to %scan3A_67 step %scan3A_68  : i32 {
      %mul3A_183 = arith.constant 16 : i32
      %mul3A_184 = arith.muli %scan3A_182, %mul3A_183 : i32
      %add3A_185 = arith.constant 0 : i32
      %add3A_186 = arith.addi %mul3A_184, %add3A_185 : i32
      %mul3A_187 = arith.constant 16 : i32
      %mul3A_188 = arith.muli %add3A_186, %mul3A_187 : i32
      %add3A_189 = arith.constant 12288 : i32
      %add3A_190 = arith.addi %add3A_189, %mul3A_188 : i32
      %get3A = arith.index_cast %add3A_190 : i32 to index
      %get3A_191 = tpu.vector_load %arg8[%get3A] {strides = array<i32>} : memref<16384xi32, #tpu.memory_space<vmem>>, vector<16xi32>,
      %mul3A_192 = arith.constant 16 : i32
      %mul3A_193 = arith.muli %scan3A_182, %mul3A_192 : i32
      %add3A_194 = arith.constant 1 : i32
      %add3A_195 = arith.addi %mul3A_193, %add3A_194 : i32
      %mul3A_196 = arith.constant 16 : i32
      %mul3A_197 = arith.muli %add3A_195, %mul3A_196 : i32
      %add3A_198 = arith.constant 12288 : i32
      %add3A_199 = arith.addi %add3A_198, %mul3A_197 : i32
      %get3A_200 = arith.index_cast %add3A_199 : i32 to index
      %get3A_201 = tpu.vector_load %arg8[%get3A_200] {strides = array<i32>} : memref<16384xi32, #tpu.memory_space<vmem>>, vector<16xi32>,
      %mul3A_202 = arith.constant 16 : i32
      %mul3A_203 = arith.muli %scan3A_182, %mul3A_202 : i32
      %add3A_204 = arith.constant 2 : i32
      %add3A_205 = arith.addi %mul3A_203, %add3A_204 : i32
      %mul3A_206 = arith.constant 16 : i32
      %mul3A_207 = arith.muli %add3A_205, %mul3A_206 : i32
      %add3A_208 = arith.constant 12288 : i32
      %add3A_209 = arith.addi %add3A_208, %mul3A_207 : i32
      %get3A_210 = arith.index_cast %add3A_209 : i32 to index
      %get3A_211 = tpu.vector_load %arg8[%get3A_210] {strides = array<i32>} : memref<16384xi32, #tpu.memory_space<vmem>>, vector<16xi32>,
      %mul3A_212 = arith.constant 16 : i32
      %mul3A_213 = arith.muli %scan3A_182, %mul3A_212 : i32
      %add3A_214 = arith.constant 3 : i32
      %add3A_215 = arith.addi %mul3A_213, %add3A_214 : i32
      %mul3A_216 = arith.constant 16 : i32
      %mul3A_217 = arith.muli %add3A_215, %mul3A_216 : i32
      %add3A_218 = arith.constant 12288 : i32
      %add3A_219 = arith.addi %add3A_218, %mul3A_217 : i32
      %get3A_220 = arith.index_cast %add3A_219 : i32 to index
      %get3A_221 = tpu.vector_load %arg8[%get3A_220] {strides = array<i32>} : memref<16384xi32, #tpu.memory_space<vmem>>, vector<16xi32>,
      %mul3A_222 = arith.constant 16 : i32
      %mul3A_223 = arith.muli %scan3A_182, %mul3A_222 : i32
      %add3A_224 = arith.constant 4 : i32
      %add3A_225 = arith.addi %mul3A_223, %add3A_224 : i32
      %mul3A_226 = arith.constant 16 : i32
      %mul3A_227 = arith.muli %add3A_225, %mul3A_226 : i32
      %add3A_228 = arith.constant 12288 : i32
      %add3A_229 = arith.addi %add3A_228, %mul3A_227 : i32
      %get3A_230 = arith.index_cast %add3A_229 : i32 to index
      %get3A_231 = tpu.vector_load %arg8[%get3A_230] {strides = array<i32>} : memref<16384xi32, #tpu.memory_space<vmem>>, vector<16xi32>,
      %mul3A_232 = arith.constant 16 : i32
      %mul3A_233 = arith.muli %scan3A_182, %mul3A_232 : i32
      %add3A_234 = arith.constant 5 : i32
      %add3A_235 = arith.addi %mul3A_233, %add3A_234 : i32
      %mul3A_236 = arith.constant 16 : i32
      %mul3A_237 = arith.muli %add3A_235, %mul3A_236 : i32
      %add3A_238 = arith.constant 12288 : i32
      %add3A_239 = arith.addi %add3A_238, %mul3A_237 : i32
      %get3A_240 = arith.index_cast %add3A_239 : i32 to index
      %get3A_241 = tpu.vector_load %arg8[%get3A_240] {strides = array<i32>} : memref<16384xi32, #tpu.memory_space<vmem>>, vector<16xi32>,
      %mul3A_242 = arith.constant 16 : i32
      %mul3A_243 = arith.muli %scan3A_182, %mul3A_242 : i32
      %add3A_244 = arith.constant 6 : i32
      %add3A_245 = arith.addi %mul3A_243, %add3A_244 : i32
      %mul3A_246 = arith.constant 16 : i32
      %mul3A_247 = arith.muli %add3A_245, %mul3A_246 : i32
      %add3A_248 = arith.constant 12288 : i32
      %add3A_249 = arith.addi %add3A_248, %mul3A_247 : i32
      %get3A_250 = arith.index_cast %add3A_249 : i32 to index
      %get3A_251 = tpu.vector_load %arg8[%get3A_250] {strides = array<i32>} : memref<16384xi32, #tpu.memory_space<vmem>>, vector<16xi32>,
      %mul3A_252 = arith.constant 16 : i32
      %mul3A_253 = arith.muli %scan3A_182, %mul3A_252 : i32
      %add3A_254 = arith.constant 7 : i32
      %add3A_255 = arith.addi %mul3A_253, %add3A_254 : i32
      %mul3A_256 = arith.constant 16 : i32
      %mul3A_257 = arith.muli %add3A_255, %mul3A_256 : i32
      %add3A_258 = arith.constant 12288 : i32
      %add3A_259 = arith.addi %add3A_258, %mul3A_257 : i32
      %get3A_260 = arith.index_cast %add3A_259 : i32 to index
      %get3A_261 = tpu.vector_load %arg8[%get3A_260] {strides = array<i32>} : memref<16384xi32, #tpu.memory_space<vmem>>, vector<16xi32>,
      %mul3A_262 = arith.constant 16 : i32
      %mul3A_263 = arith.muli %scan3A_182, %mul3A_262 : i32
      %add3A_264 = arith.constant 8 : i32
      %add3A_265 = arith.addi %mul3A_263, %add3A_264 : i32
      %mul3A_266 = arith.constant 16 : i32
      %mul3A_267 = arith.muli %add3A_265, %mul3A_266 : i32
      %add3A_268 = arith.constant 12288 : i32
      %add3A_269 = arith.addi %add3A_268, %mul3A_267 : i32
      %get3A_270 = arith.index_cast %add3A_269 : i32 to index
      %get3A_271 = tpu.vector_load %arg8[%get3A_270] {strides = array<i32>} : memref<16384xi32, #tpu.memory_space<vmem>>, vector<16xi32>,
      %mul3A_272 = arith.constant 16 : i32
      %mul3A_273 = arith.muli %scan3A_182, %mul3A_272 : i32
      %add3A_274 = arith.constant 9 : i32
      %add3A_275 = arith.addi %mul3A_273, %add3A_274 : i32
      %mul3A_276 = arith.constant 16 : i32
      %mul3A_277 = arith.muli %add3A_275, %mul3A_276 : i32
      %add3A_278 = arith.constant 12288 : i32
      %add3A_279 = arith.addi %add3A_278, %mul3A_277 : i32
      %get3A_280 = arith.index_cast %add3A_279 : i32 to index
      %get3A_281 = tpu.vector_load %arg8[%get3A_280] {strides = array<i32>} : memref<16384xi32, #tpu.memory_space<vmem>>, vector<16xi32>,
      %mul3A_282 = arith.constant 16 : i32
      %mul3A_283 = arith.muli %scan3A_182, %mul3A_282 : i32
      %add3A_284 = arith.constant 10 : i32
      %add3A_285 = arith.addi %mul3A_283, %add3A_284 : i32
      %mul3A_286 = arith.constant 16 : i32
      %mul3A_287 = arith.muli %add3A_285, %mul3A_286 : i32
      %add3A_288 = arith.constant 12288 : i32
      %add3A_289 = arith.addi %add3A_288, %mul3A_287 : i32
      %get3A_290 = arith.index_cast %add3A_289 : i32 to index
      %get3A_291 = tpu.vector_load %arg8[%get3A_290] {strides = array<i32>} : memref<16384xi32, #tpu.memory_space<vmem>>, vector<16xi32>,
      %mul3A_292 = arith.constant 16 : i32
      %mul3A_293 = arith.muli %scan3A_182, %mul3A_292 : i32
      %add3A_294 = arith.constant 11 : i32
      %add3A_295 = arith.addi %mul3A_293, %add3A_294 : i32
      %mul3A_296 = arith.constant 16 : i32
      %mul3A_297 = arith.muli %add3A_295, %mul3A_296 : i32
      %add3A_298 = arith.constant 12288 : i32
      %add3A_299 = arith.addi %add3A_298, %mul3A_297 : i32
      %get3A_300 = arith.index_cast %add3A_299 : i32 to index
      %get3A_301 = tpu.vector_load %arg8[%get3A_300] {strides = array<i32>} : memref<16384xi32, #tpu.memory_space<vmem>>, vector<16xi32>,
      %mul3A_302 = arith.constant 16 : i32
      %mul3A_303 = arith.muli %scan3A_182, %mul3A_302 : i32
      %add3A_304 = arith.constant 12 : i32
      %add3A_305 = arith.addi %mul3A_303, %add3A_304 : i32
      %mul3A_306 = arith.constant 16 : i32
      %mul3A_307 = arith.muli %add3A_305, %mul3A_306 : i32
      %add3A_308 = arith.constant 12288 : i32
      %add3A_309 = arith.addi %add3A_308, %mul3A_307 : i32
      %get3A_310 = arith.index_cast %add3A_309 : i32 to index
      %get3A_311 = tpu.vector_load %arg8[%get3A_310] {strides = array<i32>} : memref<16384xi32, #tpu.memory_space<vmem>>, vector<16xi32>,
      %mul3A_312 = arith.constant 16 : i32
      %mul3A_313 = arith.muli %scan3A_182, %mul3A_312 : i32
      %add3A_314 = arith.constant 13 : i32
      %add3A_315 = arith.addi %mul3A_313, %add3A_314 : i32
      %mul3A_316 = arith.constant 16 : i32
      %mul3A_317 = arith.muli %add3A_315, %mul3A_316 : i32
      %add3A_318 = arith.constant 12288 : i32
      %add3A_319 = arith.addi %add3A_318, %mul3A_317 : i32
      %get3A_320 = arith.index_cast %add3A_319 : i32 to index
      %get3A_321 = tpu.vector_load %arg8[%get3A_320] {strides = array<i32>} : memref<16384xi32, #tpu.memory_space<vmem>>, vector<16xi32>,
      %mul3A_322 = arith.constant 16 : i32
      %mul3A_323 = arith.muli %scan3A_182, %mul3A_322 : i32
      %add3A_324 = arith.constant 14 : i32
      %add3A_325 = arith.addi %mul3A_323, %add3A_324 : i32
      %mul3A_326 = arith.constant 16 : i32
      %mul3A_327 = arith.muli %add3A_325, %mul3A_326 : i32
      %add3A_328 = arith.constant 12288 : i32
      %add3A_329 = arith.addi %add3A_328, %mul3A_327 : i32
      %get3A_330 = arith.index_cast %add3A_329 : i32 to index
      %get3A_331 = tpu.vector_load %arg8[%get3A_330] {strides = array<i32>} : memref<16384xi32, #tpu.memory_space<vmem>>, vector<16xi32>,
      %mul3A_332 = arith.constant 16 : i32
      %mul3A_333 = arith.muli %scan3A_182, %mul3A_332 : i32
      %add3A_334 = arith.constant 15 : i32
      %add3A_335 = arith.addi %mul3A_333, %add3A_334 : i32
      %mul3A_336 = arith.constant 16 : i32
      %mul3A_337 = arith.muli %add3A_335, %mul3A_336 : i32
      %add3A_338 = arith.constant 12288 : i32
      %add3A_339 = arith.addi %add3A_338, %mul3A_337 : i32
      %get3A_340 = arith.index_cast %add3A_339 : i32 to index
      %get3A_341 = tpu.vector_load %arg8[%get3A_340] {strides = array<i32>} : memref<16384xi32, #tpu.memory_space<vmem>>, vector<16xi32>,
      %gather3A = tpu.vector_load_idx %arg7[%get3A_191] : memref<100000xf32, #tpu.memory_space<vmem>>[vector<16xi32>], vector<16xf32>,
      %gather3A_342 = tpu.vector_load_idx %arg7[%get3A_201] : memref<100000xf32, #tpu.memory_space<vmem>>[vector<16xi32>], vector<16xf32>,
      %gather3A_343 = tpu.vector_load_idx %arg7[%get3A_211] : memref<100000xf32, #tpu.memory_space<vmem>>[vector<16xi32>], vector<16xf32>,
      %gather3A_344 = tpu.vector_load_idx %arg7[%get3A_221] : memref<100000xf32, #tpu.memory_space<vmem>>[vector<16xi32>], vector<16xf32>,
      %gather3A_345 = tpu.vector_load_idx %arg7[%get3A_231] : memref<100000xf32, #tpu.memory_space<vmem>>[vector<16xi32>], vector<16xf32>,
      %gather3A_346 = tpu.vector_load_idx %arg7[%get3A_241] : memref<100000xf32, #tpu.memory_space<vmem>>[vector<16xi32>], vector<16xf32>,
      %gather3A_347 = tpu.vector_load_idx %arg7[%get3A_251] : memref<100000xf32, #tpu.memory_space<vmem>>[vector<16xi32>], vector<16xf32>,
      %gather3A_348 = tpu.vector_load_idx %arg7[%get3A_261] : memref<100000xf32, #tpu.memory_space<vmem>>[vector<16xi32>], vector<16xf32>,
      %gather3A_349 = tpu.vector_load_idx %arg7[%get3A_271] : memref<100000xf32, #tpu.memory_space<vmem>>[vector<16xi32>], vector<16xf32>,
      %gather3A_350 = tpu.vector_load_idx %arg7[%get3A_281] : memref<100000xf32, #tpu.memory_space<vmem>>[vector<16xi32>], vector<16xf32>,
      %gather3A_351 = tpu.vector_load_idx %arg7[%get3A_291] : memref<100000xf32, #tpu.memory_space<vmem>>[vector<16xi32>], vector<16xf32>,
      %gather3A_352 = tpu.vector_load_idx %arg7[%get3A_301] : memref<100000xf32, #tpu.memory_space<vmem>>[vector<16xi32>], vector<16xf32>,
      %gather3A_353 = tpu.vector_load_idx %arg7[%get3A_311] : memref<100000xf32, #tpu.memory_space<vmem>>[vector<16xi32>], vector<16xf32>,
      %gather3A_354 = tpu.vector_load_idx %arg7[%get3A_321] : memref<100000xf32, #tpu.memory_space<vmem>>[vector<16xi32>], vector<16xf32>,
      %gather3A_355 = tpu.vector_load_idx %arg7[%get3A_331] : memref<100000xf32, #tpu.memory_space<vmem>>[vector<16xi32>], vector<16xf32>,
      %gather3A_356 = tpu.vector_load_idx %arg7[%get3A_341] : memref<100000xf32, #tpu.memory_space<vmem>>[vector<16xi32>], vector<16xf32>,
      %mul3A_357 = arith.constant 16 : i32
      %mul3A_358 = arith.muli %scan3A_182, %mul3A_357 : i32
      %add3A_359 = arith.constant 0 : i32
      %add3A_360 = arith.addi %mul3A_358, %add3A_359 : i32
      %mul3A_361 = arith.constant 16 : i32
      %mul3A_362 = arith.muli %add3A_360, %mul3A_361 : i32
      %swap3A = arith.index_cast %mul3A_362 : i32 to index
      %swap3A_363 = tpu.vector_load %arg10[%swap3A] {strides = array<i32>} : memref<4096xf32, #tpu.memory_space<vmem>>, vector<16xf32>,
      tpu.vector_store %arg10[%swap3A], %gather3A {strides = array<i32>} : memref<4096xf32, #tpu.memory_space<vmem>>, vector<16xf32>,
      %mul3A_364 = arith.constant 16 : i32
      %mul3A_365 = arith.muli %scan3A_182, %mul3A_364 : i32
      %add3A_366 = arith.constant 1 : i32
      %add3A_367 = arith.addi %mul3A_365, %add3A_366 : i32
      %mul3A_368 = arith.constant 16 : i32
      %mul3A_369 = arith.muli %add3A_367, %mul3A_368 : i32
      %swap3A_370 = arith.index_cast %mul3A_369 : i32 to index
      %swap3A_371 = tpu.vector_load %arg10[%swap3A_370] {strides = array<i32>} : memref<4096xf32, #tpu.memory_space<vmem>>, vector<16xf32>,
      tpu.vector_store %arg10[%swap3A_370], %gather3A_342 {strides = array<i32>} : memref<4096xf32, #tpu.memory_space<vmem>>, vector<16xf32>,
      %mul3A_372 = arith.constant 16 : i32
      %mul3A_373 = arith.muli %scan3A_182, %mul3A_372 : i32
      %add3A_374 = arith.constant 2 : i32
      %add3A_375 = arith.addi %mul3A_373, %add3A_374 : i32
      %mul3A_376 = arith.constant 16 : i32
      %mul3A_377 = arith.muli %add3A_375, %mul3A_376 : i32
      %swap3A_378 = arith.index_cast %mul3A_377 : i32 to index
      %swap3A_379 = tpu.vector_load %arg10[%swap3A_378] {strides = array<i32>} : memref<4096xf32, #tpu.memory_space<vmem>>, vector<16xf32>,
      tpu.vector_store %arg10[%swap3A_378], %gather3A_343 {strides = array<i32>} : memref<4096xf32, #tpu.memory_space<vmem>>, vector<16xf32>,
      %mul3A_380 = arith.constant 16 : i32
      %mul3A_381 = arith.muli %scan3A_182, %mul3A_380 : i32
      %add3A_382 = arith.constant 3 : i32
      %add3A_383 = arith.addi %mul3A_381, %add3A_382 : i32
      %mul3A_384 = arith.constant 16 : i32
      %mul3A_385 = arith.muli %add3A_383, %mul3A_384 : i32
      %swap3A_386 = arith.index_cast %mul3A_385 : i32 to index
      %swap3A_387 = tpu.vector_load %arg10[%swap3A_386] {strides = array<i32>} : memref<4096xf32, #tpu.memory_space<vmem>>, vector<16xf32>,
      tpu.vector_store %arg10[%swap3A_386], %gather3A_344 {strides = array<i32>} : memref<4096xf32, #tpu.memory_space<vmem>>, vector<16xf32>,
      %mul3A_388 = arith.constant 16 : i32
      %mul3A_389 = arith.muli %scan3A_182, %mul3A_388 : i32
      %add3A_390 = arith.constant 4 : i32
      %add3A_391 = arith.addi %mul3A_389, %add3A_390 : i32
      %mul3A_392 = arith.constant 16 : i32
      %mul3A_393 = arith.muli %add3A_391, %mul3A_392 : i32
      %swap3A_394 = arith.index_cast %mul3A_393 : i32 to index
      %swap3A_395 = tpu.vector_load %arg10[%swap3A_394] {strides = array<i32>} : memref<4096xf32, #tpu.memory_space<vmem>>, vector<16xf32>,
      tpu.vector_store %arg10[%swap3A_394], %gather3A_345 {strides = array<i32>} : memref<4096xf32, #tpu.memory_space<vmem>>, vector<16xf32>,
      %mul3A_396 = arith.constant 16 : i32
      %mul3A_397 = arith.muli %scan3A_182, %mul3A_396 : i32
      %add3A_398 = arith.constant 5 : i32
      %add3A_399 = arith.addi %mul3A_397, %add3A_398 : i32
      %mul3A_400 = arith.constant 16 : i32
      %mul3A_401 = arith.muli %add3A_399, %mul3A_400 : i32
      %swap3A_402 = arith.index_cast %mul3A_401 : i32 to index
      %swap3A_403 = tpu.vector_load %arg10[%swap3A_402] {strides = array<i32>} : memref<4096xf32, #tpu.memory_space<vmem>>, vector<16xf32>,
      tpu.vector_store %arg10[%swap3A_402], %gather3A_346 {strides = array<i32>} : memref<4096xf32, #tpu.memory_space<vmem>>, vector<16xf32>,
      %mul3A_404 = arith.constant 16 : i32
      %mul3A_405 = arith.muli %scan3A_182, %mul3A_404 : i32
      %add3A_406 = arith.constant 6 : i32
      %add3A_407 = arith.addi %mul3A_405, %add3A_406 : i32
      %mul3A_408 = arith.constant 16 : i32
      %mul3A_409 = arith.muli %add3A_407, %mul3A_408 : i32
      %swap3A_410 = arith.index_cast %mul3A_409 : i32 to index
      %swap3A_411 = tpu.vector_load %arg10[%swap3A_410] {strides = array<i32>} : memref<4096xf32, #tpu.memory_space<vmem>>, vector<16xf32>,
      tpu.vector_store %arg10[%swap3A_410], %gather3A_347 {strides = array<i32>} : memref<4096xf32, #tpu.memory_space<vmem>>, vector<16xf32>,
      %mul3A_412 = arith.constant 16 : i32
      %mul3A_413 = arith.muli %scan3A_182, %mul3A_412 : i32
      %add3A_414 = arith.constant 7 : i32
      %add3A_415 = arith.addi %mul3A_413, %add3A_414 : i32
      %mul3A_416 = arith.constant 16 : i32
      %mul3A_417 = arith.muli %add3A_415, %mul3A_416 : i32
      %swap3A_418 = arith.index_cast %mul3A_417 : i32 to index
      %swap3A_419 = tpu.vector_load %arg10[%swap3A_418] {strides = array<i32>} : memref<4096xf32, #tpu.memory_space<vmem>>, vector<16xf32>,
      tpu.vector_store %arg10[%swap3A_418], %gather3A_348 {strides = array<i32>} : memref<4096xf32, #tpu.memory_space<vmem>>, vector<16xf32>,
      %mul3A_420 = arith.constant 16 : i32
      %mul3A_421 = arith.muli %scan3A_182, %mul3A_420 : i32
      %add3A_422 = arith.constant 8 : i32
      %add3A_423 = arith.addi %mul3A_421, %add3A_422 : i32
      %mul3A_424 = arith.constant 16 : i32
      %mul3A_425 = arith.muli %add3A_423, %mul3A_424 : i32
      %swap3A_426 = arith.index_cast %mul3A_425 : i32 to index
      %swap3A_427 = tpu.vector_load %arg10[%swap3A_426] {strides = array<i32>} : memref<4096xf32, #tpu.memory_space<vmem>>, vector<16xf32>,
      tpu.vector_store %arg10[%swap3A_426], %gather3A_349 {strides = array<i32>} : memref<4096xf32, #tpu.memory_space<vmem>>, vector<16xf32>,
      %mul3A_428 = arith.constant 16 : i32
      %mul3A_429 = arith.muli %scan3A_182, %mul3A_428 : i32
      %add3A_430 = arith.constant 9 : i32
      %add3A_431 = arith.addi %mul3A_429, %add3A_430 : i32
      %mul3A_432 = arith.constant 16 : i32
      %mul3A_433 = arith.muli %add3A_431, %mul3A_432 : i32
      %swap3A_434 = arith.index_cast %mul3A_433 : i32 to index
      %swap3A_435 = tpu.vector_load %arg10[%swap3A_434] {strides = array<i32>} : memref<4096xf32, #tpu.memory_space<vmem>>, vector<16xf32>,
      tpu.vector_store %arg10[%swap3A_434], %gather3A_350 {strides = array<i32>} : memref<4096xf32, #tpu.memory_space<vmem>>, vector<16xf32>,
      %mul3A_436 = arith.constant 16 : i32
      %mul3A_437 = arith.muli %scan3A_182, %mul3A_436 : i32
      %add3A_438 = arith.constant 10 : i32
      %add3A_439 = arith.addi %mul3A_437, %add3A_438 : i32
      %mul3A_440 = arith.constant 16 : i32
      %mul3A_441 = arith.muli %add3A_439, %mul3A_440 : i32
      %swap3A_442 = arith.index_cast %mul3A_441 : i32 to index
      %swap3A_443 = tpu.vector_load %arg10[%swap3A_442] {strides = array<i32>} : memref<4096xf32, #tpu.memory_space<vmem>>, vector<16xf32>,
      tpu.vector_store %arg10[%swap3A_442], %gather3A_351 {strides = array<i32>} : memref<4096xf32, #tpu.memory_space<vmem>>, vector<16xf32>,
      %mul3A_444 = arith.constant 16 : i32
      %mul3A_445 = arith.muli %scan3A_182, %mul3A_444 : i32
      %add3A_446 = arith.constant 11 : i32
      %add3A_447 = arith.addi %mul3A_445, %add3A_446 : i32
      %mul3A_448 = arith.constant 16 : i32
      %mul3A_449 = arith.muli %add3A_447, %mul3A_448 : i32
      %swap3A_450 = arith.index_cast %mul3A_449 : i32 to index
      %swap3A_451 = tpu.vector_load %arg10[%swap3A_450] {strides = array<i32>} : memref<4096xf32, #tpu.memory_space<vmem>>, vector<16xf32>,
      tpu.vector_store %arg10[%swap3A_450], %gather3A_352 {strides = array<i32>} : memref<4096xf32, #tpu.memory_space<vmem>>, vector<16xf32>,
      %mul3A_452 = arith.constant 16 : i32
      %mul3A_453 = arith.muli %scan3A_182, %mul3A_452 : i32
      %add3A_454 = arith.constant 12 : i32
      %add3A_455 = arith.addi %mul3A_453, %add3A_454 : i32
      %mul3A_456 = arith.constant 16 : i32
      %mul3A_457 = arith.muli %add3A_455, %mul3A_456 : i32
      %swap3A_458 = arith.index_cast %mul3A_457 : i32 to index
      %swap3A_459 = tpu.vector_load %arg10[%swap3A_458] {strides = array<i32>} : memref<4096xf32, #tpu.memory_space<vmem>>, vector<16xf32>,
      tpu.vector_store %arg10[%swap3A_458], %gather3A_353 {strides = array<i32>} : memref<4096xf32, #tpu.memory_space<vmem>>, vector<16xf32>,
      %mul3A_460 = arith.constant 16 : i32
      %mul3A_461 = arith.muli %scan3A_182, %mul3A_460 : i32
      %add3A_462 = arith.constant 13 : i32
      %add3A_463 = arith.addi %mul3A_461, %add3A_462 : i32
      %mul3A_464 = arith.constant 16 : i32
      %mul3A_465 = arith.muli %add3A_463, %mul3A_464 : i32
      %swap3A_466 = arith.index_cast %mul3A_465 : i32 to index
      %swap3A_467 = tpu.vector_load %arg10[%swap3A_466] {strides = array<i32>} : memref<4096xf32, #tpu.memory_space<vmem>>, vector<16xf32>,
      tpu.vector_store %arg10[%swap3A_466], %gather3A_354 {strides = array<i32>} : memref<4096xf32, #tpu.memory_space<vmem>>, vector<16xf32>,
      %mul3A_468 = arith.constant 16 : i32
      %mul3A_469 = arith.muli %scan3A_182, %mul3A_468 : i32
      %add3A_470 = arith.constant 14 : i32
      %add3A_471 = arith.addi %mul3A_469, %add3A_470 : i32
      %mul3A_472 = arith.constant 16 : i32
      %mul3A_473 = arith.muli %add3A_471, %mul3A_472 : i32
      %swap3A_474 = arith.index_cast %mul3A_473 : i32 to index
      %swap3A_475 = tpu.vector_load %arg10[%swap3A_474] {strides = array<i32>} : memref<4096xf32, #tpu.memory_space<vmem>>, vector<16xf32>,
      tpu.vector_store %arg10[%swap3A_474], %gather3A_355 {strides = array<i32>} : memref<4096xf32, #tpu.memory_space<vmem>>, vector<16xf32>,
      %mul3A_476 = arith.constant 16 : i32
      %mul3A_477 = arith.muli %scan3A_182, %mul3A_476 : i32
      %add3A_478 = arith.constant 15 : i32
      %add3A_479 = arith.addi %mul3A_477, %add3A_478 : i32
      %mul3A_480 = arith.constant 16 : i32
      %mul3A_481 = arith.muli %add3A_479, %mul3A_480 : i32
      %swap3A_482 = arith.index_cast %mul3A_481 : i32 to index
      %swap3A_483 = tpu.vector_load %arg10[%swap3A_482] {strides = array<i32>} : memref<4096xf32, #tpu.memory_space<vmem>>, vector<16xf32>,
      tpu.vector_store %arg10[%swap3A_482], %gather3A_356 {strides = array<i32>} : memref<4096xf32, #tpu.memory_space<vmem>>, vector<16xf32>,
    }
    %scan3A_69 = arith.constant 16 : i32
    %add3A_70 = arith.constant 0 : i32
    %add3A_71 = arith.addi %add3A_70, %add3A : i32
    %dma_start3A_72 = arith.constant 12288 : i32
    %dma_start3A_73 = tpu.memref_slice %arg6[%add3A_71, %dma_start3A_72] : memref<64x16384xf32, #tpu.memory_space<hbm>> -> memref<1x4096xf32, #tpu.memory_space<hbm>>
    %dma_start3A_74 = tpu.memref_squeeze %dma_start3A_73 : memref<1x4096xf32, #tpu.memory_space<hbm>> -> memref<4096xf32, #tpu.memory_space<hbm>>
    %dma_start3A_75 = arith.constant 12288 : i32
    %dma_start3A_76 = tpu.memref_slice %arg6[%add3A_71, %dma_start3A_75] : memref<64x16384xf32, #tpu.memory_space<hbm>> -> memref<1x4096xf32, #tpu.memory_space<hbm>>
    %dma_start3A_77 = tpu.memref_squeeze %dma_start3A_76 : memref<1x4096xf32, #tpu.memory_space<hbm>> -> memref<4096xf32, #tpu.memory_space<hbm>>
    tpu.enqueue_dma source(%arg10 : memref<4096xf32, #tpu.memory_space<vmem>>) target(%dma_start3A_77 : memref<4096xf32, #tpu.memory_space<hbm>>) target_semaphore(%arg13 : memref<!tpu.dma_semaphore, #tpu.memory_space<semaphore_mem>>)
    %dma_wait3A_78 = arith.constant 8192 : i32
    %dma_wait3A_79 = tpu.memref_slice %arg6[%add3A_51, %dma_wait3A_78] : memref<64x16384xf32, #tpu.memory_space<hbm>> -> memref<1x4096xf32, #tpu.memory_space<hbm>>
    %dma_wait3A_80 = tpu.memref_squeeze %dma_wait3A_79 : memref<1x4096xf32, #tpu.memory_space<hbm>> -> memref<4096xf32, #tpu.memory_space<hbm>>
    %dma_wait3A_81 = arith.constant 8192 : i32
    %dma_wait3A_82 = tpu.memref_slice %arg6[%add3A_51, %dma_wait3A_81] : memref<64x16384xf32, #tpu.memory_space<hbm>> -> memref<1x4096xf32, #tpu.memory_space<hbm>>
    %dma_wait3A_83 = tpu.memref_squeeze %dma_wait3A_82 : memref<1x4096xf32, #tpu.memory_space<hbm>> -> memref<4096xf32, #tpu.memory_space<hbm>>
    tpu.wait_dma2 semaphore(%arg12 : memref<!tpu.dma_semaphore, #tpu.memory_space<semaphore_mem>>) src(%arg9 : memref<4096xf32, #tpu.memory_space<vmem>>) dst(%dma_wait3A_83 : memref<4096xf32, #tpu.memory_space<hbm>>)
    %dma_wait3A_84 = arith.constant 12288 : i32
    %dma_wait3A_85 = tpu.memref_slice %arg6[%add3A_71, %dma_wait3A_84] : memref<64x16384xf32, #tpu.memory_space<hbm>> -> memref<1x4096xf32, #tpu.memory_space<hbm>>
    %dma_wait3A_86 = tpu.memref_squeeze %dma_wait3A_85 : memref<1x4096xf32, #tpu.memory_space<hbm>> -> memref<4096xf32, #tpu.memory_space<hbm>>
    %dma_wait3A_87 = arith.constant 12288 : i32
    %dma_wait3A_88 = tpu.memref_slice %arg6[%add3A_71, %dma_wait3A_87] : memref<64x16384xf32, #tpu.memory_space<hbm>> -> memref<1x4096xf32, #tpu.memory_space<hbm>>
    %dma_wait3A_89 = tpu.memref_squeeze %dma_wait3A_88 : memref<1x4096xf32, #tpu.memory_space<hbm>> -> memref<4096xf32, #tpu.memory_space<hbm>>
    tpu.wait_dma2 semaphore(%arg13 : memref<!tpu.dma_semaphore, #tpu.memory_space<semaphore_mem>>) src(%arg10 : memref<4096xf32, #tpu.memory_space<vmem>>) dst(%dma_wait3A_89 : memref<4096xf32, #tpu.memory_space<hbm>>)
    %dma_start3A_90 = arith.constant 0 : i32
    %dma_start3A_91 = tpu.memref_slice %arg3[%add3A, %dma_start3A_90] : memref<32x100000xf32, #tpu.memory_space<hbm>> -> memref<1x100000xf32, #tpu.memory_space<hbm>>
    %dma_start3A_92 = tpu.memref_squeeze %dma_start3A_91 : memref<1x100000xf32, #tpu.memory_space<hbm>> -> memref<100000xf32, #tpu.memory_space<hbm>>
    %dma_start3A_93 = arith.constant 0 : i32
    %dma_start3A_94 = tpu.memref_slice %arg3[%add3A, %dma_start3A_93] : memref<32x100000xf32, #tpu.memory_space<hbm>> -> memref<1x100000xf32, #tpu.memory_space<hbm>>
    %dma_start3A_95 = tpu.memref_squeeze %dma_start3A_94 : memref<1x100000xf32, #tpu.memory_space<hbm>> -> memref<100000xf32, #tpu.memory_space<hbm>>
    tpu.enqueue_dma source(%dma_start3A_95 : memref<100000xf32, #tpu.memory_space<hbm>>) target(%arg7 : memref<100000xf32, #tpu.memory_space<vmem>>) target_semaphore(%arg11 : memref<!tpu.dma_semaphore, #tpu.memory_space<semaphore_mem>>)
    tpu.enqueue_dma source(%arg5 : memref<16384xi32, #tpu.memory_space<hbm>>) target(%arg8 : memref<16384xi32, #tpu.memory_space<vmem>>) target_semaphore(%arg12 : memref<!tpu.dma_semaphore, #tpu.memory_space<semaphore_mem>>)
    tpu.wait_dma2 semaphore(%arg12 : memref<!tpu.dma_semaphore, #tpu.memory_space<semaphore_mem>>) src(%arg5 : memref<16384xi32, #tpu.memory_space<hbm>>) dst(%arg8 : memref<16384xi32, #tpu.memory_space<vmem>>)
    %dma_wait3A_96 = arith.constant 0 : i32
    %dma_wait3A_97 = tpu.memref_slice %arg3[%add3A, %dma_wait3A_96] : memref<32x100000xf32, #tpu.memory_space<hbm>> -> memref<1x100000xf32, #tpu.memory_space<hbm>>
    %dma_wait3A_98 = tpu.memref_squeeze %dma_wait3A_97 : memref<1x100000xf32, #tpu.memory_space<hbm>> -> memref<100000xf32, #tpu.memory_space<hbm>>
    %dma_wait3A_99 = arith.constant 0 : i32
    %dma_wait3A_100 = tpu.memref_slice %arg3[%add3A, %dma_wait3A_99] : memref<32x100000xf32, #tpu.memory_space<hbm>> -> memref<1x100000xf32, #tpu.memory_space<hbm>>
    %dma_wait3A_101 = tpu.memref_squeeze %dma_wait3A_100 : memref<1x100000xf32, #tpu.memory_space<hbm>> -> memref<100000xf32, #tpu.memory_space<hbm>>
    tpu.wait_dma2 semaphore(%arg11 : memref<!tpu.dma_semaphore, #tpu.memory_space<semaphore_mem>>) src(%dma_wait3A_101 : memref<100000xf32, #tpu.memory_space<hbm>>) dst(%arg7 : memref<100000xf32, #tpu.memory_space<vmem>>)
    %scan3A_102 = arith.constant 0 : i32
    %scan3A_103 = arith.constant 0 : i32
    %scan3A_104 = arith.constant 16 : i32
    %scan3A_105 = arith.addi %scan3A_103, %scan3A_104 : i32
    %scan3A_106 = arith.constant 1 : i32
    scf.for %scan3A_182 = %scan3A_103 to %scan3A_105 step %scan3A_106  : i32 {
      %mul3A_183 = arith.constant 16 : i32
      %mul3A_184 = arith.muli %scan3A_182, %mul3A_183 : i32
      %add3A_185 = arith.constant 0 : i32
      %add3A_186 = arith.addi %mul3A_184, %add3A_185 : i32
      %mul3A_187 = arith.constant 16 : i32
      %mul3A_188 = arith.muli %add3A_186, %mul3A_187 : i32
      %add3A_189 = arith.constant 0 : i32
      %add3A_190 = arith.addi %add3A_189, %mul3A_188 : i32
      %get3A = arith.index_cast %add3A_190 : i32 to index
      %get3A_191 = tpu.vector_load %arg8[%get3A] {strides = array<i32>} : memref<16384xi32, #tpu.memory_space<vmem>>, vector<16xi32>,
      %mul3A_192 = arith.constant 16 : i32
      %mul3A_193 = arith.muli %scan3A_182, %mul3A_192 : i32
      %add3A_194 = arith.constant 1 : i32
      %add3A_195 = arith.addi %mul3A_193, %add3A_194 : i32
      %mul3A_196 = arith.constant 16 : i32
      %mul3A_197 = arith.muli %add3A_195, %mul3A_196 : i32
      %add3A_198 = arith.constant 0 : i32
      %add3A_199 = arith.addi %add3A_198, %mul3A_197 : i32
      %get3A_200 = arith.index_cast %add3A_199 : i32 to index
      %get3A_201 = tpu.vector_load %arg8[%get3A_200] {strides = array<i32>} : memref<16384xi32, #tpu.memory_space<vmem>>, vector<16xi32>,
      %mul3A_202 = arith.constant 16 : i32
      %mul3A_203 = arith.muli %scan3A_182, %mul3A_202 : i32
      %add3A_204 = arith.constant 2 : i32
      %add3A_205 = arith.addi %mul3A_203, %add3A_204 : i32
      %mul3A_206 = arith.constant 16 : i32
      %mul3A_207 = arith.muli %add3A_205, %mul3A_206 : i32
      %add3A_208 = arith.constant 0 : i32
      %add3A_209 = arith.addi %add3A_208, %mul3A_207 : i32
      %get3A_210 = arith.index_cast %add3A_209 : i32 to index
      %get3A_211 = tpu.vector_load %arg8[%get3A_210] {strides = array<i32>} : memref<16384xi32, #tpu.memory_space<vmem>>, vector<16xi32>,
      %mul3A_212 = arith.constant 16 : i32
      %mul3A_213 = arith.muli %scan3A_182, %mul3A_212 : i32
      %add3A_214 = arith.constant 3 : i32
      %add3A_215 = arith.addi %mul3A_213, %add3A_214 : i32
      %mul3A_216 = arith.constant 16 : i32
      %mul3A_217 = arith.muli %add3A_215, %mul3A_216 : i32
      %add3A_218 = arith.constant 0 : i32
      %add3A_219 = arith.addi %add3A_218, %mul3A_217 : i32
      %get3A_220 = arith.index_cast %add3A_219 : i32 to index
      %get3A_221 = tpu.vector_load %arg8[%get3A_220] {strides = array<i32>} : memref<16384xi32, #tpu.memory_space<vmem>>, vector<16xi32>,
      %mul3A_222 = arith.constant 16 : i32
      %mul3A_223 = arith.muli %scan3A_182, %mul3A_222 : i32
      %add3A_224 = arith.constant 4 : i32
      %add3A_225 = arith.addi %mul3A_223, %add3A_224 : i32
      %mul3A_226 = arith.constant 16 : i32
      %mul3A_227 = arith.muli %add3A_225, %mul3A_226 : i32
      %add3A_228 = arith.constant 0 : i32
      %add3A_229 = arith.addi %add3A_228, %mul3A_227 : i32
      %get3A_230 = arith.index_cast %add3A_229 : i32 to index
      %get3A_231 = tpu.vector_load %arg8[%get3A_230] {strides = array<i32>} : memref<16384xi32, #tpu.memory_space<vmem>>, vector<16xi32>,
      %mul3A_232 = arith.constant 16 : i32
      %mul3A_233 = arith.muli %scan3A_182, %mul3A_232 : i32
      %add3A_234 = arith.constant 5 : i32
      %add3A_235 = arith.addi %mul3A_233, %add3A_234 : i32
      %mul3A_236 = arith.constant 16 : i32
      %mul3A_237 = arith.muli %add3A_235, %mul3A_236 : i32
      %add3A_238 = arith.constant 0 : i32
      %add3A_239 = arith.addi %add3A_238, %mul3A_237 : i32
      %get3A_240 = arith.index_cast %add3A_239 : i32 to index
      %get3A_241 = tpu.vector_load %arg8[%get3A_240] {strides = array<i32>} : memref<16384xi32, #tpu.memory_space<vmem>>, vector<16xi32>,
      %mul3A_242 = arith.constant 16 : i32
      %mul3A_243 = arith.muli %scan3A_182, %mul3A_242 : i32
      %add3A_244 = arith.constant 6 : i32
      %add3A_245 = arith.addi %mul3A_243, %add3A_244 : i32
      %mul3A_246 = arith.constant 16 : i32
      %mul3A_247 = arith.muli %add3A_245, %mul3A_246 : i32
      %add3A_248 = arith.constant 0 : i32
      %add3A_249 = arith.addi %add3A_248, %mul3A_247 : i32
      %get3A_250 = arith.index_cast %add3A_249 : i32 to index
      %get3A_251 = tpu.vector_load %arg8[%get3A_250] {strides = array<i32>} : memref<16384xi32, #tpu.memory_space<vmem>>, vector<16xi32>,
      %mul3A_252 = arith.constant 16 : i32
      %mul3A_253 = arith.muli %scan3A_182, %mul3A_252 : i32
      %add3A_254 = arith.constant 7 : i32
      %add3A_255 = arith.addi %mul3A_253, %add3A_254 : i32
      %mul3A_256 = arith.constant 16 : i32
      %mul3A_257 = arith.muli %add3A_255, %mul3A_256 : i32
      %add3A_258 = arith.constant 0 : i32
      %add3A_259 = arith.addi %add3A_258, %mul3A_257 : i32
      %get3A_260 = arith.index_cast %add3A_259 : i32 to index
      %get3A_261 = tpu.vector_load %arg8[%get3A_260] {strides = array<i32>} : memref<16384xi32, #tpu.memory_space<vmem>>, vector<16xi32>,
      %mul3A_262 = arith.constant 16 : i32
      %mul3A_263 = arith.muli %scan3A_182, %mul3A_262 : i32
      %add3A_264 = arith.constant 8 : i32
      %add3A_265 = arith.addi %mul3A_263, %add3A_264 : i32
      %mul3A_266 = arith.constant 16 : i32
      %mul3A_267 = arith.muli %add3A_265, %mul3A_266 : i32
      %add3A_268 = arith.constant 0 : i32
      %add3A_269 = arith.addi %add3A_268, %mul3A_267 : i32
      %get3A_270 = arith.index_cast %add3A_269 : i32 to index
      %get3A_271 = tpu.vector_load %arg8[%get3A_270] {strides = array<i32>} : memref<16384xi32, #tpu.memory_space<vmem>>, vector<16xi32>,
      %mul3A_272 = arith.constant 16 : i32
      %mul3A_273 = arith.muli %scan3A_182, %mul3A_272 : i32
      %add3A_274 = arith.constant 9 : i32
      %add3A_275 = arith.addi %mul3A_273, %add3A_274 : i32
      %mul3A_276 = arith.constant 16 : i32
      %mul3A_277 = arith.muli %add3A_275, %mul3A_276 : i32
      %add3A_278 = arith.constant 0 : i32
      %add3A_279 = arith.addi %add3A_278, %mul3A_277 : i32
      %get3A_280 = arith.index_cast %add3A_279 : i32 to index
      %get3A_281 = tpu.vector_load %arg8[%get3A_280] {strides = array<i32>} : memref<16384xi32, #tpu.memory_space<vmem>>, vector<16xi32>,
      %mul3A_282 = arith.constant 16 : i32
      %mul3A_283 = arith.muli %scan3A_182, %mul3A_282 : i32
      %add3A_284 = arith.constant 10 : i32
      %add3A_285 = arith.addi %mul3A_283, %add3A_284 : i32
      %mul3A_286 = arith.constant 16 : i32
      %mul3A_287 = arith.muli %add3A_285, %mul3A_286 : i32
      %add3A_288 = arith.constant 0 : i32
      %add3A_289 = arith.addi %add3A_288, %mul3A_287 : i32
      %get3A_290 = arith.index_cast %add3A_289 : i32 to index
      %get3A_291 = tpu.vector_load %arg8[%get3A_290] {strides = array<i32>} : memref<16384xi32, #tpu.memory_space<vmem>>, vector<16xi32>,
      %mul3A_292 = arith.constant 16 : i32
      %mul3A_293 = arith.muli %scan3A_182, %mul3A_292 : i32
      %add3A_294 = arith.constant 11 : i32
      %add3A_295 = arith.addi %mul3A_293, %add3A_294 : i32
      %mul3A_296 = arith.constant 16 : i32
      %mul3A_297 = arith.muli %add3A_295, %mul3A_296 : i32
      %add3A_298 = arith.constant 0 : i32
      %add3A_299 = arith.addi %add3A_298, %mul3A_297 : i32
      %get3A_300 = arith.index_cast %add3A_299 : i32 to index
      %get3A_301 = tpu.vector_load %arg8[%get3A_300] {strides = array<i32>} : memref<16384xi32, #tpu.memory_space<vmem>>, vector<16xi32>,
      %mul3A_302 = arith.constant 16 : i32
      %mul3A_303 = arith.muli %scan3A_182, %mul3A_302 : i32
      %add3A_304 = arith.constant 12 : i32
      %add3A_305 = arith.addi %mul3A_303, %add3A_304 : i32
      %mul3A_306 = arith.constant 16 : i32
      %mul3A_307 = arith.muli %add3A_305, %mul3A_306 : i32
      %add3A_308 = arith.constant 0 : i32
      %add3A_309 = arith.addi %add3A_308, %mul3A_307 : i32
      %get3A_310 = arith.index_cast %add3A_309 : i32 to index
      %get3A_311 = tpu.vector_load %arg8[%get3A_310] {strides = array<i32>} : memref<16384xi32, #tpu.memory_space<vmem>>, vector<16xi32>,
      %mul3A_312 = arith.constant 16 : i32
      %mul3A_313 = arith.muli %scan3A_182, %mul3A_312 : i32
      %add3A_314 = arith.constant 13 : i32
      %add3A_315 = arith.addi %mul3A_313, %add3A_314 : i32
      %mul3A_316 = arith.constant 16 : i32
      %mul3A_317 = arith.muli %add3A_315, %mul3A_316 : i32
      %add3A_318 = arith.constant 0 : i32
      %add3A_319 = arith.addi %add3A_318, %mul3A_317 : i32
      %get3A_320 = arith.index_cast %add3A_319 : i32 to index
      %get3A_321 = tpu.vector_load %arg8[%get3A_320] {strides = array<i32>} : memref<16384xi32, #tpu.memory_space<vmem>>, vector<16xi32>,
      %mul3A_322 = arith.constant 16 : i32
      %mul3A_323 = arith.muli %scan3A_182, %mul3A_322 : i32
      %add3A_324 = arith.constant 14 : i32
      %add3A_325 = arith.addi %mul3A_323, %add3A_324 : i32
      %mul3A_326 = arith.constant 16 : i32
      %mul3A_327 = arith.muli %add3A_325, %mul3A_326 : i32
      %add3A_328 = arith.constant 0 : i32
      %add3A_329 = arith.addi %add3A_328, %mul3A_327 : i32
      %get3A_330 = arith.index_cast %add3A_329 : i32 to index
      %get3A_331 = tpu.vector_load %arg8[%get3A_330] {strides = array<i32>} : memref<16384xi32, #tpu.memory_space<vmem>>, vector<16xi32>,
      %mul3A_332 = arith.constant 16 : i32
      %mul3A_333 = arith.muli %scan3A_182, %mul3A_332 : i32
      %add3A_334 = arith.constant 15 : i32
      %add3A_335 = arith.addi %mul3A_333, %add3A_334 : i32
      %mul3A_336 = arith.constant 16 : i32
      %mul3A_337 = arith.muli %add3A_335, %mul3A_336 : i32
      %add3A_338 = arith.constant 0 : i32
      %add3A_339 = arith.addi %add3A_338, %mul3A_337 : i32
      %get3A_340 = arith.index_cast %add3A_339 : i32 to index
      %get3A_341 = tpu.vector_load %arg8[%get3A_340] {strides = array<i32>} : memref<16384xi32, #tpu.memory_space<vmem>>, vector<16xi32>,
      %gather3A = tpu.vector_load_idx %arg7[%get3A_191] : memref<100000xf32, #tpu.memory_space<vmem>>[vector<16xi32>], vector<16xf32>,
      %gather3A_342 = tpu.vector_load_idx %arg7[%get3A_201] : memref<100000xf32, #tpu.memory_space<vmem>>[vector<16xi32>], vector<16xf32>,
      %gather3A_343 = tpu.vector_load_idx %arg7[%get3A_211] : memref<100000xf32, #tpu.memory_space<vmem>>[vector<16xi32>], vector<16xf32>,
      %gather3A_344 = tpu.vector_load_idx %arg7[%get3A_221] : memref<100000xf32, #tpu.memory_space<vmem>>[vector<16xi32>], vector<16xf32>,
      %gather3A_345 = tpu.vector_load_idx %arg7[%get3A_231] : memref<100000xf32, #tpu.memory_space<vmem>>[vector<16xi32>], vector<16xf32>,
      %gather3A_346 = tpu.vector_load_idx %arg7[%get3A_241] : memref<100000xf32, #tpu.memory_space<vmem>>[vector<16xi32>], vector<16xf32>,
      %gather3A_347 = tpu.vector_load_idx %arg7[%get3A_251] : memref<100000xf32, #tpu.memory_space<vmem>>[vector<16xi32>], vector<16xf32>,
      %gather3A_348 = tpu.vector_load_idx %arg7[%get3A_261] : memref<100000xf32, #tpu.memory_space<vmem>>[vector<16xi32>], vector<16xf32>,
      %gather3A_349 = tpu.vector_load_idx %arg7[%get3A_271] : memref<100000xf32, #tpu.memory_space<vmem>>[vector<16xi32>], vector<16xf32>,
      %gather3A_350 = tpu.vector_load_idx %arg7[%get3A_281] : memref<100000xf32, #tpu.memory_space<vmem>>[vector<16xi32>], vector<16xf32>,
      %gather3A_351 = tpu.vector_load_idx %arg7[%get3A_291] : memref<100000xf32, #tpu.memory_space<vmem>>[vector<16xi32>], vector<16xf32>,
      %gather3A_352 = tpu.vector_load_idx %arg7[%get3A_301] : memref<100000xf32, #tpu.memory_space<vmem>>[vector<16xi32>], vector<16xf32>,
      %gather3A_353 = tpu.vector_load_idx %arg7[%get3A_311] : memref<100000xf32, #tpu.memory_space<vmem>>[vector<16xi32>], vector<16xf32>,
      %gather3A_354 = tpu.vector_load_idx %arg7[%get3A_321] : memref<100000xf32, #tpu.memory_space<vmem>>[vector<16xi32>], vector<16xf32>,
      %gather3A_355 = tpu.vector_load_idx %arg7[%get3A_331] : memref<100000xf32, #tpu.memory_space<vmem>>[vector<16xi32>], vector<16xf32>,
      %gather3A_356 = tpu.vector_load_idx %arg7[%get3A_341] : memref<100000xf32, #tpu.memory_space<vmem>>[vector<16xi32>], vector<16xf32>,
      %mul3A_357 = arith.constant 16 : i32
      %mul3A_358 = arith.muli %scan3A_182, %mul3A_357 : i32
      %add3A_359 = arith.constant 0 : i32
      %add3A_360 = arith.addi %mul3A_358, %add3A_359 : i32
      %mul3A_361 = arith.constant 16 : i32
      %mul3A_362 = arith.muli %add3A_360, %mul3A_361 : i32
      %swap3A = arith.index_cast %mul3A_362 : i32 to index
      %swap3A_363 = tpu.vector_load %arg9[%swap3A] {strides = array<i32>} : memref<4096xf32, #tpu.memory_space<vmem>>, vector<16xf32>,
      tpu.vector_store %arg9[%swap3A], %gather3A {strides = array<i32>} : memref<4096xf32, #tpu.memory_space<vmem>>, vector<16xf32>,
      %mul3A_364 = arith.constant 16 : i32
      %mul3A_365 = arith.muli %scan3A_182, %mul3A_364 : i32
      %add3A_366 = arith.constant 1 : i32
      %add3A_367 = arith.addi %mul3A_365, %add3A_366 : i32
      %mul3A_368 = arith.constant 16 : i32
      %mul3A_369 = arith.muli %add3A_367, %mul3A_368 : i32
      %swap3A_370 = arith.index_cast %mul3A_369 : i32 to index
      %swap3A_371 = tpu.vector_load %arg9[%swap3A_370] {strides = array<i32>} : memref<4096xf32, #tpu.memory_space<vmem>>, vector<16xf32>,
      tpu.vector_store %arg9[%swap3A_370], %gather3A_342 {strides = array<i32>} : memref<4096xf32, #tpu.memory_space<vmem>>, vector<16xf32>,
      %mul3A_372 = arith.constant 16 : i32
      %mul3A_373 = arith.muli %scan3A_182, %mul3A_372 : i32
      %add3A_374 = arith.constant 2 : i32
      %add3A_375 = arith.addi %mul3A_373, %add3A_374 : i32
      %mul3A_376 = arith.constant 16 : i32
      %mul3A_377 = arith.muli %add3A_375, %mul3A_376 : i32
      %swap3A_378 = arith.index_cast %mul3A_377 : i32 to index
      %swap3A_379 = tpu.vector_load %arg9[%swap3A_378] {strides = array<i32>} : memref<4096xf32, #tpu.memory_space<vmem>>, vector<16xf32>,
      tpu.vector_store %arg9[%swap3A_378], %gather3A_343 {strides = array<i32>} : memref<4096xf32, #tpu.memory_space<vmem>>, vector<16xf32>,
      %mul3A_380 = arith.constant 16 : i32
      %mul3A_381 = arith.muli %scan3A_182, %mul3A_380 : i32
      %add3A_382 = arith.constant 3 : i32
      %add3A_383 = arith.addi %mul3A_381, %add3A_382 : i32
      %mul3A_384 = arith.constant 16 : i32
      %mul3A_385 = arith.muli %add3A_383, %mul3A_384 : i32
      %swap3A_386 = arith.index_cast %mul3A_385 : i32 to index
      %swap3A_387 = tpu.vector_load %arg9[%swap3A_386] {strides = array<i32>} : memref<4096xf32, #tpu.memory_space<vmem>>, vector<16xf32>,
      tpu.vector_store %arg9[%swap3A_386], %gather3A_344 {strides = array<i32>} : memref<4096xf32, #tpu.memory_space<vmem>>, vector<16xf32>,
      %mul3A_388 = arith.constant 16 : i32
      %mul3A_389 = arith.muli %scan3A_182, %mul3A_388 : i32
      %add3A_390 = arith.constant 4 : i32
      %add3A_391 = arith.addi %mul3A_389, %add3A_390 : i32
      %mul3A_392 = arith.constant 16 : i32
      %mul3A_393 = arith.muli %add3A_391, %mul3A_392 : i32
      %swap3A_394 = arith.index_cast %mul3A_393 : i32 to index
      %swap3A_395 = tpu.vector_load %arg9[%swap3A_394] {strides = array<i32>} : memref<4096xf32, #tpu.memory_space<vmem>>, vector<16xf32>,
      tpu.vector_store %arg9[%swap3A_394], %gather3A_345 {strides = array<i32>} : memref<4096xf32, #tpu.memory_space<vmem>>, vector<16xf32>,
      %mul3A_396 = arith.constant 16 : i32
      %mul3A_397 = arith.muli %scan3A_182, %mul3A_396 : i32
      %add3A_398 = arith.constant 5 : i32
      %add3A_399 = arith.addi %mul3A_397, %add3A_398 : i32
      %mul3A_400 = arith.constant 16 : i32
      %mul3A_401 = arith.muli %add3A_399, %mul3A_400 : i32
      %swap3A_402 = arith.index_cast %mul3A_401 : i32 to index
      %swap3A_403 = tpu.vector_load %arg9[%swap3A_402] {strides = array<i32>} : memref<4096xf32, #tpu.memory_space<vmem>>, vector<16xf32>,
      tpu.vector_store %arg9[%swap3A_402], %gather3A_346 {strides = array<i32>} : memref<4096xf32, #tpu.memory_space<vmem>>, vector<16xf32>,
      %mul3A_404 = arith.constant 16 : i32
      %mul3A_405 = arith.muli %scan3A_182, %mul3A_404 : i32
      %add3A_406 = arith.constant 6 : i32
      %add3A_407 = arith.addi %mul3A_405, %add3A_406 : i32
      %mul3A_408 = arith.constant 16 : i32
      %mul3A_409 = arith.muli %add3A_407, %mul3A_408 : i32
      %swap3A_410 = arith.index_cast %mul3A_409 : i32 to index
      %swap3A_411 = tpu.vector_load %arg9[%swap3A_410] {strides = array<i32>} : memref<4096xf32, #tpu.memory_space<vmem>>, vector<16xf32>,
      tpu.vector_store %arg9[%swap3A_410], %gather3A_347 {strides = array<i32>} : memref<4096xf32, #tpu.memory_space<vmem>>, vector<16xf32>,
      %mul3A_412 = arith.constant 16 : i32
      %mul3A_413 = arith.muli %scan3A_182, %mul3A_412 : i32
      %add3A_414 = arith.constant 7 : i32
      %add3A_415 = arith.addi %mul3A_413, %add3A_414 : i32
      %mul3A_416 = arith.constant 16 : i32
      %mul3A_417 = arith.muli %add3A_415, %mul3A_416 : i32
      %swap3A_418 = arith.index_cast %mul3A_417 : i32 to index
      %swap3A_419 = tpu.vector_load %arg9[%swap3A_418] {strides = array<i32>} : memref<4096xf32, #tpu.memory_space<vmem>>, vector<16xf32>,
      tpu.vector_store %arg9[%swap3A_418], %gather3A_348 {strides = array<i32>} : memref<4096xf32, #tpu.memory_space<vmem>>, vector<16xf32>,
      %mul3A_420 = arith.constant 16 : i32
      %mul3A_421 = arith.muli %scan3A_182, %mul3A_420 : i32
      %add3A_422 = arith.constant 8 : i32
      %add3A_423 = arith.addi %mul3A_421, %add3A_422 : i32
      %mul3A_424 = arith.constant 16 : i32
      %mul3A_425 = arith.muli %add3A_423, %mul3A_424 : i32
      %swap3A_426 = arith.index_cast %mul3A_425 : i32 to index
      %swap3A_427 = tpu.vector_load %arg9[%swap3A_426] {strides = array<i32>} : memref<4096xf32, #tpu.memory_space<vmem>>, vector<16xf32>,
      tpu.vector_store %arg9[%swap3A_426], %gather3A_349 {strides = array<i32>} : memref<4096xf32, #tpu.memory_space<vmem>>, vector<16xf32>,
      %mul3A_428 = arith.constant 16 : i32
      %mul3A_429 = arith.muli %scan3A_182, %mul3A_428 : i32
      %add3A_430 = arith.constant 9 : i32
      %add3A_431 = arith.addi %mul3A_429, %add3A_430 : i32
      %mul3A_432 = arith.constant 16 : i32
      %mul3A_433 = arith.muli %add3A_431, %mul3A_432 : i32
      %swap3A_434 = arith.index_cast %mul3A_433 : i32 to index
      %swap3A_435 = tpu.vector_load %arg9[%swap3A_434] {strides = array<i32>} : memref<4096xf32, #tpu.memory_space<vmem>>, vector<16xf32>,
      tpu.vector_store %arg9[%swap3A_434], %gather3A_350 {strides = array<i32>} : memref<4096xf32, #tpu.memory_space<vmem>>, vector<16xf32>,
      %mul3A_436 = arith.constant 16 : i32
      %mul3A_437 = arith.muli %scan3A_182, %mul3A_436 : i32
      %add3A_438 = arith.constant 10 : i32
      %add3A_439 = arith.addi %mul3A_437, %add3A_438 : i32
      %mul3A_440 = arith.constant 16 : i32
      %mul3A_441 = arith.muli %add3A_439, %mul3A_440 : i32
      %swap3A_442 = arith.index_cast %mul3A_441 : i32 to index
      %swap3A_443 = tpu.vector_load %arg9[%swap3A_442] {strides = array<i32>} : memref<4096xf32, #tpu.memory_space<vmem>>, vector<16xf32>,
      tpu.vector_store %arg9[%swap3A_442], %gather3A_351 {strides = array<i32>} : memref<4096xf32, #tpu.memory_space<vmem>>, vector<16xf32>,
      %mul3A_444 = arith.constant 16 : i32
      %mul3A_445 = arith.muli %scan3A_182, %mul3A_444 : i32
      %add3A_446 = arith.constant 11 : i32
      %add3A_447 = arith.addi %mul3A_445, %add3A_446 : i32
      %mul3A_448 = arith.constant 16 : i32
      %mul3A_449 = arith.muli %add3A_447, %mul3A_448 : i32
      %swap3A_450 = arith.index_cast %mul3A_449 : i32 to index
      %swap3A_451 = tpu.vector_load %arg9[%swap3A_450] {strides = array<i32>} : memref<4096xf32, #tpu.memory_space<vmem>>, vector<16xf32>,
      tpu.vector_store %arg9[%swap3A_450], %gather3A_352 {strides = array<i32>} : memref<4096xf32, #tpu.memory_space<vmem>>, vector<16xf32>,
      %mul3A_452 = arith.constant 16 : i32
      %mul3A_453 = arith.muli %scan3A_182, %mul3A_452 : i32
      %add3A_454 = arith.constant 12 : i32
      %add3A_455 = arith.addi %mul3A_453, %add3A_454 : i32
      %mul3A_456 = arith.constant 16 : i32
      %mul3A_457 = arith.muli %add3A_455, %mul3A_456 : i32
      %swap3A_458 = arith.index_cast %mul3A_457 : i32 to index
      %swap3A_459 = tpu.vector_load %arg9[%swap3A_458] {strides = array<i32>} : memref<4096xf32, #tpu.memory_space<vmem>>, vector<16xf32>,
      tpu.vector_store %arg9[%swap3A_458], %gather3A_353 {strides = array<i32>} : memref<4096xf32, #tpu.memory_space<vmem>>, vector<16xf32>,
      %mul3A_460 = arith.constant 16 : i32
      %mul3A_461 = arith.muli %scan3A_182, %mul3A_460 : i32
      %add3A_462 = arith.constant 13 : i32
      %add3A_463 = arith.addi %mul3A_461, %add3A_462 : i32
      %mul3A_464 = arith.constant 16 : i32
      %mul3A_465 = arith.muli %add3A_463, %mul3A_464 : i32
      %swap3A_466 = arith.index_cast %mul3A_465 : i32 to index
      %swap3A_467 = tpu.vector_load %arg9[%swap3A_466] {strides = array<i32>} : memref<4096xf32, #tpu.memory_space<vmem>>, vector<16xf32>,
      tpu.vector_store %arg9[%swap3A_466], %gather3A_354 {strides = array<i32>} : memref<4096xf32, #tpu.memory_space<vmem>>, vector<16xf32>,
      %mul3A_468 = arith.constant 16 : i32
      %mul3A_469 = arith.muli %scan3A_182, %mul3A_468 : i32
      %add3A_470 = arith.constant 14 : i32
      %add3A_471 = arith.addi %mul3A_469, %add3A_470 : i32
      %mul3A_472 = arith.constant 16 : i32
      %mul3A_473 = arith.muli %add3A_471, %mul3A_472 : i32
      %swap3A_474 = arith.index_cast %mul3A_473 : i32 to index
      %swap3A_475 = tpu.vector_load %arg9[%swap3A_474] {strides = array<i32>} : memref<4096xf32, #tpu.memory_space<vmem>>, vector<16xf32>,
      tpu.vector_store %arg9[%swap3A_474], %gather3A_355 {strides = array<i32>} : memref<4096xf32, #tpu.memory_space<vmem>>, vector<16xf32>,
      %mul3A_476 = arith.constant 16 : i32
      %mul3A_477 = arith.muli %scan3A_182, %mul3A_476 : i32
      %add3A_478 = arith.constant 15 : i32
      %add3A_479 = arith.addi %mul3A_477, %add3A_478 : i32
      %mul3A_480 = arith.constant 16 : i32
      %mul3A_481 = arith.muli %add3A_479, %mul3A_480 : i32
      %swap3A_482 = arith.index_cast %mul3A_481 : i32 to index
      %swap3A_483 = tpu.vector_load %arg9[%swap3A_482] {strides = array<i32>} : memref<4096xf32, #tpu.memory_space<vmem>>, vector<16xf32>,
      tpu.vector_store %arg9[%swap3A_482], %gather3A_356 {strides = array<i32>} : memref<4096xf32, #tpu.memory_space<vmem>>, vector<16xf32>,
    }
    %scan3A_107 = arith.constant 16 : i32
    %add3A_108 = arith.constant 32 : i32
    %add3A_109 = arith.addi %add3A_108, %add3A : i32
    %dma_start3A_110 = arith.constant 0 : i32
    %dma_start3A_111 = tpu.memref_slice %arg6[%add3A_109, %dma_start3A_110] : memref<64x16384xf32, #tpu.memory_space<hbm>> -> memref<1x4096xf32, #tpu.memory_space<hbm>>
    %dma_start3A_112 = tpu.memref_squeeze %dma_start3A_111 : memref<1x4096xf32, #tpu.memory_space<hbm>> -> memref<4096xf32, #tpu.memory_space<hbm>>
    %dma_start3A_113 = arith.constant 0 : i32
    %dma_start3A_114 = tpu.memref_slice %arg6[%add3A_109, %dma_start3A_113] : memref<64x16384xf32, #tpu.memory_space<hbm>> -> memref<1x4096xf32, #tpu.memory_space<hbm>>
    %dma_start3A_115 = tpu.memref_squeeze %dma_start3A_114 : memref<1x4096xf32, #tpu.memory_space<hbm>> -> memref<4096xf32, #tpu.memory_space<hbm>>
    tpu.enqueue_dma source(%arg9 : memref<4096xf32, #tpu.memory_space<vmem>>) target(%dma_start3A_115 : memref<4096xf32, #tpu.memory_space<hbm>>) target_semaphore(%arg12 : memref<!tpu.dma_semaphore, #tpu.memory_space<semaphore_mem>>)
    %scan3A_116 = arith.constant 0 : i32
    %scan3A_117 = arith.constant 0 : i32
    %scan3A_118 = arith.constant 16 : i32
    %scan3A_119 = arith.addi %scan3A_117, %scan3A_118 : i32
    %scan3A_120 = arith.constant 1 : i32
    scf.for %scan3A_182 = %scan3A_117 to %scan3A_119 step %scan3A_120  : i32 {
      %mul3A_183 = arith.constant 16 : i32
      %mul3A_184 = arith.muli %scan3A_182, %mul3A_183 : i32
      %add3A_185 = arith.constant 0 : i32
      %add3A_186 = arith.addi %mul3A_184, %add3A_185 : i32
      %mul3A_187 = arith.constant 16 : i32
      %mul3A_188 = arith.muli %add3A_186, %mul3A_187 : i32
      %add3A_189 = arith.constant 4096 : i32
      %add3A_190 = arith.addi %add3A_189, %mul3A_188 : i32
      %get3A = arith.index_cast %add3A_190 : i32 to index
      %get3A_191 = tpu.vector_load %arg8[%get3A] {strides = array<i32>} : memref<16384xi32, #tpu.memory_space<vmem>>, vector<16xi32>,
      %mul3A_192 = arith.constant 16 : i32
      %mul3A_193 = arith.muli %scan3A_182, %mul3A_192 : i32
      %add3A_194 = arith.constant 1 : i32
      %add3A_195 = arith.addi %mul3A_193, %add3A_194 : i32
      %mul3A_196 = arith.constant 16 : i32
      %mul3A_197 = arith.muli %add3A_195, %mul3A_196 : i32
      %add3A_198 = arith.constant 4096 : i32
      %add3A_199 = arith.addi %add3A_198, %mul3A_197 : i32
      %get3A_200 = arith.index_cast %add3A_199 : i32 to index
      %get3A_201 = tpu.vector_load %arg8[%get3A_200] {strides = array<i32>} : memref<16384xi32, #tpu.memory_space<vmem>>, vector<16xi32>,
      %mul3A_202 = arith.constant 16 : i32
      %mul3A_203 = arith.muli %scan3A_182, %mul3A_202 : i32
      %add3A_204 = arith.constant 2 : i32
      %add3A_205 = arith.addi %mul3A_203, %add3A_204 : i32
      %mul3A_206 = arith.constant 16 : i32
      %mul3A_207 = arith.muli %add3A_205, %mul3A_206 : i32
      %add3A_208 = arith.constant 4096 : i32
      %add3A_209 = arith.addi %add3A_208, %mul3A_207 : i32
      %get3A_210 = arith.index_cast %add3A_209 : i32 to index
      %get3A_211 = tpu.vector_load %arg8[%get3A_210] {strides = array<i32>} : memref<16384xi32, #tpu.memory_space<vmem>>, vector<16xi32>,
      %mul3A_212 = arith.constant 16 : i32
      %mul3A_213 = arith.muli %scan3A_182, %mul3A_212 : i32
      %add3A_214 = arith.constant 3 : i32
      %add3A_215 = arith.addi %mul3A_213, %add3A_214 : i32
      %mul3A_216 = arith.constant 16 : i32
      %mul3A_217 = arith.muli %add3A_215, %mul3A_216 : i32
      %add3A_218 = arith.constant 4096 : i32
      %add3A_219 = arith.addi %add3A_218, %mul3A_217 : i32
      %get3A_220 = arith.index_cast %add3A_219 : i32 to index
      %get3A_221 = tpu.vector_load %arg8[%get3A_220] {strides = array<i32>} : memref<16384xi32, #tpu.memory_space<vmem>>, vector<16xi32>,
      %mul3A_222 = arith.constant 16 : i32
      %mul3A_223 = arith.muli %scan3A_182, %mul3A_222 : i32
      %add3A_224 = arith.constant 4 : i32
      %add3A_225 = arith.addi %mul3A_223, %add3A_224 : i32
      %mul3A_226 = arith.constant 16 : i32
      %mul3A_227 = arith.muli %add3A_225, %mul3A_226 : i32
      %add3A_228 = arith.constant 4096 : i32
      %add3A_229 = arith.addi %add3A_228, %mul3A_227 : i32
      %get3A_230 = arith.index_cast %add3A_229 : i32 to index
      %get3A_231 = tpu.vector_load %arg8[%get3A_230] {strides = array<i32>} : memref<16384xi32, #tpu.memory_space<vmem>>, vector<16xi32>,
      %mul3A_232 = arith.constant 16 : i32
      %mul3A_233 = arith.muli %scan3A_182, %mul3A_232 : i32
      %add3A_234 = arith.constant 5 : i32
      %add3A_235 = arith.addi %mul3A_233, %add3A_234 : i32
      %mul3A_236 = arith.constant 16 : i32
      %mul3A_237 = arith.muli %add3A_235, %mul3A_236 : i32
      %add3A_238 = arith.constant 4096 : i32
      %add3A_239 = arith.addi %add3A_238, %mul3A_237 : i32
      %get3A_240 = arith.index_cast %add3A_239 : i32 to index
      %get3A_241 = tpu.vector_load %arg8[%get3A_240] {strides = array<i32>} : memref<16384xi32, #tpu.memory_space<vmem>>, vector<16xi32>,
      %mul3A_242 = arith.constant 16 : i32
      %mul3A_243 = arith.muli %scan3A_182, %mul3A_242 : i32
      %add3A_244 = arith.constant 6 : i32
      %add3A_245 = arith.addi %mul3A_243, %add3A_244 : i32
      %mul3A_246 = arith.constant 16 : i32
      %mul3A_247 = arith.muli %add3A_245, %mul3A_246 : i32
      %add3A_248 = arith.constant 4096 : i32
      %add3A_249 = arith.addi %add3A_248, %mul3A_247 : i32
      %get3A_250 = arith.index_cast %add3A_249 : i32 to index
      %get3A_251 = tpu.vector_load %arg8[%get3A_250] {strides = array<i32>} : memref<16384xi32, #tpu.memory_space<vmem>>, vector<16xi32>,
      %mul3A_252 = arith.constant 16 : i32
      %mul3A_253 = arith.muli %scan3A_182, %mul3A_252 : i32
      %add3A_254 = arith.constant 7 : i32
      %add3A_255 = arith.addi %mul3A_253, %add3A_254 : i32
      %mul3A_256 = arith.constant 16 : i32
      %mul3A_257 = arith.muli %add3A_255, %mul3A_256 : i32
      %add3A_258 = arith.constant 4096 : i32
      %add3A_259 = arith.addi %add3A_258, %mul3A_257 : i32
      %get3A_260 = arith.index_cast %add3A_259 : i32 to index
      %get3A_261 = tpu.vector_load %arg8[%get3A_260] {strides = array<i32>} : memref<16384xi32, #tpu.memory_space<vmem>>, vector<16xi32>,
      %mul3A_262 = arith.constant 16 : i32
      %mul3A_263 = arith.muli %scan3A_182, %mul3A_262 : i32
      %add3A_264 = arith.constant 8 : i32
      %add3A_265 = arith.addi %mul3A_263, %add3A_264 : i32
      %mul3A_266 = arith.constant 16 : i32
      %mul3A_267 = arith.muli %add3A_265, %mul3A_266 : i32
      %add3A_268 = arith.constant 4096 : i32
      %add3A_269 = arith.addi %add3A_268, %mul3A_267 : i32
      %get3A_270 = arith.index_cast %add3A_269 : i32 to index
      %get3A_271 = tpu.vector_load %arg8[%get3A_270] {strides = array<i32>} : memref<16384xi32, #tpu.memory_space<vmem>>, vector<16xi32>,
      %mul3A_272 = arith.constant 16 : i32
      %mul3A_273 = arith.muli %scan3A_182, %mul3A_272 : i32
      %add3A_274 = arith.constant 9 : i32
      %add3A_275 = arith.addi %mul3A_273, %add3A_274 : i32
      %mul3A_276 = arith.constant 16 : i32
      %mul3A_277 = arith.muli %add3A_275, %mul3A_276 : i32
      %add3A_278 = arith.constant 4096 : i32
      %add3A_279 = arith.addi %add3A_278, %mul3A_277 : i32
      %get3A_280 = arith.index_cast %add3A_279 : i32 to index
      %get3A_281 = tpu.vector_load %arg8[%get3A_280] {strides = array<i32>} : memref<16384xi32, #tpu.memory_space<vmem>>, vector<16xi32>,
      %mul3A_282 = arith.constant 16 : i32
      %mul3A_283 = arith.muli %scan3A_182, %mul3A_282 : i32
      %add3A_284 = arith.constant 10 : i32
      %add3A_285 = arith.addi %mul3A_283, %add3A_284 : i32
      %mul3A_286 = arith.constant 16 : i32
      %mul3A_287 = arith.muli %add3A_285, %mul3A_286 : i32
      %add3A_288 = arith.constant 4096 : i32
      %add3A_289 = arith.addi %add3A_288, %mul3A_287 : i32
      %get3A_290 = arith.index_cast %add3A_289 : i32 to index
      %get3A_291 = tpu.vector_load %arg8[%get3A_290] {strides = array<i32>} : memref<16384xi32, #tpu.memory_space<vmem>>, vector<16xi32>,
      %mul3A_292 = arith.constant 16 : i32
      %mul3A_293 = arith.muli %scan3A_182, %mul3A_292 : i32
      %add3A_294 = arith.constant 11 : i32
      %add3A_295 = arith.addi %mul3A_293, %add3A_294 : i32
      %mul3A_296 = arith.constant 16 : i32
      %mul3A_297 = arith.muli %add3A_295, %mul3A_296 : i32
      %add3A_298 = arith.constant 4096 : i32
      %add3A_299 = arith.addi %add3A_298, %mul3A_297 : i32
      %get3A_300 = arith.index_cast %add3A_299 : i32 to index
      %get3A_301 = tpu.vector_load %arg8[%get3A_300] {strides = array<i32>} : memref<16384xi32, #tpu.memory_space<vmem>>, vector<16xi32>,
      %mul3A_302 = arith.constant 16 : i32
      %mul3A_303 = arith.muli %scan3A_182, %mul3A_302 : i32
      %add3A_304 = arith.constant 12 : i32
      %add3A_305 = arith.addi %mul3A_303, %add3A_304 : i32
      %mul3A_306 = arith.constant 16 : i32
      %mul3A_307 = arith.muli %add3A_305, %mul3A_306 : i32
      %add3A_308 = arith.constant 4096 : i32
      %add3A_309 = arith.addi %add3A_308, %mul3A_307 : i32
      %get3A_310 = arith.index_cast %add3A_309 : i32 to index
      %get3A_311 = tpu.vector_load %arg8[%get3A_310] {strides = array<i32>} : memref<16384xi32, #tpu.memory_space<vmem>>, vector<16xi32>,
      %mul3A_312 = arith.constant 16 : i32
      %mul3A_313 = arith.muli %scan3A_182, %mul3A_312 : i32
      %add3A_314 = arith.constant 13 : i32
      %add3A_315 = arith.addi %mul3A_313, %add3A_314 : i32
      %mul3A_316 = arith.constant 16 : i32
      %mul3A_317 = arith.muli %add3A_315, %mul3A_316 : i32
      %add3A_318 = arith.constant 4096 : i32
      %add3A_319 = arith.addi %add3A_318, %mul3A_317 : i32
      %get3A_320 = arith.index_cast %add3A_319 : i32 to index
      %get3A_321 = tpu.vector_load %arg8[%get3A_320] {strides = array<i32>} : memref<16384xi32, #tpu.memory_space<vmem>>, vector<16xi32>,
      %mul3A_322 = arith.constant 16 : i32
      %mul3A_323 = arith.muli %scan3A_182, %mul3A_322 : i32
      %add3A_324 = arith.constant 14 : i32
      %add3A_325 = arith.addi %mul3A_323, %add3A_324 : i32
      %mul3A_326 = arith.constant 16 : i32
      %mul3A_327 = arith.muli %add3A_325, %mul3A_326 : i32
      %add3A_328 = arith.constant 4096 : i32
      %add3A_329 = arith.addi %add3A_328, %mul3A_327 : i32
      %get3A_330 = arith.index_cast %add3A_329 : i32 to index
      %get3A_331 = tpu.vector_load %arg8[%get3A_330] {strides = array<i32>} : memref<16384xi32, #tpu.memory_space<vmem>>, vector<16xi32>,
      %mul3A_332 = arith.constant 16 : i32
      %mul3A_333 = arith.muli %scan3A_182, %mul3A_332 : i32
      %add3A_334 = arith.constant 15 : i32
      %add3A_335 = arith.addi %mul3A_333, %add3A_334 : i32
      %mul3A_336 = arith.constant 16 : i32
      %mul3A_337 = arith.muli %add3A_335, %mul3A_336 : i32
      %add3A_338 = arith.constant 4096 : i32
      %add3A_339 = arith.addi %add3A_338, %mul3A_337 : i32
      %get3A_340 = arith.index_cast %add3A_339 : i32 to index
      %get3A_341 = tpu.vector_load %arg8[%get3A_340] {strides = array<i32>} : memref<16384xi32, #tpu.memory_space<vmem>>, vector<16xi32>,
      %gather3A = tpu.vector_load_idx %arg7[%get3A_191] : memref<100000xf32, #tpu.memory_space<vmem>>[vector<16xi32>], vector<16xf32>,
      %gather3A_342 = tpu.vector_load_idx %arg7[%get3A_201] : memref<100000xf32, #tpu.memory_space<vmem>>[vector<16xi32>], vector<16xf32>,
      %gather3A_343 = tpu.vector_load_idx %arg7[%get3A_211] : memref<100000xf32, #tpu.memory_space<vmem>>[vector<16xi32>], vector<16xf32>,
      %gather3A_344 = tpu.vector_load_idx %arg7[%get3A_221] : memref<100000xf32, #tpu.memory_space<vmem>>[vector<16xi32>], vector<16xf32>,
      %gather3A_345 = tpu.vector_load_idx %arg7[%get3A_231] : memref<100000xf32, #tpu.memory_space<vmem>>[vector<16xi32>], vector<16xf32>,
      %gather3A_346 = tpu.vector_load_idx %arg7[%get3A_241] : memref<100000xf32, #tpu.memory_space<vmem>>[vector<16xi32>], vector<16xf32>,
      %gather3A_347 = tpu.vector_load_idx %arg7[%get3A_251] : memref<100000xf32, #tpu.memory_space<vmem>>[vector<16xi32>], vector<16xf32>,
      %gather3A_348 = tpu.vector_load_idx %arg7[%get3A_261] : memref<100000xf32, #tpu.memory_space<vmem>>[vector<16xi32>], vector<16xf32>,
      %gather3A_349 = tpu.vector_load_idx %arg7[%get3A_271] : memref<100000xf32, #tpu.memory_space<vmem>>[vector<16xi32>], vector<16xf32>,
      %gather3A_350 = tpu.vector_load_idx %arg7[%get3A_281] : memref<100000xf32, #tpu.memory_space<vmem>>[vector<16xi32>], vector<16xf32>,
      %gather3A_351 = tpu.vector_load_idx %arg7[%get3A_291] : memref<100000xf32, #tpu.memory_space<vmem>>[vector<16xi32>], vector<16xf32>,
      %gather3A_352 = tpu.vector_load_idx %arg7[%get3A_301] : memref<100000xf32, #tpu.memory_space<vmem>>[vector<16xi32>], vector<16xf32>,
      %gather3A_353 = tpu.vector_load_idx %arg7[%get3A_311] : memref<100000xf32, #tpu.memory_space<vmem>>[vector<16xi32>], vector<16xf32>,
      %gather3A_354 = tpu.vector_load_idx %arg7[%get3A_321] : memref<100000xf32, #tpu.memory_space<vmem>>[vector<16xi32>], vector<16xf32>,
      %gather3A_355 = tpu.vector_load_idx %arg7[%get3A_331] : memref<100000xf32, #tpu.memory_space<vmem>>[vector<16xi32>], vector<16xf32>,
      %gather3A_356 = tpu.vector_load_idx %arg7[%get3A_341] : memref<100000xf32, #tpu.memory_space<vmem>>[vector<16xi32>], vector<16xf32>,
      %mul3A_357 = arith.constant 16 : i32
      %mul3A_358 = arith.muli %scan3A_182, %mul3A_357 : i32
      %add3A_359 = arith.constant 0 : i32
      %add3A_360 = arith.addi %mul3A_358, %add3A_359 : i32
      %mul3A_361 = arith.constant 16 : i32
      %mul3A_362 = arith.muli %add3A_360, %mul3A_361 : i32
      %swap3A = arith.index_cast %mul3A_362 : i32 to index
      %swap3A_363 = tpu.vector_load %arg10[%swap3A] {strides = array<i32>} : memref<4096xf32, #tpu.memory_space<vmem>>, vector<16xf32>,
      tpu.vector_store %arg10[%swap3A], %gather3A {strides = array<i32>} : memref<4096xf32, #tpu.memory_space<vmem>>, vector<16xf32>,
      %mul3A_364 = arith.constant 16 : i32
      %mul3A_365 = arith.muli %scan3A_182, %mul3A_364 : i32
      %add3A_366 = arith.constant 1 : i32
      %add3A_367 = arith.addi %mul3A_365, %add3A_366 : i32
      %mul3A_368 = arith.constant 16 : i32
      %mul3A_369 = arith.muli %add3A_367, %mul3A_368 : i32
      %swap3A_370 = arith.index_cast %mul3A_369 : i32 to index
      %swap3A_371 = tpu.vector_load %arg10[%swap3A_370] {strides = array<i32>} : memref<4096xf32, #tpu.memory_space<vmem>>, vector<16xf32>,
      tpu.vector_store %arg10[%swap3A_370], %gather3A_342 {strides = array<i32>} : memref<4096xf32, #tpu.memory_space<vmem>>, vector<16xf32>,
      %mul3A_372 = arith.constant 16 : i32
      %mul3A_373 = arith.muli %scan3A_182, %mul3A_372 : i32
      %add3A_374 = arith.constant 2 : i32
      %add3A_375 = arith.addi %mul3A_373, %add3A_374 : i32
      %mul3A_376 = arith.constant 16 : i32
      %mul3A_377 = arith.muli %add3A_375, %mul3A_376 : i32
      %swap3A_378 = arith.index_cast %mul3A_377 : i32 to index
      %swap3A_379 = tpu.vector_load %arg10[%swap3A_378] {strides = array<i32>} : memref<4096xf32, #tpu.memory_space<vmem>>, vector<16xf32>,
      tpu.vector_store %arg10[%swap3A_378], %gather3A_343 {strides = array<i32>} : memref<4096xf32, #tpu.memory_space<vmem>>, vector<16xf32>,
      %mul3A_380 = arith.constant 16 : i32
      %mul3A_381 = arith.muli %scan3A_182, %mul3A_380 : i32
      %add3A_382 = arith.constant 3 : i32
      %add3A_383 = arith.addi %mul3A_381, %add3A_382 : i32
      %mul3A_384 = arith.constant 16 : i32
      %mul3A_385 = arith.muli %add3A_383, %mul3A_384 : i32
      %swap3A_386 = arith.index_cast %mul3A_385 : i32 to index
      %swap3A_387 = tpu.vector_load %arg10[%swap3A_386] {strides = array<i32>} : memref<4096xf32, #tpu.memory_space<vmem>>, vector<16xf32>,
      tpu.vector_store %arg10[%swap3A_386], %gather3A_344 {strides = array<i32>} : memref<4096xf32, #tpu.memory_space<vmem>>, vector<16xf32>,
      %mul3A_388 = arith.constant 16 : i32
      %mul3A_389 = arith.muli %scan3A_182, %mul3A_388 : i32
      %add3A_390 = arith.constant 4 : i32
      %add3A_391 = arith.addi %mul3A_389, %add3A_390 : i32
      %mul3A_392 = arith.constant 16 : i32
      %mul3A_393 = arith.muli %add3A_391, %mul3A_392 : i32
      %swap3A_394 = arith.index_cast %mul3A_393 : i32 to index
      %swap3A_395 = tpu.vector_load %arg10[%swap3A_394] {strides = array<i32>} : memref<4096xf32, #tpu.memory_space<vmem>>, vector<16xf32>,
      tpu.vector_store %arg10[%swap3A_394], %gather3A_345 {strides = array<i32>} : memref<4096xf32, #tpu.memory_space<vmem>>, vector<16xf32>,
      %mul3A_396 = arith.constant 16 : i32
      %mul3A_397 = arith.muli %scan3A_182, %mul3A_396 : i32
      %add3A_398 = arith.constant 5 : i32
      %add3A_399 = arith.addi %mul3A_397, %add3A_398 : i32
      %mul3A_400 = arith.constant 16 : i32
      %mul3A_401 = arith.muli %add3A_399, %mul3A_400 : i32
      %swap3A_402 = arith.index_cast %mul3A_401 : i32 to index
      %swap3A_403 = tpu.vector_load %arg10[%swap3A_402] {strides = array<i32>} : memref<4096xf32, #tpu.memory_space<vmem>>, vector<16xf32>,
      tpu.vector_store %arg10[%swap3A_402], %gather3A_346 {strides = array<i32>} : memref<4096xf32, #tpu.memory_space<vmem>>, vector<16xf32>,
      %mul3A_404 = arith.constant 16 : i32
      %mul3A_405 = arith.muli %scan3A_182, %mul3A_404 : i32
      %add3A_406 = arith.constant 6 : i32
      %add3A_407 = arith.addi %mul3A_405, %add3A_406 : i32
      %mul3A_408 = arith.constant 16 : i32
      %mul3A_409 = arith.muli %add3A_407, %mul3A_408 : i32
      %swap3A_410 = arith.index_cast %mul3A_409 : i32 to index
      %swap3A_411 = tpu.vector_load %arg10[%swap3A_410] {strides = array<i32>} : memref<4096xf32, #tpu.memory_space<vmem>>, vector<16xf32>,
      tpu.vector_store %arg10[%swap3A_410], %gather3A_347 {strides = array<i32>} : memref<4096xf32, #tpu.memory_space<vmem>>, vector<16xf32>,
      %mul3A_412 = arith.constant 16 : i32
      %mul3A_413 = arith.muli %scan3A_182, %mul3A_412 : i32
      %add3A_414 = arith.constant 7 : i32
      %add3A_415 = arith.addi %mul3A_413, %add3A_414 : i32
      %mul3A_416 = arith.constant 16 : i32
      %mul3A_417 = arith.muli %add3A_415, %mul3A_416 : i32
      %swap3A_418 = arith.index_cast %mul3A_417 : i32 to index
      %swap3A_419 = tpu.vector_load %arg10[%swap3A_418] {strides = array<i32>} : memref<4096xf32, #tpu.memory_space<vmem>>, vector<16xf32>,
      tpu.vector_store %arg10[%swap3A_418], %gather3A_348 {strides = array<i32>} : memref<4096xf32, #tpu.memory_space<vmem>>, vector<16xf32>,
      %mul3A_420 = arith.constant 16 : i32
      %mul3A_421 = arith.muli %scan3A_182, %mul3A_420 : i32
      %add3A_422 = arith.constant 8 : i32
      %add3A_423 = arith.addi %mul3A_421, %add3A_422 : i32
      %mul3A_424 = arith.constant 16 : i32
      %mul3A_425 = arith.muli %add3A_423, %mul3A_424 : i32
      %swap3A_426 = arith.index_cast %mul3A_425 : i32 to index
      %swap3A_427 = tpu.vector_load %arg10[%swap3A_426] {strides = array<i32>} : memref<4096xf32, #tpu.memory_space<vmem>>, vector<16xf32>,
      tpu.vector_store %arg10[%swap3A_426], %gather3A_349 {strides = array<i32>} : memref<4096xf32, #tpu.memory_space<vmem>>, vector<16xf32>,
      %mul3A_428 = arith.constant 16 : i32
      %mul3A_429 = arith.muli %scan3A_182, %mul3A_428 : i32
      %add3A_430 = arith.constant 9 : i32
      %add3A_431 = arith.addi %mul3A_429, %add3A_430 : i32
      %mul3A_432 = arith.constant 16 : i32
      %mul3A_433 = arith.muli %add3A_431, %mul3A_432 : i32
      %swap3A_434 = arith.index_cast %mul3A_433 : i32 to index
      %swap3A_435 = tpu.vector_load %arg10[%swap3A_434] {strides = array<i32>} : memref<4096xf32, #tpu.memory_space<vmem>>, vector<16xf32>,
      tpu.vector_store %arg10[%swap3A_434], %gather3A_350 {strides = array<i32>} : memref<4096xf32, #tpu.memory_space<vmem>>, vector<16xf32>,
      %mul3A_436 = arith.constant 16 : i32
      %mul3A_437 = arith.muli %scan3A_182, %mul3A_436 : i32
      %add3A_438 = arith.constant 10 : i32
      %add3A_439 = arith.addi %mul3A_437, %add3A_438 : i32
      %mul3A_440 = arith.constant 16 : i32
      %mul3A_441 = arith.muli %add3A_439, %mul3A_440 : i32
      %swap3A_442 = arith.index_cast %mul3A_441 : i32 to index
      %swap3A_443 = tpu.vector_load %arg10[%swap3A_442] {strides = array<i32>} : memref<4096xf32, #tpu.memory_space<vmem>>, vector<16xf32>,
      tpu.vector_store %arg10[%swap3A_442], %gather3A_351 {strides = array<i32>} : memref<4096xf32, #tpu.memory_space<vmem>>, vector<16xf32>,
      %mul3A_444 = arith.constant 16 : i32
      %mul3A_445 = arith.muli %scan3A_182, %mul3A_444 : i32
      %add3A_446 = arith.constant 11 : i32
      %add3A_447 = arith.addi %mul3A_445, %add3A_446 : i32
      %mul3A_448 = arith.constant 16 : i32
      %mul3A_449 = arith.muli %add3A_447, %mul3A_448 : i32
      %swap3A_450 = arith.index_cast %mul3A_449 : i32 to index
      %swap3A_451 = tpu.vector_load %arg10[%swap3A_450] {strides = array<i32>} : memref<4096xf32, #tpu.memory_space<vmem>>, vector<16xf32>,
      tpu.vector_store %arg10[%swap3A_450], %gather3A_352 {strides = array<i32>} : memref<4096xf32, #tpu.memory_space<vmem>>, vector<16xf32>,
      %mul3A_452 = arith.constant 16 : i32
      %mul3A_453 = arith.muli %scan3A_182, %mul3A_452 : i32
      %add3A_454 = arith.constant 12 : i32
      %add3A_455 = arith.addi %mul3A_453, %add3A_454 : i32
      %mul3A_456 = arith.constant 16 : i32
      %mul3A_457 = arith.muli %add3A_455, %mul3A_456 : i32
      %swap3A_458 = arith.index_cast %mul3A_457 : i32 to index
      %swap3A_459 = tpu.vector_load %arg10[%swap3A_458] {strides = array<i32>} : memref<4096xf32, #tpu.memory_space<vmem>>, vector<16xf32>,
      tpu.vector_store %arg10[%swap3A_458], %gather3A_353 {strides = array<i32>} : memref<4096xf32, #tpu.memory_space<vmem>>, vector<16xf32>,
      %mul3A_460 = arith.constant 16 : i32
      %mul3A_461 = arith.muli %scan3A_182, %mul3A_460 : i32
      %add3A_462 = arith.constant 13 : i32
      %add3A_463 = arith.addi %mul3A_461, %add3A_462 : i32
      %mul3A_464 = arith.constant 16 : i32
      %mul3A_465 = arith.muli %add3A_463, %mul3A_464 : i32
      %swap3A_466 = arith.index_cast %mul3A_465 : i32 to index
      %swap3A_467 = tpu.vector_load %arg10[%swap3A_466] {strides = array<i32>} : memref<4096xf32, #tpu.memory_space<vmem>>, vector<16xf32>,
      tpu.vector_store %arg10[%swap3A_466], %gather3A_354 {strides = array<i32>} : memref<4096xf32, #tpu.memory_space<vmem>>, vector<16xf32>,
      %mul3A_468 = arith.constant 16 : i32
      %mul3A_469 = arith.muli %scan3A_182, %mul3A_468 : i32
      %add3A_470 = arith.constant 14 : i32
      %add3A_471 = arith.addi %mul3A_469, %add3A_470 : i32
      %mul3A_472 = arith.constant 16 : i32
      %mul3A_473 = arith.muli %add3A_471, %mul3A_472 : i32
      %swap3A_474 = arith.index_cast %mul3A_473 : i32 to index
      %swap3A_475 = tpu.vector_load %arg10[%swap3A_474] {strides = array<i32>} : memref<4096xf32, #tpu.memory_space<vmem>>, vector<16xf32>,
      tpu.vector_store %arg10[%swap3A_474], %gather3A_355 {strides = array<i32>} : memref<4096xf32, #tpu.memory_space<vmem>>, vector<16xf32>,
      %mul3A_476 = arith.constant 16 : i32
      %mul3A_477 = arith.muli %scan3A_182, %mul3A_476 : i32
      %add3A_478 = arith.constant 15 : i32
      %add3A_479 = arith.addi %mul3A_477, %add3A_478 : i32
      %mul3A_480 = arith.constant 16 : i32
      %mul3A_481 = arith.muli %add3A_479, %mul3A_480 : i32
      %swap3A_482 = arith.index_cast %mul3A_481 : i32 to index
      %swap3A_483 = tpu.vector_load %arg10[%swap3A_482] {strides = array<i32>} : memref<4096xf32, #tpu.memory_space<vmem>>, vector<16xf32>,
      tpu.vector_store %arg10[%swap3A_482], %gather3A_356 {strides = array<i32>} : memref<4096xf32, #tpu.memory_space<vmem>>, vector<16xf32>,
    }
    %scan3A_121 = arith.constant 16 : i32
    %add3A_122 = arith.constant 32 : i32
    %add3A_123 = arith.addi %add3A_122, %add3A : i32
    %dma_start3A_124 = arith.constant 4096 : i32
    %dma_start3A_125 = tpu.memref_slice %arg6[%add3A_123, %dma_start3A_124] : memref<64x16384xf32, #tpu.memory_space<hbm>> -> memref<1x4096xf32, #tpu.memory_space<hbm>>
    %dma_start3A_126 = tpu.memref_squeeze %dma_start3A_125 : memref<1x4096xf32, #tpu.memory_space<hbm>> -> memref<4096xf32, #tpu.memory_space<hbm>>
    %dma_start3A_127 = arith.constant 4096 : i32
    %dma_start3A_128 = tpu.memref_slice %arg6[%add3A_123, %dma_start3A_127] : memref<64x16384xf32, #tpu.memory_space<hbm>> -> memref<1x4096xf32, #tpu.memory_space<hbm>>
    %dma_start3A_129 = tpu.memref_squeeze %dma_start3A_128 : memref<1x4096xf32, #tpu.memory_space<hbm>> -> memref<4096xf32, #tpu.memory_space<hbm>>
    tpu.enqueue_dma source(%arg10 : memref<4096xf32, #tpu.memory_space<vmem>>) target(%dma_start3A_129 : memref<4096xf32, #tpu.memory_space<hbm>>) target_semaphore(%arg13 : memref<!tpu.dma_semaphore, #tpu.memory_space<semaphore_mem>>)
    %dma_wait3A_130 = arith.constant 0 : i32
    %dma_wait3A_131 = tpu.memref_slice %arg6[%add3A_109, %dma_wait3A_130] : memref<64x16384xf32, #tpu.memory_space<hbm>> -> memref<1x4096xf32, #tpu.memory_space<hbm>>
    %dma_wait3A_132 = tpu.memref_squeeze %dma_wait3A_131 : memref<1x4096xf32, #tpu.memory_space<hbm>> -> memref<4096xf32, #tpu.memory_space<hbm>>
    %dma_wait3A_133 = arith.constant 0 : i32
    %dma_wait3A_134 = tpu.memref_slice %arg6[%add3A_109, %dma_wait3A_133] : memref<64x16384xf32, #tpu.memory_space<hbm>> -> memref<1x4096xf32, #tpu.memory_space<hbm>>
    %dma_wait3A_135 = tpu.memref_squeeze %dma_wait3A_134 : memref<1x4096xf32, #tpu.memory_space<hbm>> -> memref<4096xf32, #tpu.memory_space<hbm>>
    tpu.wait_dma2 semaphore(%arg12 : memref<!tpu.dma_semaphore, #tpu.memory_space<semaphore_mem>>) src(%arg9 : memref<4096xf32, #tpu.memory_space<vmem>>) dst(%dma_wait3A_135 : memref<4096xf32, #tpu.memory_space<hbm>>)
    %scan3A_136 = arith.constant 0 : i32
    %scan3A_137 = arith.constant 0 : i32
    %scan3A_138 = arith.constant 16 : i32
    %scan3A_139 = arith.addi %scan3A_137, %scan3A_138 : i32
    %scan3A_140 = arith.constant 1 : i32
    scf.for %scan3A_182 = %scan3A_137 to %scan3A_139 step %scan3A_140  : i32 {
      %mul3A_183 = arith.constant 16 : i32
      %mul3A_184 = arith.muli %scan3A_182, %mul3A_183 : i32
      %add3A_185 = arith.constant 0 : i32
      %add3A_186 = arith.addi %mul3A_184, %add3A_185 : i32
      %mul3A_187 = arith.constant 16 : i32
      %mul3A_188 = arith.muli %add3A_186, %mul3A_187 : i32
      %add3A_189 = arith.constant 8192 : i32
      %add3A_190 = arith.addi %add3A_189, %mul3A_188 : i32
      %get3A = arith.index_cast %add3A_190 : i32 to index
      %get3A_191 = tpu.vector_load %arg8[%get3A] {strides = array<i32>} : memref<16384xi32, #tpu.memory_space<vmem>>, vector<16xi32>,
      %mul3A_192 = arith.constant 16 : i32
      %mul3A_193 = arith.muli %scan3A_182, %mul3A_192 : i32
      %add3A_194 = arith.constant 1 : i32
      %add3A_195 = arith.addi %mul3A_193, %add3A_194 : i32
      %mul3A_196 = arith.constant 16 : i32
      %mul3A_197 = arith.muli %add3A_195, %mul3A_196 : i32
      %add3A_198 = arith.constant 8192 : i32
      %add3A_199 = arith.addi %add3A_198, %mul3A_197 : i32
      %get3A_200 = arith.index_cast %add3A_199 : i32 to index
      %get3A_201 = tpu.vector_load %arg8[%get3A_200] {strides = array<i32>} : memref<16384xi32, #tpu.memory_space<vmem>>, vector<16xi32>,
      %mul3A_202 = arith.constant 16 : i32
      %mul3A_203 = arith.muli %scan3A_182, %mul3A_202 : i32
      %add3A_204 = arith.constant 2 : i32
      %add3A_205 = arith.addi %mul3A_203, %add3A_204 : i32
      %mul3A_206 = arith.constant 16 : i32
      %mul3A_207 = arith.muli %add3A_205, %mul3A_206 : i32
      %add3A_208 = arith.constant 8192 : i32
      %add3A_209 = arith.addi %add3A_208, %mul3A_207 : i32
      %get3A_210 = arith.index_cast %add3A_209 : i32 to index
      %get3A_211 = tpu.vector_load %arg8[%get3A_210] {strides = array<i32>} : memref<16384xi32, #tpu.memory_space<vmem>>, vector<16xi32>,
      %mul3A_212 = arith.constant 16 : i32
      %mul3A_213 = arith.muli %scan3A_182, %mul3A_212 : i32
      %add3A_214 = arith.constant 3 : i32
      %add3A_215 = arith.addi %mul3A_213, %add3A_214 : i32
      %mul3A_216 = arith.constant 16 : i32
      %mul3A_217 = arith.muli %add3A_215, %mul3A_216 : i32
      %add3A_218 = arith.constant 8192 : i32
      %add3A_219 = arith.addi %add3A_218, %mul3A_217 : i32
      %get3A_220 = arith.index_cast %add3A_219 : i32 to index
      %get3A_221 = tpu.vector_load %arg8[%get3A_220] {strides = array<i32>} : memref<16384xi32, #tpu.memory_space<vmem>>, vector<16xi32>,
      %mul3A_222 = arith.constant 16 : i32
      %mul3A_223 = arith.muli %scan3A_182, %mul3A_222 : i32
      %add3A_224 = arith.constant 4 : i32
      %add3A_225 = arith.addi %mul3A_223, %add3A_224 : i32
      %mul3A_226 = arith.constant 16 : i32
      %mul3A_227 = arith.muli %add3A_225, %mul3A_226 : i32
      %add3A_228 = arith.constant 8192 : i32
      %add3A_229 = arith.addi %add3A_228, %mul3A_227 : i32
      %get3A_230 = arith.index_cast %add3A_229 : i32 to index
      %get3A_231 = tpu.vector_load %arg8[%get3A_230] {strides = array<i32>} : memref<16384xi32, #tpu.memory_space<vmem>>, vector<16xi32>,
      %mul3A_232 = arith.constant 16 : i32
      %mul3A_233 = arith.muli %scan3A_182, %mul3A_232 : i32
      %add3A_234 = arith.constant 5 : i32
      %add3A_235 = arith.addi %mul3A_233, %add3A_234 : i32
      %mul3A_236 = arith.constant 16 : i32
      %mul3A_237 = arith.muli %add3A_235, %mul3A_236 : i32
      %add3A_238 = arith.constant 8192 : i32
      %add3A_239 = arith.addi %add3A_238, %mul3A_237 : i32
      %get3A_240 = arith.index_cast %add3A_239 : i32 to index
      %get3A_241 = tpu.vector_load %arg8[%get3A_240] {strides = array<i32>} : memref<16384xi32, #tpu.memory_space<vmem>>, vector<16xi32>,
      %mul3A_242 = arith.constant 16 : i32
      %mul3A_243 = arith.muli %scan3A_182, %mul3A_242 : i32
      %add3A_244 = arith.constant 6 : i32
      %add3A_245 = arith.addi %mul3A_243, %add3A_244 : i32
      %mul3A_246 = arith.constant 16 : i32
      %mul3A_247 = arith.muli %add3A_245, %mul3A_246 : i32
      %add3A_248 = arith.constant 8192 : i32
      %add3A_249 = arith.addi %add3A_248, %mul3A_247 : i32
      %get3A_250 = arith.index_cast %add3A_249 : i32 to index
      %get3A_251 = tpu.vector_load %arg8[%get3A_250] {strides = array<i32>} : memref<16384xi32, #tpu.memory_space<vmem>>, vector<16xi32>,
      %mul3A_252 = arith.constant 16 : i32
      %mul3A_253 = arith.muli %scan3A_182, %mul3A_252 : i32
      %add3A_254 = arith.constant 7 : i32
      %add3A_255 = arith.addi %mul3A_253, %add3A_254 : i32
      %mul3A_256 = arith.constant 16 : i32
      %mul3A_257 = arith.muli %add3A_255, %mul3A_256 : i32
      %add3A_258 = arith.constant 8192 : i32
      %add3A_259 = arith.addi %add3A_258, %mul3A_257 : i32
      %get3A_260 = arith.index_cast %add3A_259 : i32 to index
      %get3A_261 = tpu.vector_load %arg8[%get3A_260] {strides = array<i32>} : memref<16384xi32, #tpu.memory_space<vmem>>, vector<16xi32>,
      %mul3A_262 = arith.constant 16 : i32
      %mul3A_263 = arith.muli %scan3A_182, %mul3A_262 : i32
      %add3A_264 = arith.constant 8 : i32
      %add3A_265 = arith.addi %mul3A_263, %add3A_264 : i32
      %mul3A_266 = arith.constant 16 : i32
      %mul3A_267 = arith.muli %add3A_265, %mul3A_266 : i32
      %add3A_268 = arith.constant 8192 : i32
      %add3A_269 = arith.addi %add3A_268, %mul3A_267 : i32
      %get3A_270 = arith.index_cast %add3A_269 : i32 to index
      %get3A_271 = tpu.vector_load %arg8[%get3A_270] {strides = array<i32>} : memref<16384xi32, #tpu.memory_space<vmem>>, vector<16xi32>,
      %mul3A_272 = arith.constant 16 : i32
      %mul3A_273 = arith.muli %scan3A_182, %mul3A_272 : i32
      %add3A_274 = arith.constant 9 : i32
      %add3A_275 = arith.addi %mul3A_273, %add3A_274 : i32
      %mul3A_276 = arith.constant 16 : i32
      %mul3A_277 = arith.muli %add3A_275, %mul3A_276 : i32
      %add3A_278 = arith.constant 8192 : i32
      %add3A_279 = arith.addi %add3A_278, %mul3A_277 : i32
      %get3A_280 = arith.index_cast %add3A_279 : i32 to index
      %get3A_281 = tpu.vector_load %arg8[%get3A_280] {strides = array<i32>} : memref<16384xi32, #tpu.memory_space<vmem>>, vector<16xi32>,
      %mul3A_282 = arith.constant 16 : i32
      %mul3A_283 = arith.muli %scan3A_182, %mul3A_282 : i32
      %add3A_284 = arith.constant 10 : i32
      %add3A_285 = arith.addi %mul3A_283, %add3A_284 : i32
      %mul3A_286 = arith.constant 16 : i32
      %mul3A_287 = arith.muli %add3A_285, %mul3A_286 : i32
      %add3A_288 = arith.constant 8192 : i32
      %add3A_289 = arith.addi %add3A_288, %mul3A_287 : i32
      %get3A_290 = arith.index_cast %add3A_289 : i32 to index
      %get3A_291 = tpu.vector_load %arg8[%get3A_290] {strides = array<i32>} : memref<16384xi32, #tpu.memory_space<vmem>>, vector<16xi32>,
      %mul3A_292 = arith.constant 16 : i32
      %mul3A_293 = arith.muli %scan3A_182, %mul3A_292 : i32
      %add3A_294 = arith.constant 11 : i32
      %add3A_295 = arith.addi %mul3A_293, %add3A_294 : i32
      %mul3A_296 = arith.constant 16 : i32
      %mul3A_297 = arith.muli %add3A_295, %mul3A_296 : i32
      %add3A_298 = arith.constant 8192 : i32
      %add3A_299 = arith.addi %add3A_298, %mul3A_297 : i32
      %get3A_300 = arith.index_cast %add3A_299 : i32 to index
      %get3A_301 = tpu.vector_load %arg8[%get3A_300] {strides = array<i32>} : memref<16384xi32, #tpu.memory_space<vmem>>, vector<16xi32>,
      %mul3A_302 = arith.constant 16 : i32
      %mul3A_303 = arith.muli %scan3A_182, %mul3A_302 : i32
      %add3A_304 = arith.constant 12 : i32
      %add3A_305 = arith.addi %mul3A_303, %add3A_304 : i32
      %mul3A_306 = arith.constant 16 : i32
      %mul3A_307 = arith.muli %add3A_305, %mul3A_306 : i32
      %add3A_308 = arith.constant 8192 : i32
      %add3A_309 = arith.addi %add3A_308, %mul3A_307 : i32
      %get3A_310 = arith.index_cast %add3A_309 : i32 to index
      %get3A_311 = tpu.vector_load %arg8[%get3A_310] {strides = array<i32>} : memref<16384xi32, #tpu.memory_space<vmem>>, vector<16xi32>,
      %mul3A_312 = arith.constant 16 : i32
      %mul3A_313 = arith.muli %scan3A_182, %mul3A_312 : i32
      %add3A_314 = arith.constant 13 : i32
      %add3A_315 = arith.addi %mul3A_313, %add3A_314 : i32
      %mul3A_316 = arith.constant 16 : i32
      %mul3A_317 = arith.muli %add3A_315, %mul3A_316 : i32
      %add3A_318 = arith.constant 8192 : i32
      %add3A_319 = arith.addi %add3A_318, %mul3A_317 : i32
      %get3A_320 = arith.index_cast %add3A_319 : i32 to index
      %get3A_321 = tpu.vector_load %arg8[%get3A_320] {strides = array<i32>} : memref<16384xi32, #tpu.memory_space<vmem>>, vector<16xi32>,
      %mul3A_322 = arith.constant 16 : i32
      %mul3A_323 = arith.muli %scan3A_182, %mul3A_322 : i32
      %add3A_324 = arith.constant 14 : i32
      %add3A_325 = arith.addi %mul3A_323, %add3A_324 : i32
      %mul3A_326 = arith.constant 16 : i32
      %mul3A_327 = arith.muli %add3A_325, %mul3A_326 : i32
      %add3A_328 = arith.constant 8192 : i32
      %add3A_329 = arith.addi %add3A_328, %mul3A_327 : i32
      %get3A_330 = arith.index_cast %add3A_329 : i32 to index
      %get3A_331 = tpu.vector_load %arg8[%get3A_330] {strides = array<i32>} : memref<16384xi32, #tpu.memory_space<vmem>>, vector<16xi32>,
      %mul3A_332 = arith.constant 16 : i32
      %mul3A_333 = arith.muli %scan3A_182, %mul3A_332 : i32
      %add3A_334 = arith.constant 15 : i32
      %add3A_335 = arith.addi %mul3A_333, %add3A_334 : i32
      %mul3A_336 = arith.constant 16 : i32
      %mul3A_337 = arith.muli %add3A_335, %mul3A_336 : i32
      %add3A_338 = arith.constant 8192 : i32
      %add3A_339 = arith.addi %add3A_338, %mul3A_337 : i32
      %get3A_340 = arith.index_cast %add3A_339 : i32 to index
      %get3A_341 = tpu.vector_load %arg8[%get3A_340] {strides = array<i32>} : memref<16384xi32, #tpu.memory_space<vmem>>, vector<16xi32>,
      %gather3A = tpu.vector_load_idx %arg7[%get3A_191] : memref<100000xf32, #tpu.memory_space<vmem>>[vector<16xi32>], vector<16xf32>,
      %gather3A_342 = tpu.vector_load_idx %arg7[%get3A_201] : memref<100000xf32, #tpu.memory_space<vmem>>[vector<16xi32>], vector<16xf32>,
      %gather3A_343 = tpu.vector_load_idx %arg7[%get3A_211] : memref<100000xf32, #tpu.memory_space<vmem>>[vector<16xi32>], vector<16xf32>,
      %gather3A_344 = tpu.vector_load_idx %arg7[%get3A_221] : memref<100000xf32, #tpu.memory_space<vmem>>[vector<16xi32>], vector<16xf32>,
      %gather3A_345 = tpu.vector_load_idx %arg7[%get3A_231] : memref<100000xf32, #tpu.memory_space<vmem>>[vector<16xi32>], vector<16xf32>,
      %gather3A_346 = tpu.vector_load_idx %arg7[%get3A_241] : memref<100000xf32, #tpu.memory_space<vmem>>[vector<16xi32>], vector<16xf32>,
      %gather3A_347 = tpu.vector_load_idx %arg7[%get3A_251] : memref<100000xf32, #tpu.memory_space<vmem>>[vector<16xi32>], vector<16xf32>,
      %gather3A_348 = tpu.vector_load_idx %arg7[%get3A_261] : memref<100000xf32, #tpu.memory_space<vmem>>[vector<16xi32>], vector<16xf32>,
      %gather3A_349 = tpu.vector_load_idx %arg7[%get3A_271] : memref<100000xf32, #tpu.memory_space<vmem>>[vector<16xi32>], vector<16xf32>,
      %gather3A_350 = tpu.vector_load_idx %arg7[%get3A_281] : memref<100000xf32, #tpu.memory_space<vmem>>[vector<16xi32>], vector<16xf32>,
      %gather3A_351 = tpu.vector_load_idx %arg7[%get3A_291] : memref<100000xf32, #tpu.memory_space<vmem>>[vector<16xi32>], vector<16xf32>,
      %gather3A_352 = tpu.vector_load_idx %arg7[%get3A_301] : memref<100000xf32, #tpu.memory_space<vmem>>[vector<16xi32>], vector<16xf32>,
      %gather3A_353 = tpu.vector_load_idx %arg7[%get3A_311] : memref<100000xf32, #tpu.memory_space<vmem>>[vector<16xi32>], vector<16xf32>,
      %gather3A_354 = tpu.vector_load_idx %arg7[%get3A_321] : memref<100000xf32, #tpu.memory_space<vmem>>[vector<16xi32>], vector<16xf32>,
      %gather3A_355 = tpu.vector_load_idx %arg7[%get3A_331] : memref<100000xf32, #tpu.memory_space<vmem>>[vector<16xi32>], vector<16xf32>,
      %gather3A_356 = tpu.vector_load_idx %arg7[%get3A_341] : memref<100000xf32, #tpu.memory_space<vmem>>[vector<16xi32>], vector<16xf32>,
      %mul3A_357 = arith.constant 16 : i32
      %mul3A_358 = arith.muli %scan3A_182, %mul3A_357 : i32
      %add3A_359 = arith.constant 0 : i32
      %add3A_360 = arith.addi %mul3A_358, %add3A_359 : i32
      %mul3A_361 = arith.constant 16 : i32
      %mul3A_362 = arith.muli %add3A_360, %mul3A_361 : i32
      %swap3A = arith.index_cast %mul3A_362 : i32 to index
      %swap3A_363 = tpu.vector_load %arg9[%swap3A] {strides = array<i32>} : memref<4096xf32, #tpu.memory_space<vmem>>, vector<16xf32>,
      tpu.vector_store %arg9[%swap3A], %gather3A {strides = array<i32>} : memref<4096xf32, #tpu.memory_space<vmem>>, vector<16xf32>,
      %mul3A_364 = arith.constant 16 : i32
      %mul3A_365 = arith.muli %scan3A_182, %mul3A_364 : i32
      %add3A_366 = arith.constant 1 : i32
      %add3A_367 = arith.addi %mul3A_365, %add3A_366 : i32
      %mul3A_368 = arith.constant 16 : i32
      %mul3A_369 = arith.muli %add3A_367, %mul3A_368 : i32
      %swap3A_370 = arith.index_cast %mul3A_369 : i32 to index
      %swap3A_371 = tpu.vector_load %arg9[%swap3A_370] {strides = array<i32>} : memref<4096xf32, #tpu.memory_space<vmem>>, vector<16xf32>,
      tpu.vector_store %arg9[%swap3A_370], %gather3A_342 {strides = array<i32>} : memref<4096xf32, #tpu.memory_space<vmem>>, vector<16xf32>,
      %mul3A_372 = arith.constant 16 : i32
      %mul3A_373 = arith.muli %scan3A_182, %mul3A_372 : i32
      %add3A_374 = arith.constant 2 : i32
      %add3A_375 = arith.addi %mul3A_373, %add3A_374 : i32
      %mul3A_376 = arith.constant 16 : i32
      %mul3A_377 = arith.muli %add3A_375, %mul3A_376 : i32
      %swap3A_378 = arith.index_cast %mul3A_377 : i32 to index
      %swap3A_379 = tpu.vector_load %arg9[%swap3A_378] {strides = array<i32>} : memref<4096xf32, #tpu.memory_space<vmem>>, vector<16xf32>,
      tpu.vector_store %arg9[%swap3A_378], %gather3A_343 {strides = array<i32>} : memref<4096xf32, #tpu.memory_space<vmem>>, vector<16xf32>,
      %mul3A_380 = arith.constant 16 : i32
      %mul3A_381 = arith.muli %scan3A_182, %mul3A_380 : i32
      %add3A_382 = arith.constant 3 : i32
      %add3A_383 = arith.addi %mul3A_381, %add3A_382 : i32
      %mul3A_384 = arith.constant 16 : i32
      %mul3A_385 = arith.muli %add3A_383, %mul3A_384 : i32
      %swap3A_386 = arith.index_cast %mul3A_385 : i32 to index
      %swap3A_387 = tpu.vector_load %arg9[%swap3A_386] {strides = array<i32>} : memref<4096xf32, #tpu.memory_space<vmem>>, vector<16xf32>,
      tpu.vector_store %arg9[%swap3A_386], %gather3A_344 {strides = array<i32>} : memref<4096xf32, #tpu.memory_space<vmem>>, vector<16xf32>,
      %mul3A_388 = arith.constant 16 : i32
      %mul3A_389 = arith.muli %scan3A_182, %mul3A_388 : i32
      %add3A_390 = arith.constant 4 : i32
      %add3A_391 = arith.addi %mul3A_389, %add3A_390 : i32
      %mul3A_392 = arith.constant 16 : i32
      %mul3A_393 = arith.muli %add3A_391, %mul3A_392 : i32
      %swap3A_394 = arith.index_cast %mul3A_393 : i32 to index
      %swap3A_395 = tpu.vector_load %arg9[%swap3A_394] {strides = array<i32>} : memref<4096xf32, #tpu.memory_space<vmem>>, vector<16xf32>,
      tpu.vector_store %arg9[%swap3A_394], %gather3A_345 {strides = array<i32>} : memref<4096xf32, #tpu.memory_space<vmem>>, vector<16xf32>,
      %mul3A_396 = arith.constant 16 : i32
      %mul3A_397 = arith.muli %scan3A_182, %mul3A_396 : i32
      %add3A_398 = arith.constant 5 : i32
      %add3A_399 = arith.addi %mul3A_397, %add3A_398 : i32
      %mul3A_400 = arith.constant 16 : i32
      %mul3A_401 = arith.muli %add3A_399, %mul3A_400 : i32
      %swap3A_402 = arith.index_cast %mul3A_401 : i32 to index
      %swap3A_403 = tpu.vector_load %arg9[%swap3A_402] {strides = array<i32>} : memref<4096xf32, #tpu.memory_space<vmem>>, vector<16xf32>,
      tpu.vector_store %arg9[%swap3A_402], %gather3A_346 {strides = array<i32>} : memref<4096xf32, #tpu.memory_space<vmem>>, vector<16xf32>,
      %mul3A_404 = arith.constant 16 : i32
      %mul3A_405 = arith.muli %scan3A_182, %mul3A_404 : i32
      %add3A_406 = arith.constant 6 : i32
      %add3A_407 = arith.addi %mul3A_405, %add3A_406 : i32
      %mul3A_408 = arith.constant 16 : i32
      %mul3A_409 = arith.muli %add3A_407, %mul3A_408 : i32
      %swap3A_410 = arith.index_cast %mul3A_409 : i32 to index
      %swap3A_411 = tpu.vector_load %arg9[%swap3A_410] {strides = array<i32>} : memref<4096xf32, #tpu.memory_space<vmem>>, vector<16xf32>,
      tpu.vector_store %arg9[%swap3A_410], %gather3A_347 {strides = array<i32>} : memref<4096xf32, #tpu.memory_space<vmem>>, vector<16xf32>,
      %mul3A_412 = arith.constant 16 : i32
      %mul3A_413 = arith.muli %scan3A_182, %mul3A_412 : i32
      %add3A_414 = arith.constant 7 : i32
      %add3A_415 = arith.addi %mul3A_413, %add3A_414 : i32
      %mul3A_416 = arith.constant 16 : i32
      %mul3A_417 = arith.muli %add3A_415, %mul3A_416 : i32
      %swap3A_418 = arith.index_cast %mul3A_417 : i32 to index
      %swap3A_419 = tpu.vector_load %arg9[%swap3A_418] {strides = array<i32>} : memref<4096xf32, #tpu.memory_space<vmem>>, vector<16xf32>,
      tpu.vector_store %arg9[%swap3A_418], %gather3A_348 {strides = array<i32>} : memref<4096xf32, #tpu.memory_space<vmem>>, vector<16xf32>,
      %mul3A_420 = arith.constant 16 : i32
      %mul3A_421 = arith.muli %scan3A_182, %mul3A_420 : i32
      %add3A_422 = arith.constant 8 : i32
      %add3A_423 = arith.addi %mul3A_421, %add3A_422 : i32
      %mul3A_424 = arith.constant 16 : i32
      %mul3A_425 = arith.muli %add3A_423, %mul3A_424 : i32
      %swap3A_426 = arith.index_cast %mul3A_425 : i32 to index
      %swap3A_427 = tpu.vector_load %arg9[%swap3A_426] {strides = array<i32>} : memref<4096xf32, #tpu.memory_space<vmem>>, vector<16xf32>,
      tpu.vector_store %arg9[%swap3A_426], %gather3A_349 {strides = array<i32>} : memref<4096xf32, #tpu.memory_space<vmem>>, vector<16xf32>,
      %mul3A_428 = arith.constant 16 : i32
      %mul3A_429 = arith.muli %scan3A_182, %mul3A_428 : i32
      %add3A_430 = arith.constant 9 : i32
      %add3A_431 = arith.addi %mul3A_429, %add3A_430 : i32
      %mul3A_432 = arith.constant 16 : i32
      %mul3A_433 = arith.muli %add3A_431, %mul3A_432 : i32
      %swap3A_434 = arith.index_cast %mul3A_433 : i32 to index
      %swap3A_435 = tpu.vector_load %arg9[%swap3A_434] {strides = array<i32>} : memref<4096xf32, #tpu.memory_space<vmem>>, vector<16xf32>,
      tpu.vector_store %arg9[%swap3A_434], %gather3A_350 {strides = array<i32>} : memref<4096xf32, #tpu.memory_space<vmem>>, vector<16xf32>,
      %mul3A_436 = arith.constant 16 : i32
      %mul3A_437 = arith.muli %scan3A_182, %mul3A_436 : i32
      %add3A_438 = arith.constant 10 : i32
      %add3A_439 = arith.addi %mul3A_437, %add3A_438 : i32
      %mul3A_440 = arith.constant 16 : i32
      %mul3A_441 = arith.muli %add3A_439, %mul3A_440 : i32
      %swap3A_442 = arith.index_cast %mul3A_441 : i32 to index
      %swap3A_443 = tpu.vector_load %arg9[%swap3A_442] {strides = array<i32>} : memref<4096xf32, #tpu.memory_space<vmem>>, vector<16xf32>,
      tpu.vector_store %arg9[%swap3A_442], %gather3A_351 {strides = array<i32>} : memref<4096xf32, #tpu.memory_space<vmem>>, vector<16xf32>,
      %mul3A_444 = arith.constant 16 : i32
      %mul3A_445 = arith.muli %scan3A_182, %mul3A_444 : i32
      %add3A_446 = arith.constant 11 : i32
      %add3A_447 = arith.addi %mul3A_445, %add3A_446 : i32
      %mul3A_448 = arith.constant 16 : i32
      %mul3A_449 = arith.muli %add3A_447, %mul3A_448 : i32
      %swap3A_450 = arith.index_cast %mul3A_449 : i32 to index
      %swap3A_451 = tpu.vector_load %arg9[%swap3A_450] {strides = array<i32>} : memref<4096xf32, #tpu.memory_space<vmem>>, vector<16xf32>,
      tpu.vector_store %arg9[%swap3A_450], %gather3A_352 {strides = array<i32>} : memref<4096xf32, #tpu.memory_space<vmem>>, vector<16xf32>,
      %mul3A_452 = arith.constant 16 : i32
      %mul3A_453 = arith.muli %scan3A_182, %mul3A_452 : i32
      %add3A_454 = arith.constant 12 : i32
      %add3A_455 = arith.addi %mul3A_453, %add3A_454 : i32
      %mul3A_456 = arith.constant 16 : i32
      %mul3A_457 = arith.muli %add3A_455, %mul3A_456 : i32
      %swap3A_458 = arith.index_cast %mul3A_457 : i32 to index
      %swap3A_459 = tpu.vector_load %arg9[%swap3A_458] {strides = array<i32>} : memref<4096xf32, #tpu.memory_space<vmem>>, vector<16xf32>,
      tpu.vector_store %arg9[%swap3A_458], %gather3A_353 {strides = array<i32>} : memref<4096xf32, #tpu.memory_space<vmem>>, vector<16xf32>,
      %mul3A_460 = arith.constant 16 : i32
      %mul3A_461 = arith.muli %scan3A_182, %mul3A_460 : i32
      %add3A_462 = arith.constant 13 : i32
      %add3A_463 = arith.addi %mul3A_461, %add3A_462 : i32
      %mul3A_464 = arith.constant 16 : i32
      %mul3A_465 = arith.muli %add3A_463, %mul3A_464 : i32
      %swap3A_466 = arith.index_cast %mul3A_465 : i32 to index
      %swap3A_467 = tpu.vector_load %arg9[%swap3A_466] {strides = array<i32>} : memref<4096xf32, #tpu.memory_space<vmem>>, vector<16xf32>,
      tpu.vector_store %arg9[%swap3A_466], %gather3A_354 {strides = array<i32>} : memref<4096xf32, #tpu.memory_space<vmem>>, vector<16xf32>,
      %mul3A_468 = arith.constant 16 : i32
      %mul3A_469 = arith.muli %scan3A_182, %mul3A_468 : i32
      %add3A_470 = arith.constant 14 : i32
      %add3A_471 = arith.addi %mul3A_469, %add3A_470 : i32
      %mul3A_472 = arith.constant 16 : i32
      %mul3A_473 = arith.muli %add3A_471, %mul3A_472 : i32
      %swap3A_474 = arith.index_cast %mul3A_473 : i32 to index
      %swap3A_475 = tpu.vector_load %arg9[%swap3A_474] {strides = array<i32>} : memref<4096xf32, #tpu.memory_space<vmem>>, vector<16xf32>,
      tpu.vector_store %arg9[%swap3A_474], %gather3A_355 {strides = array<i32>} : memref<4096xf32, #tpu.memory_space<vmem>>, vector<16xf32>,
      %mul3A_476 = arith.constant 16 : i32
      %mul3A_477 = arith.muli %scan3A_182, %mul3A_476 : i32
      %add3A_478 = arith.constant 15 : i32
      %add3A_479 = arith.addi %mul3A_477, %add3A_478 : i32
      %mul3A_480 = arith.constant 16 : i32
      %mul3A_481 = arith.muli %add3A_479, %mul3A_480 : i32
      %swap3A_482 = arith.index_cast %mul3A_481 : i32 to index
      %swap3A_483 = tpu.vector_load %arg9[%swap3A_482] {strides = array<i32>} : memref<4096xf32, #tpu.memory_space<vmem>>, vector<16xf32>,
      tpu.vector_store %arg9[%swap3A_482], %gather3A_356 {strides = array<i32>} : memref<4096xf32, #tpu.memory_space<vmem>>, vector<16xf32>,
    }
    %scan3A_141 = arith.constant 16 : i32
    %add3A_142 = arith.constant 32 : i32
    %add3A_143 = arith.addi %add3A_142, %add3A : i32
    %dma_start3A_144 = arith.constant 8192 : i32
    %dma_start3A_145 = tpu.memref_slice %arg6[%add3A_143, %dma_start3A_144] : memref<64x16384xf32, #tpu.memory_space<hbm>> -> memref<1x4096xf32, #tpu.memory_space<hbm>>
    %dma_start3A_146 = tpu.memref_squeeze %dma_start3A_145 : memref<1x4096xf32, #tpu.memory_space<hbm>> -> memref<4096xf32, #tpu.memory_space<hbm>>
    %dma_start3A_147 = arith.constant 8192 : i32
    %dma_start3A_148 = tpu.memref_slice %arg6[%add3A_143, %dma_start3A_147] : memref<64x16384xf32, #tpu.memory_space<hbm>> -> memref<1x4096xf32, #tpu.memory_space<hbm>>
    %dma_start3A_149 = tpu.memref_squeeze %dma_start3A_148 : memref<1x4096xf32, #tpu.memory_space<hbm>> -> memref<4096xf32, #tpu.memory_space<hbm>>
    tpu.enqueue_dma source(%arg9 : memref<4096xf32, #tpu.memory_space<vmem>>) target(%dma_start3A_149 : memref<4096xf32, #tpu.memory_space<hbm>>) target_semaphore(%arg12 : memref<!tpu.dma_semaphore, #tpu.memory_space<semaphore_mem>>)
    %dma_wait3A_150 = arith.constant 4096 : i32
    %dma_wait3A_151 = tpu.memref_slice %arg6[%add3A_123, %dma_wait3A_150] : memref<64x16384xf32, #tpu.memory_space<hbm>> -> memref<1x4096xf32, #tpu.memory_space<hbm>>
    %dma_wait3A_152 = tpu.memref_squeeze %dma_wait3A_151 : memref<1x4096xf32, #tpu.memory_space<hbm>> -> memref<4096xf32, #tpu.memory_space<hbm>>
    %dma_wait3A_153 = arith.constant 4096 : i32
    %dma_wait3A_154 = tpu.memref_slice %arg6[%add3A_123, %dma_wait3A_153] : memref<64x16384xf32, #tpu.memory_space<hbm>> -> memref<1x4096xf32, #tpu.memory_space<hbm>>
    %dma_wait3A_155 = tpu.memref_squeeze %dma_wait3A_154 : memref<1x4096xf32, #tpu.memory_space<hbm>> -> memref<4096xf32, #tpu.memory_space<hbm>>
    tpu.wait_dma2 semaphore(%arg13 : memref<!tpu.dma_semaphore, #tpu.memory_space<semaphore_mem>>) src(%arg10 : memref<4096xf32, #tpu.memory_space<vmem>>) dst(%dma_wait3A_155 : memref<4096xf32, #tpu.memory_space<hbm>>)
    %scan3A_156 = arith.constant 0 : i32
    %scan3A_157 = arith.constant 0 : i32
    %scan3A_158 = arith.constant 16 : i32
    %scan3A_159 = arith.addi %scan3A_157, %scan3A_158 : i32
    %scan3A_160 = arith.constant 1 : i32
    scf.for %scan3A_182 = %scan3A_157 to %scan3A_159 step %scan3A_160  : i32 {
      %mul3A_183 = arith.constant 16 : i32
      %mul3A_184 = arith.muli %scan3A_182, %mul3A_183 : i32
      %add3A_185 = arith.constant 0 : i32
      %add3A_186 = arith.addi %mul3A_184, %add3A_185 : i32
      %mul3A_187 = arith.constant 16 : i32
      %mul3A_188 = arith.muli %add3A_186, %mul3A_187 : i32
      %add3A_189 = arith.constant 12288 : i32
      %add3A_190 = arith.addi %add3A_189, %mul3A_188 : i32
      %get3A = arith.index_cast %add3A_190 : i32 to index
      %get3A_191 = tpu.vector_load %arg8[%get3A] {strides = array<i32>} : memref<16384xi32, #tpu.memory_space<vmem>>, vector<16xi32>,
      %mul3A_192 = arith.constant 16 : i32
      %mul3A_193 = arith.muli %scan3A_182, %mul3A_192 : i32
      %add3A_194 = arith.constant 1 : i32
      %add3A_195 = arith.addi %mul3A_193, %add3A_194 : i32
      %mul3A_196 = arith.constant 16 : i32
      %mul3A_197 = arith.muli %add3A_195, %mul3A_196 : i32
      %add3A_198 = arith.constant 12288 : i32
      %add3A_199 = arith.addi %add3A_198, %mul3A_197 : i32
      %get3A_200 = arith.index_cast %add3A_199 : i32 to index
      %get3A_201 = tpu.vector_load %arg8[%get3A_200] {strides = array<i32>} : memref<16384xi32, #tpu.memory_space<vmem>>, vector<16xi32>,
      %mul3A_202 = arith.constant 16 : i32
      %mul3A_203 = arith.muli %scan3A_182, %mul3A_202 : i32
      %add3A_204 = arith.constant 2 : i32
      %add3A_205 = arith.addi %mul3A_203, %add3A_204 : i32
      %mul3A_206 = arith.constant 16 : i32
      %mul3A_207 = arith.muli %add3A_205, %mul3A_206 : i32
      %add3A_208 = arith.constant 12288 : i32
      %add3A_209 = arith.addi %add3A_208, %mul3A_207 : i32
      %get3A_210 = arith.index_cast %add3A_209 : i32 to index
      %get3A_211 = tpu.vector_load %arg8[%get3A_210] {strides = array<i32>} : memref<16384xi32, #tpu.memory_space<vmem>>, vector<16xi32>,
      %mul3A_212 = arith.constant 16 : i32
      %mul3A_213 = arith.muli %scan3A_182, %mul3A_212 : i32
      %add3A_214 = arith.constant 3 : i32
      %add3A_215 = arith.addi %mul3A_213, %add3A_214 : i32
      %mul3A_216 = arith.constant 16 : i32
      %mul3A_217 = arith.muli %add3A_215, %mul3A_216 : i32
      %add3A_218 = arith.constant 12288 : i32
      %add3A_219 = arith.addi %add3A_218, %mul3A_217 : i32
      %get3A_220 = arith.index_cast %add3A_219 : i32 to index
      %get3A_221 = tpu.vector_load %arg8[%get3A_220] {strides = array<i32>} : memref<16384xi32, #tpu.memory_space<vmem>>, vector<16xi32>,
      %mul3A_222 = arith.constant 16 : i32
      %mul3A_223 = arith.muli %scan3A_182, %mul3A_222 : i32
      %add3A_224 = arith.constant 4 : i32
      %add3A_225 = arith.addi %mul3A_223, %add3A_224 : i32
      %mul3A_226 = arith.constant 16 : i32
      %mul3A_227 = arith.muli %add3A_225, %mul3A_226 : i32
      %add3A_228 = arith.constant 12288 : i32
      %add3A_229 = arith.addi %add3A_228, %mul3A_227 : i32
      %get3A_230 = arith.index_cast %add3A_229 : i32 to index
      %get3A_231 = tpu.vector_load %arg8[%get3A_230] {strides = array<i32>} : memref<16384xi32, #tpu.memory_space<vmem>>, vector<16xi32>,
      %mul3A_232 = arith.constant 16 : i32
      %mul3A_233 = arith.muli %scan3A_182, %mul3A_232 : i32
      %add3A_234 = arith.constant 5 : i32
      %add3A_235 = arith.addi %mul3A_233, %add3A_234 : i32
      %mul3A_236 = arith.constant 16 : i32
      %mul3A_237 = arith.muli %add3A_235, %mul3A_236 : i32
      %add3A_238 = arith.constant 12288 : i32
      %add3A_239 = arith.addi %add3A_238, %mul3A_237 : i32
      %get3A_240 = arith.index_cast %add3A_239 : i32 to index
      %get3A_241 = tpu.vector_load %arg8[%get3A_240] {strides = array<i32>} : memref<16384xi32, #tpu.memory_space<vmem>>, vector<16xi32>,
      %mul3A_242 = arith.constant 16 : i32
      %mul3A_243 = arith.muli %scan3A_182, %mul3A_242 : i32
      %add3A_244 = arith.constant 6 : i32
      %add3A_245 = arith.addi %mul3A_243, %add3A_244 : i32
      %mul3A_246 = arith.constant 16 : i32
      %mul3A_247 = arith.muli %add3A_245, %mul3A_246 : i32
      %add3A_248 = arith.constant 12288 : i32
      %add3A_249 = arith.addi %add3A_248, %mul3A_247 : i32
      %get3A_250 = arith.index_cast %add3A_249 : i32 to index
      %get3A_251 = tpu.vector_load %arg8[%get3A_250] {strides = array<i32>} : memref<16384xi32, #tpu.memory_space<vmem>>, vector<16xi32>,
      %mul3A_252 = arith.constant 16 : i32
      %mul3A_253 = arith.muli %scan3A_182, %mul3A_252 : i32
      %add3A_254 = arith.constant 7 : i32
      %add3A_255 = arith.addi %mul3A_253, %add3A_254 : i32
      %mul3A_256 = arith.constant 16 : i32
      %mul3A_257 = arith.muli %add3A_255, %mul3A_256 : i32
      %add3A_258 = arith.constant 12288 : i32
      %add3A_259 = arith.addi %add3A_258, %mul3A_257 : i32
      %get3A_260 = arith.index_cast %add3A_259 : i32 to index
      %get3A_261 = tpu.vector_load %arg8[%get3A_260] {strides = array<i32>} : memref<16384xi32, #tpu.memory_space<vmem>>, vector<16xi32>,
      %mul3A_262 = arith.constant 16 : i32
      %mul3A_263 = arith.muli %scan3A_182, %mul3A_262 : i32
      %add3A_264 = arith.constant 8 : i32
      %add3A_265 = arith.addi %mul3A_263, %add3A_264 : i32
      %mul3A_266 = arith.constant 16 : i32
      %mul3A_267 = arith.muli %add3A_265, %mul3A_266 : i32
      %add3A_268 = arith.constant 12288 : i32
      %add3A_269 = arith.addi %add3A_268, %mul3A_267 : i32
      %get3A_270 = arith.index_cast %add3A_269 : i32 to index
      %get3A_271 = tpu.vector_load %arg8[%get3A_270] {strides = array<i32>} : memref<16384xi32, #tpu.memory_space<vmem>>, vector<16xi32>,
      %mul3A_272 = arith.constant 16 : i32
      %mul3A_273 = arith.muli %scan3A_182, %mul3A_272 : i32
      %add3A_274 = arith.constant 9 : i32
      %add3A_275 = arith.addi %mul3A_273, %add3A_274 : i32
      %mul3A_276 = arith.constant 16 : i32
      %mul3A_277 = arith.muli %add3A_275, %mul3A_276 : i32
      %add3A_278 = arith.constant 12288 : i32
      %add3A_279 = arith.addi %add3A_278, %mul3A_277 : i32
      %get3A_280 = arith.index_cast %add3A_279 : i32 to index
      %get3A_281 = tpu.vector_load %arg8[%get3A_280] {strides = array<i32>} : memref<16384xi32, #tpu.memory_space<vmem>>, vector<16xi32>,
      %mul3A_282 = arith.constant 16 : i32
      %mul3A_283 = arith.muli %scan3A_182, %mul3A_282 : i32
      %add3A_284 = arith.constant 10 : i32
      %add3A_285 = arith.addi %mul3A_283, %add3A_284 : i32
      %mul3A_286 = arith.constant 16 : i32
      %mul3A_287 = arith.muli %add3A_285, %mul3A_286 : i32
      %add3A_288 = arith.constant 12288 : i32
      %add3A_289 = arith.addi %add3A_288, %mul3A_287 : i32
      %get3A_290 = arith.index_cast %add3A_289 : i32 to index
      %get3A_291 = tpu.vector_load %arg8[%get3A_290] {strides = array<i32>} : memref<16384xi32, #tpu.memory_space<vmem>>, vector<16xi32>,
      %mul3A_292 = arith.constant 16 : i32
      %mul3A_293 = arith.muli %scan3A_182, %mul3A_292 : i32
      %add3A_294 = arith.constant 11 : i32
      %add3A_295 = arith.addi %mul3A_293, %add3A_294 : i32
      %mul3A_296 = arith.constant 16 : i32
      %mul3A_297 = arith.muli %add3A_295, %mul3A_296 : i32
      %add3A_298 = arith.constant 12288 : i32
      %add3A_299 = arith.addi %add3A_298, %mul3A_297 : i32
      %get3A_300 = arith.index_cast %add3A_299 : i32 to index
      %get3A_301 = tpu.vector_load %arg8[%get3A_300] {strides = array<i32>} : memref<16384xi32, #tpu.memory_space<vmem>>, vector<16xi32>,
      %mul3A_302 = arith.constant 16 : i32
      %mul3A_303 = arith.muli %scan3A_182, %mul3A_302 : i32
      %add3A_304 = arith.constant 12 : i32
      %add3A_305 = arith.addi %mul3A_303, %add3A_304 : i32
      %mul3A_306 = arith.constant 16 : i32
      %mul3A_307 = arith.muli %add3A_305, %mul3A_306 : i32
      %add3A_308 = arith.constant 12288 : i32
      %add3A_309 = arith.addi %add3A_308, %mul3A_307 : i32
      %get3A_310 = arith.index_cast %add3A_309 : i32 to index
      %get3A_311 = tpu.vector_load %arg8[%get3A_310] {strides = array<i32>} : memref<16384xi32, #tpu.memory_space<vmem>>, vector<16xi32>,
      %mul3A_312 = arith.constant 16 : i32
      %mul3A_313 = arith.muli %scan3A_182, %mul3A_312 : i32
      %add3A_314 = arith.constant 13 : i32
      %add3A_315 = arith.addi %mul3A_313, %add3A_314 : i32
      %mul3A_316 = arith.constant 16 : i32
      %mul3A_317 = arith.muli %add3A_315, %mul3A_316 : i32
      %add3A_318 = arith.constant 12288 : i32
      %add3A_319 = arith.addi %add3A_318, %mul3A_317 : i32
      %get3A_320 = arith.index_cast %add3A_319 : i32 to index
      %get3A_321 = tpu.vector_load %arg8[%get3A_320] {strides = array<i32>} : memref<16384xi32, #tpu.memory_space<vmem>>, vector<16xi32>,
      %mul3A_322 = arith.constant 16 : i32
      %mul3A_323 = arith.muli %scan3A_182, %mul3A_322 : i32
      %add3A_324 = arith.constant 14 : i32
      %add3A_325 = arith.addi %mul3A_323, %add3A_324 : i32
      %mul3A_326 = arith.constant 16 : i32
      %mul3A_327 = arith.muli %add3A_325, %mul3A_326 : i32
      %add3A_328 = arith.constant 12288 : i32
      %add3A_329 = arith.addi %add3A_328, %mul3A_327 : i32
      %get3A_330 = arith.index_cast %add3A_329 : i32 to index
      %get3A_331 = tpu.vector_load %arg8[%get3A_330] {strides = array<i32>} : memref<16384xi32, #tpu.memory_space<vmem>>, vector<16xi32>,
      %mul3A_332 = arith.constant 16 : i32
      %mul3A_333 = arith.muli %scan3A_182, %mul3A_332 : i32
      %add3A_334 = arith.constant 15 : i32
      %add3A_335 = arith.addi %mul3A_333, %add3A_334 : i32
      %mul3A_336 = arith.constant 16 : i32
      %mul3A_337 = arith.muli %add3A_335, %mul3A_336 : i32
      %add3A_338 = arith.constant 12288 : i32
      %add3A_339 = arith.addi %add3A_338, %mul3A_337 : i32
      %get3A_340 = arith.index_cast %add3A_339 : i32 to index
      %get3A_341 = tpu.vector_load %arg8[%get3A_340] {strides = array<i32>} : memref<16384xi32, #tpu.memory_space<vmem>>, vector<16xi32>,
      %gather3A = tpu.vector_load_idx %arg7[%get3A_191] : memref<100000xf32, #tpu.memory_space<vmem>>[vector<16xi32>], vector<16xf32>,
      %gather3A_342 = tpu.vector_load_idx %arg7[%get3A_201] : memref<100000xf32, #tpu.memory_space<vmem>>[vector<16xi32>], vector<16xf32>,
      %gather3A_343 = tpu.vector_load_idx %arg7[%get3A_211] : memref<100000xf32, #tpu.memory_space<vmem>>[vector<16xi32>], vector<16xf32>,
      %gather3A_344 = tpu.vector_load_idx %arg7[%get3A_221] : memref<100000xf32, #tpu.memory_space<vmem>>[vector<16xi32>], vector<16xf32>,
      %gather3A_345 = tpu.vector_load_idx %arg7[%get3A_231] : memref<100000xf32, #tpu.memory_space<vmem>>[vector<16xi32>], vector<16xf32>,
      %gather3A_346 = tpu.vector_load_idx %arg7[%get3A_241] : memref<100000xf32, #tpu.memory_space<vmem>>[vector<16xi32>], vector<16xf32>,
      %gather3A_347 = tpu.vector_load_idx %arg7[%get3A_251] : memref<100000xf32, #tpu.memory_space<vmem>>[vector<16xi32>], vector<16xf32>,
      %gather3A_348 = tpu.vector_load_idx %arg7[%get3A_261] : memref<100000xf32, #tpu.memory_space<vmem>>[vector<16xi32>], vector<16xf32>,
      %gather3A_349 = tpu.vector_load_idx %arg7[%get3A_271] : memref<100000xf32, #tpu.memory_space<vmem>>[vector<16xi32>], vector<16xf32>,
      %gather3A_350 = tpu.vector_load_idx %arg7[%get3A_281] : memref<100000xf32, #tpu.memory_space<vmem>>[vector<16xi32>], vector<16xf32>,
      %gather3A_351 = tpu.vector_load_idx %arg7[%get3A_291] : memref<100000xf32, #tpu.memory_space<vmem>>[vector<16xi32>], vector<16xf32>,
      %gather3A_352 = tpu.vector_load_idx %arg7[%get3A_301] : memref<100000xf32, #tpu.memory_space<vmem>>[vector<16xi32>], vector<16xf32>,
      %gather3A_353 = tpu.vector_load_idx %arg7[%get3A_311] : memref<100000xf32, #tpu.memory_space<vmem>>[vector<16xi32>], vector<16xf32>,
      %gather3A_354 = tpu.vector_load_idx %arg7[%get3A_321] : memref<100000xf32, #tpu.memory_space<vmem>>[vector<16xi32>], vector<16xf32>,
      %gather3A_355 = tpu.vector_load_idx %arg7[%get3A_331] : memref<100000xf32, #tpu.memory_space<vmem>>[vector<16xi32>], vector<16xf32>,
      %gather3A_356 = tpu.vector_load_idx %arg7[%get3A_341] : memref<100000xf32, #tpu.memory_space<vmem>>[vector<16xi32>], vector<16xf32>,
      %mul3A_357 = arith.constant 16 : i32
      %mul3A_358 = arith.muli %scan3A_182, %mul3A_357 : i32
      %add3A_359 = arith.constant 0 : i32
      %add3A_360 = arith.addi %mul3A_358, %add3A_359 : i32
      %mul3A_361 = arith.constant 16 : i32
      %mul3A_362 = arith.muli %add3A_360, %mul3A_361 : i32
      %swap3A = arith.index_cast %mul3A_362 : i32 to index
      %swap3A_363 = tpu.vector_load %arg10[%swap3A] {strides = array<i32>} : memref<4096xf32, #tpu.memory_space<vmem>>, vector<16xf32>,
      tpu.vector_store %arg10[%swap3A], %gather3A {strides = array<i32>} : memref<4096xf32, #tpu.memory_space<vmem>>, vector<16xf32>,
      %mul3A_364 = arith.constant 16 : i32
      %mul3A_365 = arith.muli %scan3A_182, %mul3A_364 : i32
      %add3A_366 = arith.constant 1 : i32
      %add3A_367 = arith.addi %mul3A_365, %add3A_366 : i32
      %mul3A_368 = arith.constant 16 : i32
      %mul3A_369 = arith.muli %add3A_367, %mul3A_368 : i32
      %swap3A_370 = arith.index_cast %mul3A_369 : i32 to index
      %swap3A_371 = tpu.vector_load %arg10[%swap3A_370] {strides = array<i32>} : memref<4096xf32, #tpu.memory_space<vmem>>, vector<16xf32>,
      tpu.vector_store %arg10[%swap3A_370], %gather3A_342 {strides = array<i32>} : memref<4096xf32, #tpu.memory_space<vmem>>, vector<16xf32>,
      %mul3A_372 = arith.constant 16 : i32
      %mul3A_373 = arith.muli %scan3A_182, %mul3A_372 : i32
      %add3A_374 = arith.constant 2 : i32
      %add3A_375 = arith.addi %mul3A_373, %add3A_374 : i32
      %mul3A_376 = arith.constant 16 : i32
      %mul3A_377 = arith.muli %add3A_375, %mul3A_376 : i32
      %swap3A_378 = arith.index_cast %mul3A_377 : i32 to index
      %swap3A_379 = tpu.vector_load %arg10[%swap3A_378] {strides = array<i32>} : memref<4096xf32, #tpu.memory_space<vmem>>, vector<16xf32>,
      tpu.vector_store %arg10[%swap3A_378], %gather3A_343 {strides = array<i32>} : memref<4096xf32, #tpu.memory_space<vmem>>, vector<16xf32>,
      %mul3A_380 = arith.constant 16 : i32
      %mul3A_381 = arith.muli %scan3A_182, %mul3A_380 : i32
      %add3A_382 = arith.constant 3 : i32
      %add3A_383 = arith.addi %mul3A_381, %add3A_382 : i32
      %mul3A_384 = arith.constant 16 : i32
      %mul3A_385 = arith.muli %add3A_383, %mul3A_384 : i32
      %swap3A_386 = arith.index_cast %mul3A_385 : i32 to index
      %swap3A_387 = tpu.vector_load %arg10[%swap3A_386] {strides = array<i32>} : memref<4096xf32, #tpu.memory_space<vmem>>, vector<16xf32>,
      tpu.vector_store %arg10[%swap3A_386], %gather3A_344 {strides = array<i32>} : memref<4096xf32, #tpu.memory_space<vmem>>, vector<16xf32>,
      %mul3A_388 = arith.constant 16 : i32
      %mul3A_389 = arith.muli %scan3A_182, %mul3A_388 : i32
      %add3A_390 = arith.constant 4 : i32
      %add3A_391 = arith.addi %mul3A_389, %add3A_390 : i32
      %mul3A_392 = arith.constant 16 : i32
      %mul3A_393 = arith.muli %add3A_391, %mul3A_392 : i32
      %swap3A_394 = arith.index_cast %mul3A_393 : i32 to index
      %swap3A_395 = tpu.vector_load %arg10[%swap3A_394] {strides = array<i32>} : memref<4096xf32, #tpu.memory_space<vmem>>, vector<16xf32>,
      tpu.vector_store %arg10[%swap3A_394], %gather3A_345 {strides = array<i32>} : memref<4096xf32, #tpu.memory_space<vmem>>, vector<16xf32>,
      %mul3A_396 = arith.constant 16 : i32
      %mul3A_397 = arith.muli %scan3A_182, %mul3A_396 : i32
      %add3A_398 = arith.constant 5 : i32
      %add3A_399 = arith.addi %mul3A_397, %add3A_398 : i32
      %mul3A_400 = arith.constant 16 : i32
      %mul3A_401 = arith.muli %add3A_399, %mul3A_400 : i32
      %swap3A_402 = arith.index_cast %mul3A_401 : i32 to index
      %swap3A_403 = tpu.vector_load %arg10[%swap3A_402] {strides = array<i32>} : memref<4096xf32, #tpu.memory_space<vmem>>, vector<16xf32>,
      tpu.vector_store %arg10[%swap3A_402], %gather3A_346 {strides = array<i32>} : memref<4096xf32, #tpu.memory_space<vmem>>, vector<16xf32>,
      %mul3A_404 = arith.constant 16 : i32
      %mul3A_405 = arith.muli %scan3A_182, %mul3A_404 : i32
      %add3A_406 = arith.constant 6 : i32
      %add3A_407 = arith.addi %mul3A_405, %add3A_406 : i32
      %mul3A_408 = arith.constant 16 : i32
      %mul3A_409 = arith.muli %add3A_407, %mul3A_408 : i32
      %swap3A_410 = arith.index_cast %mul3A_409 : i32 to index
      %swap3A_411 = tpu.vector_load %arg10[%swap3A_410] {strides = array<i32>} : memref<4096xf32, #tpu.memory_space<vmem>>, vector<16xf32>,
      tpu.vector_store %arg10[%swap3A_410], %gather3A_347 {strides = array<i32>} : memref<4096xf32, #tpu.memory_space<vmem>>, vector<16xf32>,
      %mul3A_412 = arith.constant 16 : i32
      %mul3A_413 = arith.muli %scan3A_182, %mul3A_412 : i32
      %add3A_414 = arith.constant 7 : i32
      %add3A_415 = arith.addi %mul3A_413, %add3A_414 : i32
      %mul3A_416 = arith.constant 16 : i32
      %mul3A_417 = arith.muli %add3A_415, %mul3A_416 : i32
      %swap3A_418 = arith.index_cast %mul3A_417 : i32 to index
      %swap3A_419 = tpu.vector_load %arg10[%swap3A_418] {strides = array<i32>} : memref<4096xf32, #tpu.memory_space<vmem>>, vector<16xf32>,
      tpu.vector_store %arg10[%swap3A_418], %gather3A_348 {strides = array<i32>} : memref<4096xf32, #tpu.memory_space<vmem>>, vector<16xf32>,
      %mul3A_420 = arith.constant 16 : i32
      %mul3A_421 = arith.muli %scan3A_182, %mul3A_420 : i32
      %add3A_422 = arith.constant 8 : i32
      %add3A_423 = arith.addi %mul3A_421, %add3A_422 : i32
      %mul3A_424 = arith.constant 16 : i32
      %mul3A_425 = arith.muli %add3A_423, %mul3A_424 : i32
      %swap3A_426 = arith.index_cast %mul3A_425 : i32 to index
      %swap3A_427 = tpu.vector_load %arg10[%swap3A_426] {strides = array<i32>} : memref<4096xf32, #tpu.memory_space<vmem>>, vector<16xf32>,
      tpu.vector_store %arg10[%swap3A_426], %gather3A_349 {strides = array<i32>} : memref<4096xf32, #tpu.memory_space<vmem>>, vector<16xf32>,
      %mul3A_428 = arith.constant 16 : i32
      %mul3A_429 = arith.muli %scan3A_182, %mul3A_428 : i32
      %add3A_430 = arith.constant 9 : i32
      %add3A_431 = arith.addi %mul3A_429, %add3A_430 : i32
      %mul3A_432 = arith.constant 16 : i32
      %mul3A_433 = arith.muli %add3A_431, %mul3A_432 : i32
      %swap3A_434 = arith.index_cast %mul3A_433 : i32 to index
      %swap3A_435 = tpu.vector_load %arg10[%swap3A_434] {strides = array<i32>} : memref<4096xf32, #tpu.memory_space<vmem>>, vector<16xf32>,
      tpu.vector_store %arg10[%swap3A_434], %gather3A_350 {strides = array<i32>} : memref<4096xf32, #tpu.memory_space<vmem>>, vector<16xf32>,
      %mul3A_436 = arith.constant 16 : i32
      %mul3A_437 = arith.muli %scan3A_182, %mul3A_436 : i32
      %add3A_438 = arith.constant 10 : i32
      %add3A_439 = arith.addi %mul3A_437, %add3A_438 : i32
      %mul3A_440 = arith.constant 16 : i32
      %mul3A_441 = arith.muli %add3A_439, %mul3A_440 : i32
      %swap3A_442 = arith.index_cast %mul3A_441 : i32 to index
      %swap3A_443 = tpu.vector_load %arg10[%swap3A_442] {strides = array<i32>} : memref<4096xf32, #tpu.memory_space<vmem>>, vector<16xf32>,
      tpu.vector_store %arg10[%swap3A_442], %gather3A_351 {strides = array<i32>} : memref<4096xf32, #tpu.memory_space<vmem>>, vector<16xf32>,
      %mul3A_444 = arith.constant 16 : i32
      %mul3A_445 = arith.muli %scan3A_182, %mul3A_444 : i32
      %add3A_446 = arith.constant 11 : i32
      %add3A_447 = arith.addi %mul3A_445, %add3A_446 : i32
      %mul3A_448 = arith.constant 16 : i32
      %mul3A_449 = arith.muli %add3A_447, %mul3A_448 : i32
      %swap3A_450 = arith.index_cast %mul3A_449 : i32 to index
      %swap3A_451 = tpu.vector_load %arg10[%swap3A_450] {strides = array<i32>} : memref<4096xf32, #tpu.memory_space<vmem>>, vector<16xf32>,
      tpu.vector_store %arg10[%swap3A_450], %gather3A_352 {strides = array<i32>} : memref<4096xf32, #tpu.memory_space<vmem>>, vector<16xf32>,
      %mul3A_452 = arith.constant 16 : i32
      %mul3A_453 = arith.muli %scan3A_182, %mul3A_452 : i32
      %add3A_454 = arith.constant 12 : i32
      %add3A_455 = arith.addi %mul3A_453, %add3A_454 : i32
      %mul3A_456 = arith.constant 16 : i32
      %mul3A_457 = arith.muli %add3A_455, %mul3A_456 : i32
      %swap3A_458 = arith.index_cast %mul3A_457 : i32 to index
      %swap3A_459 = tpu.vector_load %arg10[%swap3A_458] {strides = array<i32>} : memref<4096xf32, #tpu.memory_space<vmem>>, vector<16xf32>,
      tpu.vector_store %arg10[%swap3A_458], %gather3A_353 {strides = array<i32>} : memref<4096xf32, #tpu.memory_space<vmem>>, vector<16xf32>,
      %mul3A_460 = arith.constant 16 : i32
      %mul3A_461 = arith.muli %scan3A_182, %mul3A_460 : i32
      %add3A_462 = arith.constant 13 : i32
      %add3A_463 = arith.addi %mul3A_461, %add3A_462 : i32
      %mul3A_464 = arith.constant 16 : i32
      %mul3A_465 = arith.muli %add3A_463, %mul3A_464 : i32
      %swap3A_466 = arith.index_cast %mul3A_465 : i32 to index
      %swap3A_467 = tpu.vector_load %arg10[%swap3A_466] {strides = array<i32>} : memref<4096xf32, #tpu.memory_space<vmem>>, vector<16xf32>,
      tpu.vector_store %arg10[%swap3A_466], %gather3A_354 {strides = array<i32>} : memref<4096xf32, #tpu.memory_space<vmem>>, vector<16xf32>,
      %mul3A_468 = arith.constant 16 : i32
      %mul3A_469 = arith.muli %scan3A_182, %mul3A_468 : i32
      %add3A_470 = arith.constant 14 : i32
      %add3A_471 = arith.addi %mul3A_469, %add3A_470 : i32
      %mul3A_472 = arith.constant 16 : i32
      %mul3A_473 = arith.muli %add3A_471, %mul3A_472 : i32
      %swap3A_474 = arith.index_cast %mul3A_473 : i32 to index
      %swap3A_475 = tpu.vector_load %arg10[%swap3A_474] {strides = array<i32>} : memref<4096xf32, #tpu.memory_space<vmem>>, vector<16xf32>,
      tpu.vector_store %arg10[%swap3A_474], %gather3A_355 {strides = array<i32>} : memref<4096xf32, #tpu.memory_space<vmem>>, vector<16xf32>,
      %mul3A_476 = arith.constant 16 : i32
      %mul3A_477 = arith.muli %scan3A_182, %mul3A_476 : i32
      %add3A_478 = arith.constant 15 : i32
      %add3A_479 = arith.addi %mul3A_477, %add3A_478 : i32
      %mul3A_480 = arith.constant 16 : i32
      %mul3A_481 = arith.muli %add3A_479, %mul3A_480 : i32
      %swap3A_482 = arith.index_cast %mul3A_481 : i32 to index
      %swap3A_483 = tpu.vector_load %arg10[%swap3A_482] {strides = array<i32>} : memref<4096xf32, #tpu.memory_space<vmem>>, vector<16xf32>,
      tpu.vector_store %arg10[%swap3A_482], %gather3A_356 {strides = array<i32>} : memref<4096xf32, #tpu.memory_space<vmem>>, vector<16xf32>,
    }
    %scan3A_161 = arith.constant 16 : i32
    %add3A_162 = arith.constant 32 : i32
    %add3A_163 = arith.addi %add3A_162, %add3A : i32
    %dma_start3A_164 = arith.constant 12288 : i32
    %dma_start3A_165 = tpu.memref_slice %arg6[%add3A_163, %dma_start3A_164] : memref<64x16384xf32, #tpu.memory_space<hbm>> -> memref<1x4096xf32, #tpu.memory_space<hbm>>
    %dma_start3A_166 = tpu.memref_squeeze %dma_start3A_165 : memref<1x4096xf32, #tpu.memory_space<hbm>> -> memref<4096xf32, #tpu.memory_space<hbm>>
    %dma_start3A_167 = arith.constant 12288 : i32
    %dma_start3A_168 = tpu.memref_slice %arg6[%add3A_163, %dma_start3A_167] : memref<64x16384xf32, #tpu.memory_space<hbm>> -> memref<1x4096xf32, #tpu.memory_space<hbm>>
    %dma_start3A_169 = tpu.memref_squeeze %dma_start3A_168 : memref<1x4096xf32, #tpu.memory_space<hbm>> -> memref<4096xf32, #tpu.memory_space<hbm>>
    tpu.enqueue_dma source(%arg10 : memref<4096xf32, #tpu.memory_space<vmem>>) target(%dma_start3A_169 : memref<4096xf32, #tpu.memory_space<hbm>>) target_semaphore(%arg13 : memref<!tpu.dma_semaphore, #tpu.memory_space<semaphore_mem>>)
    %dma_wait3A_170 = arith.constant 8192 : i32
    %dma_wait3A_171 = tpu.memref_slice %arg6[%add3A_143, %dma_wait3A_170] : memref<64x16384xf32, #tpu.memory_space<hbm>> -> memref<1x4096xf32, #tpu.memory_space<hbm>>
    %dma_wait3A_172 = tpu.memref_squeeze %dma_wait3A_171 : memref<1x4096xf32, #tpu.memory_space<hbm>> -> memref<4096xf32, #tpu.memory_space<hbm>>
    %dma_wait3A_173 = arith.constant 8192 : i32
    %dma_wait3A_174 = tpu.memref_slice %arg6[%add3A_143, %dma_wait3A_173] : memref<64x16384xf32, #tpu.memory_space<hbm>> -> memref<1x4096xf32, #tpu.memory_space<hbm>>
    %dma_wait3A_175 = tpu.memref_squeeze %dma_wait3A_174 : memref<1x4096xf32, #tpu.memory_space<hbm>> -> memref<4096xf32, #tpu.memory_space<hbm>>
    tpu.wait_dma2 semaphore(%arg12 : memref<!tpu.dma_semaphore, #tpu.memory_space<semaphore_mem>>) src(%arg9 : memref<4096xf32, #tpu.memory_space<vmem>>) dst(%dma_wait3A_175 : memref<4096xf32, #tpu.memory_space<hbm>>)
    %dma_wait3A_176 = arith.constant 12288 : i32
    %dma_wait3A_177 = tpu.memref_slice %arg6[%add3A_163, %dma_wait3A_176] : memref<64x16384xf32, #tpu.memory_space<hbm>> -> memref<1x4096xf32, #tpu.memory_space<hbm>>
    %dma_wait3A_178 = tpu.memref_squeeze %dma_wait3A_177 : memref<1x4096xf32, #tpu.memory_space<hbm>> -> memref<4096xf32, #tpu.memory_space<hbm>>
    %dma_wait3A_179 = arith.constant 12288 : i32
    %dma_wait3A_180 = tpu.memref_slice %arg6[%add3A_163, %dma_wait3A_179] : memref<64x16384xf32, #tpu.memory_space<hbm>> -> memref<1x4096xf32, #tpu.memory_space<hbm>>
    %dma_wait3A_181 = tpu.memref_squeeze %dma_wait3A_180 : memref<1x4096xf32, #tpu.memory_space<hbm>> -> memref<4096xf32, #tpu.memory_space<hbm>>
    tpu.wait_dma2 semaphore(%arg13 : memref<!tpu.dma_semaphore, #tpu.memory_space<semaphore_mem>>) src(%arg10 : memref<4096xf32, #tpu.memory_space<vmem>>) dst(%dma_wait3A_181 : memref<4096xf32, #tpu.memory_space<hbm>>)
    return
  }
}

module attributes {stable_mosaic.version = 14 : i64} {
  func.func @_fm_body(%arg0: i32, %arg1: memref<64x8192xf32, #tpu.memory_space<vmem>>, %arg2: memref<8192xf32, #tpu.memory_space<vmem>>, %arg3: memref<64x10xf32, #tpu.memory_space<vmem>>, %arg4: memref<8192xf32, #tpu.memory_space<vmem>>, %arg5: memref<8192xf32, #tpu.memory_space<vmem>>, %arg6: memref<1x1xf32, #tpu.memory_space<smem>>) attributes {dimension_semantics = [#tpu.dimension_semantics<arbitrary>], iteration_bounds = array<i64: 2>, scalar_prefetch = 0 : i64, scratch_operands = 0 : i64, tpu.core_type = #tpu.core_type<tc>, window_params = [{transform_indices = @transform_0, window_bounds = array<i64: 64, 8192>}, {transform_indices = @transform_1, window_bounds = array<i64: 8192>}, {pipeline_mode = #tpu.pipeline_mode<synchronous>, transform_indices = @transform_2, window_bounds = array<i64: 64, 10>}, {transform_indices = @transform_3, window_bounds = array<i64: 8192>}, {transform_indices = @transform_4, window_bounds = array<i64: 8192>}, {transform_indices = @transform_5, window_bounds = array<i64: 1, 1>}]} {
    %get3A = arith.constant 0 : index
    %get3A_0 = arith.constant 0 : index
    %get3A_1 = vector.load %arg1[%get3A, %get3A_0] : memref<64x8192xf32, #tpu.memory_space<vmem>>, vector<64x8192xf32>
    %get3A_2 = arith.constant 0 : index
    %get3A_3 = arith.constant 0 : index
    %get3A_4 = vector.load %arg3[%get3A_2, %get3A_3] : memref<64x10xf32, #tpu.memory_space<vmem>>, vector<64x10xf32>
    %dot_general3A = arith.constant dense<0.000000e+00> : vector<10x8192xf32>
    %dot_general3A_5 = tpu.matmul %get3A_4, %get3A_1, %dot_general3A {dimension_numbers = #tpu.dot_dimension_numbers<[0], [0], [1], [1], [0, 1, 1, 1], [], []>, transpose_lhs_hint = false} : vector<64x10xf32>, vector<64x8192xf32>, vector<10x8192xf32> -> vector<10x8192xf32>
    %mul3A = arith.mulf %dot_general3A_5, %dot_general3A_5 : vector<10x8192xf32>
    %reduce_sum3A = arith.constant dense<0.000000e+00> : vector<8192xf32>
    %reduce_sum3A_6 = vector.multi_reduction <add>, %mul3A, %reduce_sum3A [0] : vector<10x8192xf32> to vector<8192xf32>
    %mul3A_7 = arith.mulf %get3A_4, %get3A_4 : vector<64x10xf32>
    %reduce_sum3A_8 = arith.constant dense<0.000000e+00> : vector<64xf32>
    %reduce_sum3A_9 = vector.multi_reduction <add>, %mul3A_7, %reduce_sum3A_8 [1] : vector<64x10xf32> to vector<64xf32>
    %mul3A_10 = arith.mulf %get3A_1, %get3A_1 : vector<64x8192xf32>
    %broadcast_in_dim3A = vector.shape_cast %reduce_sum3A_9 : vector<64xf32> to vector<64x1xf32>
    %mul3A_11 = vector.broadcast %broadcast_in_dim3A : vector<64x1xf32> to vector<64x8192xf32>
    %mul3A_12 = arith.mulf %mul3A_10, %mul3A_11 : vector<64x8192xf32>
    %reduce_sum3A_13 = arith.constant dense<0.000000e+00> : vector<8192xf32>
    %reduce_sum3A_14 = vector.multi_reduction <add>, %mul3A_12, %reduce_sum3A_13 [0] : vector<64x8192xf32> to vector<8192xf32>
    %sub3A = arith.subf %reduce_sum3A_6, %reduce_sum3A_14 : vector<8192xf32>
    %mul3A_15 = arith.constant 5.000000e-01 : f32
    %mul3A_16 = vector.broadcast %mul3A_15 : f32 to vector<8192xf32>
    %mul3A_17 = arith.mulf %mul3A_16, %sub3A : vector<8192xf32>
    %get3A_18 = arith.constant 0 : index
    %get3A_19 = vector.load %arg2[%get3A_18] : memref<8192xf32, #tpu.memory_space<vmem>>, vector<8192xf32>
    %sub3A_20 = arith.subf %mul3A_17, %get3A_19 : vector<8192xf32>
    %square3A = arith.mulf %sub3A_20, %sub3A_20 : vector<8192xf32>
    %swap3A = arith.constant 0 : index
    %swap3A_21 = vector.load %arg4[%swap3A] : memref<8192xf32, #tpu.memory_space<vmem>>, vector<8192xf32>
    tpu.vector_store %arg4[%swap3A], %mul3A_17 {strides = array<i32>} : memref<8192xf32, #tpu.memory_space<vmem>>, vector<8192xf32>,
    %swap3A_22 = arith.constant 0 : index
    %swap3A_23 = vector.load %arg5[%swap3A_22] : memref<8192xf32, #tpu.memory_space<vmem>>, vector<8192xf32>
    tpu.vector_store %arg5[%swap3A_22], %square3A {strides = array<i32>} : memref<8192xf32, #tpu.memory_space<vmem>>, vector<8192xf32>,
    %eq3A = arith.constant 0 : i32
    %eq3A_24 = arith.cmpi eq, %arg0, %eq3A : i32
    %convert_element_type3A = arith.extui %eq3A_24 : i1 to i32
    %cond3A = arith.constant 0 : i32
    %cond3A_25 = arith.cmpi ne, %convert_element_type3A, %cond3A : i32
    scf.if %cond3A_25 {
      %swap3A_39 = arith.constant 0.000000e+00 : f32
      %swap3A_40 = arith.constant 0 : index
      %swap3A_41 = arith.constant 0 : index
      %swap3A_42 = memref.load %arg6[%swap3A_40, %swap3A_41] : memref<1x1xf32, #tpu.memory_space<smem>>
      memref.store %swap3A_39, %arg6[%swap3A_40, %swap3A_41] : memref<1x1xf32, #tpu.memory_space<smem>>
    } else {
    }
    %get3A_26 = arith.constant 0 : index
    %get3A_27 = arith.constant 0 : index
    %get3A_28 = memref.load %arg6[%get3A_26, %get3A_27] : memref<1x1xf32, #tpu.memory_space<smem>>
    %reduce_sum3A_29 = vector.shape_cast %square3A : vector<8192xf32> to vector<1x8192xf32>
    %reduce_sum3A_30 = arith.constant dense<0.000000e+00> : vector<1xf32>
    %reduce_sum3A_31 = vector.multi_reduction <add>, %reduce_sum3A_29, %reduce_sum3A_30 [1] : vector<1x8192xf32> to vector<1xf32>
    %reduce_sum3A_32 = vector.shape_cast %reduce_sum3A_31 : vector<1xf32> to vector<1x1xf32>
    %reduce_sum3A_33 = vector.extract %reduce_sum3A_32[0, 0] : f32 from vector<1x1xf32>
    %mul3A_34 = arith.constant 6.10351563E-5 : f32
    %mul3A_35 = arith.mulf %reduce_sum3A_33, %mul3A_34 : f32
    %add3A = arith.addf %get3A_28, %mul3A_35 : f32
    %swap3A_36 = arith.constant 0 : index
    %swap3A_37 = arith.constant 0 : index
    %swap3A_38 = memref.load %arg6[%swap3A_36, %swap3A_37] : memref<1x1xf32, #tpu.memory_space<smem>>
    memref.store %add3A, %arg6[%swap3A_36, %swap3A_37] : memref<1x1xf32, #tpu.memory_space<smem>>
    return
  }
  func.func @transform_0(%arg0: i32) -> (i32, i32) {
    %c0_i32 = arith.constant 0 : i32
    %c0_i32_0 = arith.constant 0 : i32
    return %c0_i32, %arg0 : i32, i32
  }
  func.func @transform_1(%arg0: i32) -> i32 {
    %c0_i32 = arith.constant 0 : i32
    return %arg0 : i32
  }
  func.func @transform_2(%arg0: i32) -> (i32, i32) {
    %c0_i32 = arith.constant 0 : i32
    %c0_i32_0 = arith.constant 0 : i32
    %c0_i32_1 = arith.constant 0 : i32
    return %c0_i32, %c0_i32_0 : i32, i32
  }
  func.func @transform_3(%arg0: i32) -> i32 {
    %c0_i32 = arith.constant 0 : i32
    return %arg0 : i32
  }
  func.func @transform_4(%arg0: i32) -> i32 {
    %c0_i32 = arith.constant 0 : i32
    return %arg0 : i32
  }
  func.func @transform_5(%arg0: i32) -> (i32, i32) {
    %c0_i32 = arith.constant 0 : i32
    %c0_i32_0 = arith.constant 0 : i32
    %c0_i32_1 = arith.constant 0 : i32
    return %c0_i32, %c0_i32_0 : i32, i32
  }
}

</mosaic_0001>

<sc_bundles>
// kernel: kernel.4.cloned.1.call-start
scs
__scs_entry_jumppad:
0x0: {  	(pc) =	sbr.rel $0x88, $3  }
0x1: {  	(tag) =	ssettag $0x0;
	lr =	simm.s32 $0x1  }
0x2: {  	[smem:$0x3F9B] =	sst lr;
	_ =	strace $0xD0000000  }
0x3: {  	_ = 	snop  }
0x4: {  	_ = 	snop  }
0x5: {  	_ = 	snop  }
0x6: {  	_ = 	snop  }
0x7: {  	_ = 	snop  }
__scs_overlays_trampoline_lowered:
0x8: {  	[smem:$0x3FAA] =	sst s0  }
0x9: {  	[smem:$0x3FAB] =	sst s1  }
0xa: {  	[smem:$0x3FAC] =	sst s2  }
0xb: {  	[smem:$0x3FAD] =	sst s3  }
0xc: {  	[smem:$0x3FAE] =	sst s4  }
0xd: {  	[smem:$0x3FAF] =	sst s5  }
0xe: {  	[smem:$0x3FB0] =	sst s6  }
0xf: {  	[smem:$0x3FB1] =	sst s7  }
0x10: {  	[smem:$0x3FB2] =	sst s8  }
0x11: {  	[smem:$0x3FB3] =	sst s9;
	s0 =	simm.s32 @!p0 $0x0  }
0x12: {  	s1 =	sld [smem:$0x3F99];
	s0 =	simm.s32 @p0 $0x1  }
0x13: {  	[smem:$0x3FB4] =	sst s0;
	s0 =	simm.s32 @!p1 $0x0  }
0x14: {  	s2 =	sld [smem:$0x3F98];
	s0 =	simm.s32 @p1 $0x1  }
0x15: {  	[smem:$0x3FB5] =	sst s0;
	s0 =	simm.s32 @!p2 $0x0  }
0x16: {  	s3 =	sld [smem:$0x3FDB];
	s0 =	simm.s32 @p2 $0x1  }
0x17: {  	s4 =	simm.s32 $0x1BF5;
	[smem:$0x3FB7] =	sst s0  }
0x18: {  	s0 =	sld [smem:$0x3F9A];
	_ =	swait.ge [sflag:s4], $0x0  }
0x19: {  	s7 =	sld [smem:$0x3F9B]  }
0x1a: {  	s8 =	sadd.s32 $0xFFFFE003, lr  }
0x1b: {  	s9 =	sadd.s32 $0xFFFFFEF7, lr;
	s5 =	simm.s32 $0xFFFFFFFF;
	p2 =	slt.u32 s8, $0xFFFFF086  }
0x1c: {  	p1 =	slt.u32 s9, $0xF7A;
	s5 =	simm.s32 @!p2 $0x0  }
0x1d: {  	s5 =	simm.s32 @p1 $0x1;
	p0 =	seq.s32 s7, s2  }
0x1e: {  	s7 =	smul.u32 @!p0 $0xF7A, s2;
	p2 =	seq.s32 @!p0 s5, $0x0  }
0x1f: {  	s9 =	smul.u32 $0xF7A, s1;
	s8 =	simm.s32 @!p0 $0x1BF5;
	p2 =	por !p2, p0  }
0x20: {  	[sflag:s8] =	ssyncset.s32 @!p0 $0xFFFFF086;
	s6 =	sadd.s32 @!p0 s3, s7;
	s7 =	simm.s32 @!p0 $0x108  }
0x21: {  	s3 =	sadd.s32 s3, s9;
	s6 =	sadd.s32 @!p0 $0x88, s6;
	s7 =	simm.s32 @p2 $0x1082  }
0x22: {  	[simem:s7], [sflag:s8] =	dma.local @!p0 [hbm:s6], $0xF7A  }
0x23: {  	s9 =	sor.u32 $0xD0000000, s2;
	s6 =	simm.s32 $0x108;
	_ =	swait.ge @!p0 [sflag:s8], $0x0  }
0x24: {  	s3 =	sadd.s32 $0x88, s3;
	s6 =	simm.s32 @!p1 $0x1082;
	[sflag:s4] =	ssyncset.s32 $0xFFFFF086  }
0x25: {  	[simem:s6], [sflag:s4] =	dma.local [hbm:s3], $0xF7A  }
0x26: {  	[smem:$0x3F9B] =	sst s1;
	(tag) =	ssettag s2;
	_ =	strace s9  }
0x27: {  	s1 =	sld [smem:$0x3FAB]  }
0x28: {  	s2 =	sld [smem:$0x3FAC]  }
0x29: {  	s4 =	sld [smem:$0x3FAE]  }
0x2a: {  	p0 =	seq.s32 s5, $0x0;
	s5 =	sld [smem:$0x3FAF]  }
0x2b: {  	s6 =	sld [smem:$0x3FB0]  }
0x2c: {  	s7 =	sld [smem:$0x3FB1]  }
0x2d: {  	s3 =	simm.s32 $0x108;
	s8 =	sld [smem:$0x3FB2]  }
0x2e: {  	s3 =	simm.s32 @!p0 $0x1082;
	s9 =	sld [smem:$0x3FB3]  }
0x2f: {  	lr =	sadd.s32 s0, s3;
	s0 =	sld [smem:$0x3FAA]  }
0x30: {  	s3 =	sld [smem:$0x3FAD]  }
0x31: {  	[smem:$0x3FB6] =	sst s10  }
0x32: {  	s10 =	sld [smem:$0x3FB4];
	_ =	sdelay $0x3  }
0x33: {  	p0 =	seq.s32 s10, $0x1;
	s10 =	sld [smem:$0x3FB6];
	_ =	sdelay $0x3  }
0x34: {  	[smem:$0x3FB6] =	sst s10  }
0x35: {  	s10 =	sld [smem:$0x3FB5];
	_ =	sdelay $0x3  }
0x36: {  	p1 =	seq.s32 s10, $0x1;
	s10 =	sld [smem:$0x3FB6];
	_ =	sdelay $0x3  }
0x37: {  	[smem:$0x3FB6] =	sst s10  }
0x38: {  	s10 =	sld [smem:$0x3FB7]  }
0x39: {  	_ = 	snop;
	(pc) =	sbr.ind lr, $3  }
0x3a: {  	_ = 	snop  }
0x3b: {  	_ = 	snop  }
0x3c: {  	p2 =	seq.s32 s10, $0x1;
	s10 =	sld [smem:$0x3FB6]  }
0x3d: {  	_ =	shalt  }
0x3e: {  	_ =	shalt  }
0x3f: {  	_ =	shalt  }
0x40: {  	_ =	shalt  }
0x41: {  	_ =	shalt  }
0x42: {  	_ =	shalt  }
0x43: {  	_ =	shalt  }
0x44: {  	_ =	shalt  }
0x45: {  	_ =	shalt  }
0x46: {  	_ =	shalt  }
0x47: {  	_ =	shalt  }
0x48: {  	_ =	shalt  }
0x49: {  	_ =	shalt  }
0x4a: {  	_ =	shalt  }
0x4b: {  	_ =	shalt  }
0x4c: {  	_ =	shalt  }
0x4d: {  	_ =	shalt  }
0x4e: {  	_ =	shalt  }
0x4f: {  	_ =	shalt  }
0x50: {  	_ =	shalt  }
0x51: {  	_ =	shalt  }
0x52: {  	_ =	shalt  }
0x53: {  	_ =	shalt  }
0x54: {  	_ =	shalt  }
0x55: {  	_ =	shalt  }
0x56: {  	_ =	shalt  }
0x57: {  	_ =	shalt  }
0x58: {  	_ =	shalt  }
0x59: {  	_ =	shalt  }
0x5a: {  	_ =	shalt  }
0x5b: {  	_ =	shalt  }
0x5c: {  	_ =	shalt  }
0x5d: {  	_ =	shalt  }
0x5e: {  	_ =	shalt  }
0x5f: {  	_ =	shalt  }
0x60: {  	_ =	shalt  }
0x61: {  	_ =	shalt  }
0x62: {  	_ =	shalt  }
0x63: {  	_ =	shalt  }
0x64: {  	_ =	shalt  }
0x65: {  	_ =	shalt  }
0x66: {  	_ =	shalt  }
0x67: {  	_ =	shalt  }
0x68: {  	_ =	shalt  }
0x69: {  	_ =	shalt  }
0x6a: {  	_ =	shalt  }
0x6b: {  	_ =	shalt  }
0x6c: {  	_ =	shalt  }
0x6d: {  	_ =	shalt  }
0x6e: {  	_ =	shalt  }
0x6f: {  	_ =	shalt  }
0x70: {  	_ =	shalt  }
0x71: {  	_ =	shalt  }
0x72: {  	_ =	shalt  }
0x73: {  	_ =	shalt  }
0x74: {  	_ =	shalt  }
0x75: {  	_ =	shalt  }
0x76: {  	_ =	shalt  }
0x77: {  	_ =	shalt  }
0x78: {  	_ =	shalt  }
0x79: {  	_ =	shalt  }
0x7a: {  	_ =	shalt  }
0x7b: {  	_ =	shalt  }
0x7c: {  	_ =	shalt  }
0x7d: {  	_ =	shalt  }
0x7e: {  	_ =	shalt  }
0x7f: {  	_ =	shalt  }
0x80: {  	_ =	shalt  }
0x81: {  	_ =	shalt  }
0x82: {  	_ =	shalt  }
0x83: {  	_ =	shalt  }
0x84: {  	_ =	shalt  }
0x85: {  	_ =	shalt  }
0x86: {  	_ =	shalt  }
0x87: {  	_ =	shalt  }
.Lfunc_end0:
.L_simem_size_0:
called_computation_lowered:
.L_overlay_start_0:
0x88: {  	s2 =	sld [smem:$0x3FD9]  }
0x89: {  	s3 =	sld [smem:$0x3FFE];
	_ =	sdelay $0x1  }
0x8a: {  	s1 =	srdreg.scid  }
0x8b: {  	s0 =	sand.u32 $0x1, s1  }
0x8c: {  	s17 =	sshll.u32 s0, $0xA;
	s2 =	sadd.s32 s3, s2  }
0x8d: {  	s2 =	sadd.s32 s2, s17  }
0x8e: {  	[smem:$0x3FC2] =	sst s2  }
0x8f: {  	_ = 	snop  }
0x90: {  	s2 =	sld [smem:$0x3FC9]  }
0x91: {  	s18 =	sld [smem:$0x3FC8]  }
0x92: {  	s4 =	sld [smem:$0x3FC6]  }
0x93: {  	s5 =	sld [smem:$0x3FC5];
	(tm) =	ssettm $0x1  }
0x94: {  	s6 =	sld [smem:$0x3FFB];
	_ =	sdelay $0x3  }
0x95: {  	_ =	strace s6  }
0x96: {  	s6 =	sld [smem:$0x3FFC];
	_ =	sdelay $0x3  }
0x97: {  	_ =	strace s6  }
0x98: {  	s6 =	sld [smem:$0x3FFD];
	_ =	sdelay $0x3  }
0x99: {  	_ =	strace s6  }
0x9a: {  	_ =	strace $0x8FFFFFFF  }
0x9b: {  	s19 =	sld [smem:$0x3FDB];
	_ =	sdelay $0x1  }
0x9c: {  	s7 =	simm.s32 $_scs_section_size  }
0x9d: {  	s8 =	simm.s32 $_size__tile_overlayer_lowered;
	s9 =	simm.s32 $_tile_overlayer_lowered  }
0x9e: {  	s22 =	simm.s32 $0x1BFF;
	s21 =	sshll.u32 s9, $0x1;
	s6 =	sadd.s32 s7, s19  }
0x9f: {  	s10 =	simm.s32 $0x0;
	s20 =	sshll.u32 s8, $0x1;
	s8 =	sadd.s32 s21, s6  }
0xa0: {  	[timem:s10], [sflag:s22] =	dma.local [hbm:s8], s20  }
0xa1: {  	_ =	swait.ge [sflag:s22], s20  }
0xa2: {  	s7 =	ssub.s32 $0x0, s20;
	[sflag:s22] =	ssyncset.done $0x0  }
0xa3: {  	[sflag:s22] =	ssyncadd.s32 s7;
	_ =	sdelay $0x1  }
0xa4: {  	s23 =	simm.s32 $0x1B8B  }
0xa5: {  	_ =	swait.ge [sflag:s23], $0x1  }
0xa6: {  	[sflag:s23] =	ssyncset.done $0x0  }
0xa7: {  	s25 =	simm.s32 $0x1B8E;
	s24 =	sld [smem:$0x3FFE];
	[sflag:s23] =	ssyncadd.s32 $0xFFFFFFFF  }
0xa8: {  	s26 =	simm.s32 $execute0_lowered;
	[smem:$0x3FD2] =	sst s25  }
0xa9: {  	s8 =	sshll.u32 s26, $0x1;
	_ =	strace $0x80000046;
	[dreg:$0x1] =	wrdreg $0xFFFFFFFF  }
0xaa: {  	s28 =	simm.s32 $_size_execute0_lowered;
	s6 =	sadd.s32 s6, s8;
	[dreg:$0x0] =	wrdreg $0x0  }
0xab: {  	s8 =	sshll.u32 s28, $0x1;
	[dreg:$0x2] =	wrdreg s6  }
0xac: {  	[dreg:$0x3] =	wrdreg s8  }
0xad: {  	[dreg:$0x4] =	wrdreg $0xC0  }
0xae: {  	_ =	task [dreg:s10], $0x5FFFF  }
0xaf: {  	[dreg:$0x1] =	wrdreg $0xFFFFFFFF  }
0xb0: {  	[dreg:$0x0] =	wrdreg $0x60  }
0xb1: {  	[dreg:$0x2] =	wrdreg s4  }
0xb2: {  	[dreg:$0x3] =	wrdreg s5  }
0xb3: {  	[dreg:$0x4] =	wrdreg s2  }
0xb4: {  	[dreg:$0x5] =	wrdreg s18  }
0xb5: {  	[dreg:$0x6] =	wrdreg s24  }
0xb6: {  	[dreg:$0x7] =	wrdreg $0x9  }
0xb7: {  	_ =	task.clear_ibuf [dreg:s10], $0x8FFFF;
	_ =	strace $0x90000046  }
0xb8: {  	s29 =	simm.s32 $0x9;
	_ =	strace $0x80000048  }
0xb9: {  	_ =	swait.ge [sflag:s29], $0x1  }
0xba: {  	[sflag:s29] =	ssyncadd.s32 $0xFFFFFFFF  }
0xbb: {  	_ =	strace $0x90000048  }
0xbc: {  	_ =	sfence  }
0xbd: {  	s30 =	sld [smem:$0x0];
	_ =	sdelay $0x2  }
0xbe: {  	s31 =	sshll.u32 s1, $0xD;
	s1 =	sshrl.u32 s1, $0x2  }
0xbf: {  	s3 =	sand.u32 $0x4000, s31;
	s1 =	sadd.s32 s1, s30  }
0xc0: {  	s0 =	sor.u32 s3, s0;
	s1 =	sshll.u32 s1, $0x11  }
0xc1: {  	s0 =	sor.u32 s1, s0  }
0xc2: {  	s0 =	sadd.s32 $0x8F2B, s0  }
0xc3: {  	[sflag:s0] =	ssyncadd.remote.s32 $0x1  }
0xc4: {  	_ =	sfence.sel $0xFFFF  }
0xc5: {  	[dreg:$0x0] =	wrdreg $0xFFFFFFFF;
	(pc) =	sbr.abs _section_cstart, $3  }
0xc6: {  	[dreg:$0x1] =	wrdreg $0xFFFFFFFF  }
0xc7: {  	_ =	task.clear_ibuf [dreg:s10], $0x2FFFF;
	_ =	strace $0x9FFFFFFF  }
0xc8: {  	(tm) =	ssettm $0x7FFFFFFF  }
0xc9: {  	_ =	shalt  }
tec
execute0_lowered:
.L_overlay_start_1:
0x0: {  	(tag) =	ssettag $0x1  }
0x1: {  	s5 =	rddreg [dreg:$0x0]  }
0x2: {  	s10 =	rddreg [dreg:$0x1]  }
0x3: {  	s1 =	rddreg [dreg:$0x2]  }
0x4: {  	s2 =	rddreg [dreg:$0x3]  }
0x5: {  	s4 =	rddreg [dreg:$0x4]  }
0x6: {  	s0 =	rddreg [dreg:$0x5];
	s3 =	simm.s32 $0x0  }
0x7: {  	s6 =	srdreg.scid;
	s17 =	simm.s32 $0x400;
	s18 =	simm.s32 $0x18700  }
0x8: {  	s19 =	simm.s32 $0x2;
	s20 =	simm.s32 $0x1;
	s21 =	simm.s32 $0x1C700  }
0x9: {  	s22 =	simm.s32 $0x1D700;
	s23 =	simm.s32 $0x3;
	s24 =	simm.s32 $0x0  }
0xa: {  	[smem:$0x7FF] =	sst s3;
	s14 =	sadd.s32 $0xC00, s4;
	s6 =	sand.u32 $0x1, s6  }
0xb: {  	s4 =	stileid.u32;
	_ =	strace $0x80000047;
	s7 =	ssub.s32 $0x2, s6  }
0xc: {  	s8 =	sshrl.u32 s4, $0x2;
	s9 =	sshll.u32 s4, $0x8;
	s6 =	sshll.u32 s6, $0x7  }
0xd: {  	s28 =	sshll.u32 s4, $0xF;
	s9 =	sand.u32 $0x300, s9;
	s11 =	smul.u32 $0xC3800, s8  }
0xe: {  	s12 =	sshrl.u32 s7, $0x1;
	s25 =	sshll.u32 s8, $0x11;
	s13 =	sor.u32 s6, s9  }
0xf: {  	s29 =	sand.u32 $0x60000, s28;
	s15 =	ssub.s32 s7, s12;
	s26 =	sor.u32 s11, s13  }
0x10: {  	s6 =	sor.u32 s25, s13;
	s16 =	sor.u32 s29, s13;
	s12 =	sor.u32 s28, s13  }
0x11: {  	s15 =	smax.u32 s15, $0x1;
	s11 =	sshrl.u32 s26, $0x3;
	s6 =	sshrl.u32 s6, $0x3  }
0x12: {  	s16 =	sshrl.u32 s16, $0x3;
	s31 =	sshrl.u32 s12, $0x3;
	s5 =	sadd.s32 s5, s11  }
0x13: {  	s6 =	sadd.s32 s14, s6;
	s10 =	sadd.s32 s10, s11;
	s30 =	sadd.s32 s16, s14  }
0x14: {  	s16 =	sor.u32 $0x13000, s31;
	s7 =	sadd.s32 $0x1000, s6;
	s8 =	sadd.s32 $0x2000, s6  }
0x15: {  	s9 =	sadd.s32 $0x3000, s6;
	s11 =	sadd.s32 $0x10000, s30;
	s12 =	sadd.s32 $0x11000, s30  }
0x16: {  	s13 =	sadd.s32 $0x12000, s30;
	s14 =	sadd.s32 s14, s16;
	s16 =	simm.s32 $0x80  }
.LBB2_1:
0x17: {  	[tilespmem:s3], [sflag:$0x1] =	stream.strided.gather [hbm4b:s5+s16], $0x18700, s17, s16, $0x38;
	[tilespmem:$0x1E700] =	vst v63  }
0x18: {  	_ = 	snop  }
0x19: {  	[tilespmem:s18], [sflag:$0x2] =	stream.linear.gather [hbm4b:s1+s3], $0x4000, $0x38;
	[tilespmem:$0x1E700] =	vst v63  }
0x1a: {  	_ =	swait.ge [sflag:s19], $0x4000  }
0x1b: {  	[sflag:s19] =	ssyncset.done $0x0  }
0x1c: {  	[sflag:s19] =	ssyncadd.s32 $0xFFFFC000  }
0x1d: {  	_ =	swait.ge [sflag:s20], $0x18700  }
0x1e: {  	[sflag:s20] =	ssyncset.done $0x0  }
0x1f: {  	s25 =	simm.s32 $0x0;
	[sflag:s20] =	ssyncadd.s32 $0xFFFE7900  }
0x20: {  	v14 =	vld [tilespmem:s25+$0x18700]  }
0x21: {  	v0 =	vld [tilespmem:s25+$0x18710]  }
0x22: {  	v1 =	vld [tilespmem:s25+$0x18720]  }
0x23: {  	v2 =	vld [tilespmem:s25+$0x18730]  }
0x24: {  	v3 =	vld [tilespmem:s25+$0x18740]  }
0x25: {  	v4 =	vld [tilespmem:s25+$0x18750]  }
0x26: {  	v5 =	vld [tilespmem:s25+$0x18760]  }
0x27: {  	v7 =	vld [tilespmem:s25+$0x18770]  }
0x28: {  	v9 =	vld [tilespmem:s25+$0x18780]  }
0x29: {  	v6 =	vld [tilespmem:s25+$0x18790]  }
0x2a: {  	v8 =	vld [tilespmem:s25+$0x187A0]  }
0x2b: {  	v10 =	vld [tilespmem:s25+$0x187B0]  }
0x2c: {  	v11 =	vld [tilespmem:s25+$0x187C0]  }
0x2d: {  	v12 =	vld [tilespmem:s25+$0x187D0]  }
0x2e: {  	v13 =	vld [tilespmem:s25+$0x187E0]  }
0x2f: {  	v15 =	vld [tilespmem:s25+$0x187F0]  }
0x30: {  	s26 =	simm.s32 $0x400;
	v14 =	vld.idx.msk [tilespmem:v14+s3+$0x0], $0xffff  }
.LBB2_2:
0x31: {  	p0 =	sne.s32 s26, $0x3C00;
	v16 =	vld.idx.msk [tilespmem:v0+s3+$0x0], $0xffff  }
0x32: {  	v17 =	vld.idx.msk [tilespmem:v1+s3+$0x0], $0xffff  }
0x33: {  	v18 =	vld.idx.msk [tilespmem:v2+s3+$0x0], $0xffff  }
0x34: {  	v19 =	vld.idx.msk [tilespmem:v3+s3+$0x0], $0xffff  }
0x35: {  	v20 =	vld.idx.msk [tilespmem:v4+s3+$0x0], $0xffff  }
0x36: {  	v21 =	vld.idx.msk [tilespmem:v5+s3+$0x0], $0xffff  }
0x37: {  	v22 =	vld.idx.msk [tilespmem:v7+s3+$0x0], $0xffff  }
0x38: {  	v23 =	vld.idx.msk [tilespmem:v9+s3+$0x0], $0xffff  }
0x39: {  	v0 =	vld.idx.msk [tilespmem:v15+s3+$0x0], $0xffff  }
0x3a: {  	v15 =	vld.idx.msk [tilespmem:v6+s3+$0x0], $0xffff  }
0x3b: {  	v24 =	vld.idx.msk [tilespmem:v8+s3+$0x0], $0xffff  }
0x3c: {  	v25 =	vld.idx.msk [tilespmem:v10+s3+$0x0], $0xffff  }
0x3d: {  	v26 =	vld.idx.msk [tilespmem:v11+s3+$0x0], $0xffff  }
0x3e: {  	v27 =	vld.idx.msk [tilespmem:v12+s3+$0x0], $0xffff  }
0x3f: {  	s28 =	sshra.s32 s26, $0x2;
	v28 =	vld.idx.msk [tilespmem:v13+s3+$0x0], $0xffff;
	[tilespmem:s25+$0x1C7F0] =	vst v0  }
0x40: {  	v29 =	vld [tilespmem:s28+$0x18700];
	[tilespmem:s25+$0x1C700] =	vst v14  }
0x41: {  	v0 =	vld [tilespmem:s28+$0x18710];
	[tilespmem:s25+$0x1C710] =	vst v16  }
0x42: {  	v1 =	vld [tilespmem:s28+$0x18720];
	[tilespmem:s25+$0x1C720] =	vst v17  }
0x43: {  	v2 =	vld [tilespmem:s28+$0x18730];
	[tilespmem:s25+$0x1C730] =	vst v18  }
0x44: {  	v3 =	vld [tilespmem:s28+$0x18740];
	[tilespmem:s25+$0x1C740] =	vst v19  }
0x45: {  	v4 =	vld [tilespmem:s28+$0x18750];
	[tilespmem:s25+$0x1C750] =	vst v20  }
0x46: {  	v5 =	vld [tilespmem:s28+$0x18760];
	[tilespmem:s25+$0x1C760] =	vst v21  }
0x47: {  	v7 =	vld [tilespmem:s28+$0x18770];
	[tilespmem:s25+$0x1C770] =	vst v22  }
0x48: {  	v9 =	vld [tilespmem:s28+$0x18780];
	[tilespmem:s25+$0x1C780] =	vst v23  }
0x49: {  	v6 =	vld [tilespmem:s28+$0x18790];
	[tilespmem:s25+$0x1C790] =	vst v15  }
0x4a: {  	v8 =	vld [tilespmem:s28+$0x187A0];
	[tilespmem:s25+$0x1C7A0] =	vst v24  }
0x4b: {  	v10 =	vld [tilespmem:s28+$0x187B0];
	[tilespmem:s25+$0x1C7B0] =	vst v25  }
.Ltmp0:
0x4c: {  	v11 =	vld [tilespmem:s28+$0x187C0];
	[tilespmem:s25+$0x1C7C0] =	vst v26;
	(pc) =	sbr.rel @p0 .LBB2_2-.Ltmp0, $4  }
0x4d: {  	v12 =	vld [tilespmem:s28+$0x187D0];
	[tilespmem:s25+$0x1C7D0] =	vst v27  }
0x4e: {  	v13 =	vld [tilespmem:s28+$0x187E0];
	[tilespmem:s25+$0x1C7E0] =	vst v28;
	s25 =	smov.u32 s28  }
0x4f: {  	v15 =	vld [tilespmem:s25+$0x187F0]  }
0x50: {  	s26 =	sadd.s32 $0x400, s26;
	v14 =	vld.idx.msk [tilespmem:v29+s3+$0x0], $0xffff  }
0x51: {  	_ =	sdelay $0x3  }
0x52: {  	v0 =	vld.idx.msk [tilespmem:v0+s3+$0x0], $0xffff  }
0x53: {  	v1 =	vld.idx.msk [tilespmem:v1+s3+$0x0], $0xffff  }
0x54: {  	v2 =	vld.idx.msk [tilespmem:v2+s3+$0x0], $0xffff  }
0x55: {  	v3 =	vld.idx.msk [tilespmem:v3+s3+$0x0], $0xffff  }
0x56: {  	v4 =	vld.idx.msk [tilespmem:v4+s3+$0x0], $0xffff  }
0x57: {  	v5 =	vld.idx.msk [tilespmem:v5+s3+$0x0], $0xffff  }
0x58: {  	v7 =	vld.idx.msk [tilespmem:v7+s3+$0x0], $0xffff  }
0x59: {  	v9 =	vld.idx.msk [tilespmem:v9+s3+$0x0], $0xffff  }
0x5a: {  	v6 =	vld.idx.msk [tilespmem:v6+s3+$0x0], $0xffff  }
0x5b: {  	v8 =	vld.idx.msk [tilespmem:v8+s3+$0x0], $0xffff  }
0x5c: {  	v10 =	vld.idx.msk [tilespmem:v10+s3+$0x0], $0xffff  }
0x5d: {  	v11 =	vld.idx.msk [tilespmem:v11+s3+$0x0], $0xffff  }
0x5e: {  	v12 =	vld.idx.msk [tilespmem:v12+s3+$0x0], $0xffff  }
0x5f: {  	v13 =	vld.idx.msk [tilespmem:v13+s3+$0x0], $0xffff  }
0x60: {  	v15 =	vld.idx.msk [tilespmem:v15+s3+$0x0], $0xffff;
	[tilespmem:s25+$0x1C700] =	vst v14  }
0x61: {  	[tilespmem:s25+$0x1C710] =	vst v0  }
0x62: {  	[tilespmem:s25+$0x1C720] =	vst v1  }
0x63: {  	[tilespmem:s25+$0x1C730] =	vst v2  }
0x64: {  	[tilespmem:s25+$0x1C740] =	vst v3  }
0x65: {  	[tilespmem:s25+$0x1C750] =	vst v4  }
0x66: {  	[tilespmem:s25+$0x1C760] =	vst v5  }
0x67: {  	[tilespmem:s25+$0x1C770] =	vst v7  }
0x68: {  	[tilespmem:s25+$0x1C780] =	vst v9  }
0x69: {  	[tilespmem:s25+$0x1C790] =	vst v6  }
0x6a: {  	[tilespmem:s25+$0x1C7A0] =	vst v8  }
0x6b: {  	[tilespmem:s25+$0x1C7B0] =	vst v10  }
0x6c: {  	[tilespmem:s25+$0x1C7C0] =	vst v11  }
0x6d: {  	[tilespmem:s25+$0x1C7D0] =	vst v12  }
0x6e: {  	[tilespmem:s25+$0x1C7E0] =	vst v13  }
0x6f: {  	[tilespmem:s25+$0x1C7F0] =	vst v15;
	s25 =	simm.s32 $0x0  }
0x70: {  	[hbm4b:s6+s16] =	stream.strided.scatter [tilespmem:s21], [sflag:$0x2], $0x1000, s17, s16, $0x38;
	[tilespmem:$0x1E700] =	vst v63  }
0x71: {  	v14 =	vld [tilespmem:s25+$0x19700]  }
0x72: {  	v0 =	vld [tilespmem:s25+$0x19710]  }
0x73: {  	v1 =	vld [tilespmem:s25+$0x19720]  }
0x74: {  	v2 =	vld [tilespmem:s25+$0x19730]  }
0x75: {  	v3 =	vld [tilespmem:s25+$0x19740]  }
0x76: {  	v4 =	vld [tilespmem:s25+$0x19750]  }
0x77: {  	v5 =	vld [tilespmem:s25+$0x19760]  }
0x78: {  	v7 =	vld [tilespmem:s25+$0x19770]  }
0x79: {  	v9 =	vld [tilespmem:s25+$0x19780]  }
0x7a: {  	v6 =	vld [tilespmem:s25+$0x19790]  }
0x7b: {  	v8 =	vld [tilespmem:s25+$0x197A0]  }
0x7c: {  	v10 =	vld [tilespmem:s25+$0x197B0]  }
0x7d: {  	v11 =	vld [tilespmem:s25+$0x197C0]  }
0x7e: {  	v12 =	vld [tilespmem:s25+$0x197D0]  }
0x7f: {  	v13 =	vld [tilespmem:s25+$0x197E0]  }
0x80: {  	v15 =	vld [tilespmem:s25+$0x197F0]  }
0x81: {  	s26 =	simm.s32 $0x400;
	v14 =	vld.idx.msk [tilespmem:v14+s3+$0x0], $0xffff  }
.LBB2_4:
0x82: {  	p0 =	sne.s32 s26, $0x3C00;
	v16 =	vld.idx.msk [tilespmem:v0+s3+$0x0], $0xffff  }
0x83: {  	v17 =	vld.idx.msk [tilespmem:v1+s3+$0x0], $0xffff  }
0x84: {  	v18 =	vld.idx.msk [tilespmem:v2+s3+$0x0], $0xffff  }
0x85: {  	v19 =	vld.idx.msk [tilespmem:v3+s3+$0x0], $0xffff  }
0x86: {  	v20 =	vld.idx.msk [tilespmem:v4+s3+$0x0], $0xffff  }
0x87: {  	v21 =	vld.idx.msk [tilespmem:v5+s3+$0x0], $0xffff  }
0x88: {  	v22 =	vld.idx.msk [tilespmem:v7+s3+$0x0], $0xffff  }
0x89: {  	v23 =	vld.idx.msk [tilespmem:v9+s3+$0x0], $0xffff  }
0x8a: {  	v0 =	vld.idx.msk [tilespmem:v15+s3+$0x0], $0xffff  }
0x8b: {  	v15 =	vld.idx.msk [tilespmem:v6+s3+$0x0], $0xffff  }
0x8c: {  	v24 =	vld.idx.msk [tilespmem:v8+s3+$0x0], $0xffff  }
0x8d: {  	v25 =	vld.idx.msk [tilespmem:v10+s3+$0x0], $0xffff  }
0x8e: {  	v26 =	vld.idx.msk [tilespmem:v11+s3+$0x0], $0xffff  }
0x8f: {  	v27 =	vld.idx.msk [tilespmem:v12+s3+$0x0], $0xffff  }
0x90: {  	s28 =	sshra.s32 s26, $0x2;
	v28 =	vld.idx.msk [tilespmem:v13+s3+$0x0], $0xffff;
	[tilespmem:s25+$0x1D7F0] =	vst v0  }
0x91: {  	v29 =	vld [tilespmem:s28+$0x19700];
	[tilespmem:s25+$0x1D700] =	vst v14  }
0x92: {  	v0 =	vld [tilespmem:s28+$0x19710];
	[tilespmem:s25+$0x1D710] =	vst v16  }
0x93: {  	v1 =	vld [tilespmem:s28+$0x19720];
	[tilespmem:s25+$0x1D720] =	vst v17  }
0x94: {  	v2 =	vld [tilespmem:s28+$0x19730];
	[tilespmem:s25+$0x1D730] =	vst v18  }
0x95: {  	v3 =	vld [tilespmem:s28+$0x19740];
	[tilespmem:s25+$0x1D740] =	vst v19  }
0x96: {  	v4 =	vld [tilespmem:s28+$0x19750];
	[tilespmem:s25+$0x1D750] =	vst v20  }
0x97: {  	v5 =	vld [tilespmem:s28+$0x19760];
	[tilespmem:s25+$0x1D760] =	vst v21  }
0x98: {  	v7 =	vld [tilespmem:s28+$0x19770];
	[tilespmem:s25+$0x1D770] =	vst v22  }
0x99: {  	v9 =	vld [tilespmem:s28+$0x19780];
	[tilespmem:s25+$0x1D780] =	vst v23  }
0x9a: {  	v6 =	vld [tilespmem:s28+$0x19790];
	[tilespmem:s25+$0x1D790] =	vst v15  }
0x9b: {  	v8 =	vld [tilespmem:s28+$0x197A0];
	[tilespmem:s25+$0x1D7A0] =	vst v24  }
0x9c: {  	v10 =	vld [tilespmem:s28+$0x197B0];
	[tilespmem:s25+$0x1D7B0] =	vst v25  }
.Ltmp1:
0x9d: {  	v11 =	vld [tilespmem:s28+$0x197C0];
	[tilespmem:s25+$0x1D7C0] =	vst v26;
	(pc) =	sbr.rel @p0 .LBB2_4-.Ltmp1, $4  }
0x9e: {  	v12 =	vld [tilespmem:s28+$0x197D0];
	[tilespmem:s25+$0x1D7D0] =	vst v27  }
0x9f: {  	v13 =	vld [tilespmem:s28+$0x197E0];
	[tilespmem:s25+$0x1D7E0] =	vst v28;
	s25 =	smov.u32 s28  }
0xa0: {  	v15 =	vld [tilespmem:s25+$0x197F0]  }
0xa1: {  	s26 =	sadd.s32 $0x400, s26;
	v14 =	vld.idx.msk [tilespmem:v29+s3+$0x0], $0xffff  }
0xa2: {  	_ =	sdelay $0x3  }
0xa3: {  	v0 =	vld.idx.msk [tilespmem:v0+s3+$0x0], $0xffff  }
0xa4: {  	v1 =	vld.idx.msk [tilespmem:v1+s3+$0x0], $0xffff  }
0xa5: {  	v2 =	vld.idx.msk [tilespmem:v2+s3+$0x0], $0xffff  }
0xa6: {  	v3 =	vld.idx.msk [tilespmem:v3+s3+$0x0], $0xffff  }
0xa7: {  	v4 =	vld.idx.msk [tilespmem:v4+s3+$0x0], $0xffff  }
0xa8: {  	v5 =	vld.idx.msk [tilespmem:v5+s3+$0x0], $0xffff  }
0xa9: {  	v7 =	vld.idx.msk [tilespmem:v7+s3+$0x0], $0xffff  }
0xaa: {  	v9 =	vld.idx.msk [tilespmem:v9+s3+$0x0], $0xffff  }
0xab: {  	v6 =	vld.idx.msk [tilespmem:v6+s3+$0x0], $0xffff  }
0xac: {  	v8 =	vld.idx.msk [tilespmem:v8+s3+$0x0], $0xffff  }
0xad: {  	v10 =	vld.idx.msk [tilespmem:v10+s3+$0x0], $0xffff  }
0xae: {  	v11 =	vld.idx.msk [tilespmem:v11+s3+$0x0], $0xffff  }
0xaf: {  	v12 =	vld.idx.msk [tilespmem:v12+s3+$0x0], $0xffff  }
0xb0: {  	v13 =	vld.idx.msk [tilespmem:v13+s3+$0x0], $0xffff  }
0xb1: {  	v15 =	vld.idx.msk [tilespmem:v15+s3+$0x0], $0xffff;
	[tilespmem:s25+$0x1D700] =	vst v14  }
0xb2: {  	[tilespmem:s25+$0x1D710] =	vst v0  }
0xb3: {  	[tilespmem:s25+$0x1D720] =	vst v1  }
0xb4: {  	[tilespmem:s25+$0x1D730] =	vst v2  }
0xb5: {  	[tilespmem:s25+$0x1D740] =	vst v3  }
0xb6: {  	[tilespmem:s25+$0x1D750] =	vst v4  }
0xb7: {  	[tilespmem:s25+$0x1D760] =	vst v5  }
0xb8: {  	[tilespmem:s25+$0x1D770] =	vst v7  }
0xb9: {  	[tilespmem:s25+$0x1D780] =	vst v9  }
0xba: {  	[tilespmem:s25+$0x1D790] =	vst v6  }
0xbb: {  	[tilespmem:s25+$0x1D7A0] =	vst v8  }
0xbc: {  	[tilespmem:s25+$0x1D7B0] =	vst v10  }
0xbd: {  	[tilespmem:s25+$0x1D7C0] =	vst v11  }
0xbe: {  	[tilespmem:s25+$0x1D7D0] =	vst v12  }
0xbf: {  	[tilespmem:s25+$0x1D7E0] =	vst v13  }
0xc0: {  	[tilespmem:s25+$0x1D7F0] =	vst v15  }
0xc1: {  	[hbm4b:s7+s16] =	stream.strided.scatter [tilespmem:s22], [sflag:$0x3], $0x1000, s17, s16, $0x38;
	[tilespmem:$0x1E700] =	vst v63  }
0xc2: {  	_ =	swait.ge [sflag:s19], $0x1000  }
0xc3: {  	[sflag:s19] =	ssyncset.done $0x0  }
0xc4: {  	s25 =	simm.s32 $0x0;
	[sflag:s19] =	ssyncadd.s32 $0xFFFFF000  }
0xc5: {  	v14 =	vld [tilespmem:s25+$0x1A700]  }
0xc6: {  	v0 =	vld [tilespmem:s25+$0x1A710]  }
0xc7: {  	v1 =	vld [tilespmem:s25+$0x1A720]  }
0xc8: {  	v2 =	vld [tilespmem:s25+$0x1A730]  }
0xc9: {  	v3 =	vld [tilespmem:s25+$0x1A740]  }
0xca: {  	v4 =	vld [tilespmem:s25+$0x1A750]  }
0xcb: {  	v5 =	vld [tilespmem:s25+$0x1A760]  }
0xcc: {  	v7 =	vld [tilespmem:s25+$0x1A770]  }
0xcd: {  	v9 =	vld [tilespmem:s25+$0x1A780]  }
0xce: {  	v6 =	vld [tilespmem:s25+$0x1A790]  }
0xcf: {  	v8 =	vld [tilespmem:s25+$0x1A7A0]  }
0xd0: {  	v10 =	vld [tilespmem:s25+$0x1A7B0]  }
0xd1: {  	v11 =	vld [tilespmem:s25+$0x1A7C0]  }
0xd2: {  	v12 =	vld [tilespmem:s25+$0x1A7D0]  }
0xd3: {  	v13 =	vld [tilespmem:s25+$0x1A7E0]  }
0xd4: {  	v15 =	vld [tilespmem:s25+$0x1A7F0]  }
0xd5: {  	s26 =	simm.s32 $0x400;
	v14 =	vld.idx.msk [tilespmem:v14+s3+$0x0], $0xffff  }
.LBB2_6:
0xd6: {  	p0 =	sne.s32 s26, $0x3C00;
	v16 =	vld.idx.msk [tilespmem:v0+s3+$0x0], $0xffff  }
0xd7: {  	v17 =	vld.idx.msk [tilespmem:v1+s3+$0x0], $0xffff  }
0xd8: {  	v18 =	vld.idx.msk [tilespmem:v2+s3+$0x0], $0xffff  }
0xd9: {  	v19 =	vld.idx.msk [tilespmem:v3+s3+$0x0], $0xffff  }
0xda: {  	v20 =	vld.idx.msk [tilespmem:v4+s3+$0x0], $0xffff  }
0xdb: {  	v21 =	vld.idx.msk [tilespmem:v5+s3+$0x0], $0xffff  }
0xdc: {  	v22 =	vld.idx.msk [tilespmem:v7+s3+$0x0], $0xffff  }
0xdd: {  	v23 =	vld.idx.msk [tilespmem:v9+s3+$0x0], $0xffff  }
0xde: {  	v0 =	vld.idx.msk [tilespmem:v15+s3+$0x0], $0xffff  }
0xdf: {  	v15 =	vld.idx.msk [tilespmem:v6+s3+$0x0], $0xffff  }
0xe0: {  	v24 =	vld.idx.msk [tilespmem:v8+s3+$0x0], $0xffff  }
0xe1: {  	v25 =	vld.idx.msk [tilespmem:v10+s3+$0x0], $0xffff  }
0xe2: {  	v26 =	vld.idx.msk [tilespmem:v11+s3+$0x0], $0xffff  }
0xe3: {  	v27 =	vld.idx.msk [tilespmem:v12+s3+$0x0], $0xffff  }
0xe4: {  	s28 =	sshra.s32 s26, $0x2;
	v28 =	vld.idx.msk [tilespmem:v13+s3+$0x0], $0xffff;
	[tilespmem:s25+$0x1C7F0] =	vst v0  }
0xe5: {  	v29 =	vld [tilespmem:s28+$0x1A700];
	[tilespmem:s25+$0x1C700] =	vst v14  }
0xe6: {  	v0 =	vld [tilespmem:s28+$0x1A710];
	[tilespmem:s25+$0x1C710] =	vst v16  }
0xe7: {  	v1 =	vld [tilespmem:s28+$0x1A720];
	[tilespmem:s25+$0x1C720] =	vst v17  }
0xe8: {  	v2 =	vld [tilespmem:s28+$0x1A730];
	[tilespmem:s25+$0x1C730] =	vst v18  }
0xe9: {  	v3 =	vld [tilespmem:s28+$0x1A740];
	[tilespmem:s25+$0x1C740] =	vst v19  }
0xea: {  	v4 =	vld [tilespmem:s28+$0x1A750];
	[tilespmem:s25+$0x1C750] =	vst v20  }
0xeb: {  	v5 =	vld [tilespmem:s28+$0x1A760];
	[tilespmem:s25+$0x1C760] =	vst v21  }
0xec: {  	v7 =	vld [tilespmem:s28+$0x1A770];
	[tilespmem:s25+$0x1C770] =	vst v22  }
0xed: {  	v9 =	vld [tilespmem:s28+$0x1A780];
	[tilespmem:s25+$0x1C780] =	vst v23  }
0xee: {  	v6 =	vld [tilespmem:s28+$0x1A790];
	[tilespmem:s25+$0x1C790] =	vst v15  }
0xef: {  	v8 =	vld [tilespmem:s28+$0x1A7A0];
	[tilespmem:s25+$0x1C7A0] =	vst v24  }
0xf0: {  	v10 =	vld [tilespmem:s28+$0x1A7B0];
	[tilespmem:s25+$0x1C7B0] =	vst v25  }
.Ltmp2:
0xf1: {  	v11 =	vld [tilespmem:s28+$0x1A7C0];
	[tilespmem:s25+$0x1C7C0] =	vst v26;
	(pc) =	sbr.rel @p0 .LBB2_6-.Ltmp2, $4  }
0xf2: {  	v12 =	vld [tilespmem:s28+$0x1A7D0];
	[tilespmem:s25+$0x1C7D0] =	vst v27  }
0xf3: {  	v13 =	vld [tilespmem:s28+$0x1A7E0];
	[tilespmem:s25+$0x1C7E0] =	vst v28;
	s25 =	smov.u32 s28  }
0xf4: {  	v15 =	vld [tilespmem:s25+$0x1A7F0]  }
0xf5: {  	s26 =	sadd.s32 $0x400, s26;
	v14 =	vld.idx.msk [tilespmem:v29+s3+$0x0], $0xffff  }
0xf6: {  	_ =	sdelay $0x3  }
0xf7: {  	v0 =	vld.idx.msk [tilespmem:v0+s3+$0x0], $0xffff  }
0xf8: {  	v1 =	vld.idx.msk [tilespmem:v1+s3+$0x0], $0xffff  }
0xf9: {  	v2 =	vld.idx.msk [tilespmem:v2+s3+$0x0], $0xffff  }
0xfa: {  	v3 =	vld.idx.msk [tilespmem:v3+s3+$0x0], $0xffff  }
0xfb: {  	v4 =	vld.idx.msk [tilespmem:v4+s3+$0x0], $0xffff  }
0xfc: {  	v5 =	vld.idx.msk [tilespmem:v5+s3+$0x0], $0xffff  }
0xfd: {  	v7 =	vld.idx.msk [tilespmem:v7+s3+$0x0], $0xffff  }
0xfe: {  	v9 =	vld.idx.msk [tilespmem:v9+s3+$0x0], $0xffff  }
0xff: {  	v6 =	vld.idx.msk [tilespmem:v6+s3+$0x0], $0xffff  }
0x100: {  	v8 =	vld.idx.msk [tilespmem:v8+s3+$0x0], $0xffff  }
0x101: {  	v10 =	vld.idx.msk [tilespmem:v10+s3+$0x0], $0xffff  }
0x102: {  	v11 =	vld.idx.msk [tilespmem:v11+s3+$0x0], $0xffff  }
0x103: {  	v12 =	vld.idx.msk [tilespmem:v12+s3+$0x0], $0xffff  }
0x104: {  	v13 =	vld.idx.msk [tilespmem:v13+s3+$0x0], $0xffff  }
0x105: {  	v15 =	vld.idx.msk [tilespmem:v15+s3+$0x0], $0xffff;
	[tilespmem:s25+$0x1C700] =	vst v14  }
0x106: {  	[tilespmem:s25+$0x1C710] =	vst v0  }
0x107: {  	[tilespmem:s25+$0x1C720] =	vst v1  }
0x108: {  	[tilespmem:s25+$0x1C730] =	vst v2  }
0x109: {  	[tilespmem:s25+$0x1C740] =	vst v3  }
0x10a: {  	[tilespmem:s25+$0x1C750] =	vst v4  }
0x10b: {  	[tilespmem:s25+$0x1C760] =	vst v5  }
0x10c: {  	[tilespmem:s25+$0x1C770] =	vst v7  }
0x10d: {  	[tilespmem:s25+$0x1C780] =	vst v9  }
0x10e: {  	[tilespmem:s25+$0x1C790] =	vst v6  }
0x10f: {  	[tilespmem:s25+$0x1C7A0] =	vst v8  }
0x110: {  	[tilespmem:s25+$0x1C7B0] =	vst v10  }
0x111: {  	[tilespmem:s25+$0x1C7C0] =	vst v11  }
0x112: {  	[tilespmem:s25+$0x1C7D0] =	vst v12  }
0x113: {  	[tilespmem:s25+$0x1C7E0] =	vst v13  }
0x114: {  	[tilespmem:s25+$0x1C7F0] =	vst v15  }
0x115: {  	[hbm4b:s8+s16] =	stream.strided.scatter [tilespmem:s21], [sflag:$0x2], $0x1000, s17, s16, $0x38;
	[tilespmem:$0x1E700] =	vst v63  }
0x116: {  	_ =	swait.ge [sflag:s23], $0x1000  }
0x117: {  	[sflag:s23] =	ssyncset.done $0x0  }
0x118: {  	s25 =	simm.s32 $0x0;
	[sflag:s23] =	ssyncadd.s32 $0xFFFFF000  }
0x119: {  	v14 =	vld [tilespmem:s25+$0x1B700]  }
0x11a: {  	v0 =	vld [tilespmem:s25+$0x1B710]  }
0x11b: {  	v1 =	vld [tilespmem:s25+$0x1B720]  }
0x11c: {  	v2 =	vld [tilespmem:s25+$0x1B730]  }
0x11d: {  	v3 =	vld [tilespmem:s25+$0x1B740]  }
0x11e: {  	v4 =	vld [tilespmem:s25+$0x1B750]  }
0x11f: {  	v5 =	vld [tilespmem:s25+$0x1B760]  }
0x120: {  	v7 =	vld [tilespmem:s25+$0x1B770]  }
0x121: {  	v9 =	vld [tilespmem:s25+$0x1B780]  }
0x122: {  	v6 =	vld [tilespmem:s25+$0x1B790]  }
0x123: {  	v8 =	vld [tilespmem:s25+$0x1B7A0]  }
0x124: {  	v10 =	vld [tilespmem:s25+$0x1B7B0]  }
0x125: {  	v11 =	vld [tilespmem:s25+$0x1B7C0]  }
0x126: {  	v12 =	vld [tilespmem:s25+$0x1B7D0]  }
0x127: {  	v13 =	vld [tilespmem:s25+$0x1B7E0]  }
0x128: {  	v15 =	vld [tilespmem:s25+$0x1B7F0]  }
0x129: {  	s26 =	simm.s32 $0x400;
	v14 =	vld.idx.msk [tilespmem:v14+s3+$0x0], $0xffff  }
.LBB2_8:
0x12a: {  	p0 =	sne.s32 s26, $0x3C00;
	v16 =	vld.idx.msk [tilespmem:v0+s3+$0x0], $0xffff  }
0x12b: {  	v17 =	vld.idx.msk [tilespmem:v1+s3+$0x0], $0xffff  }
0x12c: {  	v18 =	vld.idx.msk [tilespmem:v2+s3+$0x0], $0xffff  }
0x12d: {  	v19 =	vld.idx.msk [tilespmem:v3+s3+$0x0], $0xffff  }
0x12e: {  	v20 =	vld.idx.msk [tilespmem:v4+s3+$0x0], $0xffff  }
0x12f: {  	v21 =	vld.idx.msk [tilespmem:v5+s3+$0x0], $0xffff  }
0x130: {  	v22 =	vld.idx.msk [tilespmem:v7+s3+$0x0], $0xffff  }
0x131: {  	v23 =	vld.idx.msk [tilespmem:v9+s3+$0x0], $0xffff  }
0x132: {  	v0 =	vld.idx.msk [tilespmem:v15+s3+$0x0], $0xffff  }
0x133: {  	v15 =	vld.idx.msk [tilespmem:v6+s3+$0x0], $0xffff  }
0x134: {  	v24 =	vld.idx.msk [tilespmem:v8+s3+$0x0], $0xffff  }
0x135: {  	v25 =	vld.idx.msk [tilespmem:v10+s3+$0x0], $0xffff  }
0x136: {  	v26 =	vld.idx.msk [tilespmem:v11+s3+$0x0], $0xffff  }
0x137: {  	v27 =	vld.idx.msk [tilespmem:v12+s3+$0x0], $0xffff  }
0x138: {  	s28 =	sshra.s32 s26, $0x2;
	v28 =	vld.idx.msk [tilespmem:v13+s3+$0x0], $0xffff;
	[tilespmem:s25+$0x1D7F0] =	vst v0  }
0x139: {  	v29 =	vld [tilespmem:s28+$0x1B700];
	[tilespmem:s25+$0x1D700] =	vst v14  }
0x13a: {  	v0 =	vld [tilespmem:s28+$0x1B710];
	[tilespmem:s25+$0x1D710] =	vst v16  }
0x13b: {  	v1 =	vld [tilespmem:s28+$0x1B720];
	[tilespmem:s25+$0x1D720] =	vst v17  }
0x13c: {  	v2 =	vld [tilespmem:s28+$0x1B730];
	[tilespmem:s25+$0x1D730] =	vst v18  }
0x13d: {  	v3 =	vld [tilespmem:s28+$0x1B740];
	[tilespmem:s25+$0x1D740] =	vst v19  }
0x13e: {  	v4 =	vld [tilespmem:s28+$0x1B750];
	[tilespmem:s25+$0x1D750] =	vst v20  }
0x13f: {  	v5 =	vld [tilespmem:s28+$0x1B760];
	[tilespmem:s25+$0x1D760] =	vst v21  }
0x140: {  	v7 =	vld [tilespmem:s28+$0x1B770];
	[tilespmem:s25+$0x1D770] =	vst v22  }
0x141: {  	v9 =	vld [tilespmem:s28+$0x1B780];
	[tilespmem:s25+$0x1D780] =	vst v23  }
0x142: {  	v6 =	vld [tilespmem:s28+$0x1B790];
	[tilespmem:s25+$0x1D790] =	vst v15  }
0x143: {  	v8 =	vld [tilespmem:s28+$0x1B7A0];
	[tilespmem:s25+$0x1D7A0] =	vst v24  }
0x144: {  	v10 =	vld [tilespmem:s28+$0x1B7B0];
	[tilespmem:s25+$0x1D7B0] =	vst v25  }
.Ltmp3:
0x145: {  	v11 =	vld [tilespmem:s28+$0x1B7C0];
	[tilespmem:s25+$0x1D7C0] =	vst v26;
	(pc) =	sbr.rel @p0 .LBB2_8-.Ltmp3, $4  }
0x146: {  	v12 =	vld [tilespmem:s28+$0x1B7D0];
	[tilespmem:s25+$0x1D7D0] =	vst v27  }
0x147: {  	v13 =	vld [tilespmem:s28+$0x1B7E0];
	[tilespmem:s25+$0x1D7E0] =	vst v28;
	s25 =	smov.u32 s28  }
0x148: {  	v15 =	vld [tilespmem:s25+$0x1B7F0]  }
0x149: {  	s26 =	sadd.s32 $0x400, s26;
	v14 =	vld.idx.msk [tilespmem:v29+s3+$0x0], $0xffff  }
0x14a: {  	_ =	sdelay $0x3  }
0x14b: {  	v0 =	vld.idx.msk [tilespmem:v0+s3+$0x0], $0xffff  }
0x14c: {  	v1 =	vld.idx.msk [tilespmem:v1+s3+$0x0], $0xffff  }
0x14d: {  	v2 =	vld.idx.msk [tilespmem:v2+s3+$0x0], $0xffff  }
0x14e: {  	v3 =	vld.idx.msk [tilespmem:v3+s3+$0x0], $0xffff  }
0x14f: {  	v4 =	vld.idx.msk [tilespmem:v4+s3+$0x0], $0xffff  }
0x150: {  	v5 =	vld.idx.msk [tilespmem:v5+s3+$0x0], $0xffff  }
0x151: {  	v7 =	vld.idx.msk [tilespmem:v7+s3+$0x0], $0xffff  }
0x152: {  	v9 =	vld.idx.msk [tilespmem:v9+s3+$0x0], $0xffff  }
0x153: {  	v6 =	vld.idx.msk [tilespmem:v6+s3+$0x0], $0xffff  }
0x154: {  	v8 =	vld.idx.msk [tilespmem:v8+s3+$0x0], $0xffff  }
0x155: {  	v10 =	vld.idx.msk [tilespmem:v10+s3+$0x0], $0xffff  }
0x156: {  	v11 =	vld.idx.msk [tilespmem:v11+s3+$0x0], $0xffff  }
0x157: {  	v12 =	vld.idx.msk [tilespmem:v12+s3+$0x0], $0xffff  }
0x158: {  	v13 =	vld.idx.msk [tilespmem:v13+s3+$0x0], $0xffff  }
0x159: {  	v15 =	vld.idx.msk [tilespmem:v15+s3+$0x0], $0xffff;
	[tilespmem:s25+$0x1D700] =	vst v14  }
0x15a: {  	[tilespmem:s25+$0x1D710] =	vst v0  }
0x15b: {  	[tilespmem:s25+$0x1D720] =	vst v1  }
0x15c: {  	[tilespmem:s25+$0x1D730] =	vst v2  }
0x15d: {  	[tilespmem:s25+$0x1D740] =	vst v3  }
0x15e: {  	[tilespmem:s25+$0x1D750] =	vst v4  }
0x15f: {  	[tilespmem:s25+$0x1D760] =	vst v5  }
0x160: {  	[tilespmem:s25+$0x1D770] =	vst v7  }
0x161: {  	[tilespmem:s25+$0x1D780] =	vst v9  }
0x162: {  	[tilespmem:s25+$0x1D790] =	vst v6  }
0x163: {  	[tilespmem:s25+$0x1D7A0] =	vst v8  }
0x164: {  	[tilespmem:s25+$0x1D7B0] =	vst v10  }
0x165: {  	[tilespmem:s25+$0x1D7C0] =	vst v11  }
0x166: {  	[tilespmem:s25+$0x1D7D0] =	vst v12  }
0x167: {  	[tilespmem:s25+$0x1D7E0] =	vst v13  }
0x168: {  	[tilespmem:s25+$0x1D7F0] =	vst v15  }
0x169: {  	[hbm4b:s9+s16] =	stream.strided.scatter [tilespmem:s22], [sflag:$0x3], $0x1000, s17, s16, $0x38;
	[tilespmem:$0x1E700] =	vst v63  }
0x16a: {  	_ =	swait.ge [sflag:s19], $0x1000  }
0x16b: {  	[sflag:s19] =	ssyncset.done $0x0  }
0x16c: {  	[sflag:s19] =	ssyncadd.s32 $0xFFFFF000  }
0x16d: {  	_ =	swait.ge [sflag:s23], $0x1000  }
0x16e: {  	[sflag:s23] =	ssyncset.done $0x0  }
0x16f: {  	s31 =	simm.s32 $0x0;
	[sflag:s23] =	ssyncadd.s32 $0xFFFFF000  }
0x170: {  	[tilespmem:s31], [sflag:$0x1] =	stream.strided.gather [hbm4b:s10+s16], $0x18700, s17, s16, $0x38;
	[tilespmem:$0x1E700] =	vst v63  }
0x171: {  	_ = 	snop  }
0x172: {  	[tilespmem:s18], [sflag:$0x2] =	stream.linear.gather [hbm4b:s2+s31], $0x4000, $0x38;
	[tilespmem:$0x1E700] =	vst v63  }
0x173: {  	_ =	swait.ge [sflag:s19], $0x4000  }
0x174: {  	[sflag:s19] =	ssyncset.done $0x0  }
0x175: {  	[sflag:s19] =	ssyncadd.s32 $0xFFFFC000  }
0x176: {  	_ =	swait.ge [sflag:s20], $0x18700  }
0x177: {  	[sflag:s20] =	ssyncset.done $0x0  }
0x178: {  	s25 =	simm.s32 $0x0;
	[sflag:s20] =	ssyncadd.s32 $0xFFFE7900  }
0x179: {  	v14 =	vld [tilespmem:s25+$0x18700]  }
0x17a: {  	v0 =	vld [tilespmem:s25+$0x18710]  }
0x17b: {  	v1 =	vld [tilespmem:s25+$0x18720]  }
0x17c: {  	v2 =	vld [tilespmem:s25+$0x18730]  }
0x17d: {  	v3 =	vld [tilespmem:s25+$0x18740]  }
0x17e: {  	v4 =	vld [tilespmem:s25+$0x18750]  }
0x17f: {  	v5 =	vld [tilespmem:s25+$0x18760]  }
0x180: {  	v7 =	vld [tilespmem:s25+$0x18770]  }
0x181: {  	v9 =	vld [tilespmem:s25+$0x18780]  }
0x182: {  	v6 =	vld [tilespmem:s25+$0x18790]  }
0x183: {  	v8 =	vld [tilespmem:s25+$0x187A0]  }
0x184: {  	v10 =	vld [tilespmem:s25+$0x187B0]  }
0x185: {  	v11 =	vld [tilespmem:s25+$0x187C0]  }
0x186: {  	v12 =	vld [tilespmem:s25+$0x187D0]  }
0x187: {  	v13 =	vld [tilespmem:s25+$0x187E0]  }
0x188: {  	v15 =	vld [tilespmem:s25+$0x187F0]  }
0x189: {  	s26 =	simm.s32 $0x400;
	v14 =	vld.idx.msk [tilespmem:v14+s3+$0x0], $0xffff  }
.LBB2_10:
0x18a: {  	p0 =	sne.s32 s26, $0x3C00;
	v16 =	vld.idx.msk [tilespmem:v0+s3+$0x0], $0xffff  }
0x18b: {  	v17 =	vld.idx.msk [tilespmem:v1+s3+$0x0], $0xffff  }
0x18c: {  	v18 =	vld.idx.msk [tilespmem:v2+s3+$0x0], $0xffff  }
0x18d: {  	v19 =	vld.idx.msk [tilespmem:v3+s3+$0x0], $0xffff  }
0x18e: {  	v20 =	vld.idx.msk [tilespmem:v4+s3+$0x0], $0xffff  }
0x18f: {  	v21 =	vld.idx.msk [tilespmem:v5+s3+$0x0], $0xffff  }
0x190: {  	v22 =	vld.idx.msk [tilespmem:v7+s3+$0x0], $0xffff  }
0x191: {  	v23 =	vld.idx.msk [tilespmem:v9+s3+$0x0], $0xffff  }
0x192: {  	v0 =	vld.idx.msk [tilespmem:v15+s3+$0x0], $0xffff  }
0x193: {  	v15 =	vld.idx.msk [tilespmem:v6+s3+$0x0], $0xffff  }
0x194: {  	v24 =	vld.idx.msk [tilespmem:v8+s3+$0x0], $0xffff  }
0x195: {  	v25 =	vld.idx.msk [tilespmem:v10+s3+$0x0], $0xffff  }
0x196: {  	v26 =	vld.idx.msk [tilespmem:v11+s3+$0x0], $0xffff  }
0x197: {  	v27 =	vld.idx.msk [tilespmem:v12+s3+$0x0], $0xffff  }
0x198: {  	s28 =	sshra.s32 s26, $0x2;
	v28 =	vld.idx.msk [tilespmem:v13+s3+$0x0], $0xffff;
	[tilespmem:s25+$0x1C7F0] =	vst v0  }
0x199: {  	v29 =	vld [tilespmem:s28+$0x18700];
	[tilespmem:s25+$0x1C700] =	vst v14  }
0x19a: {  	v0 =	vld [tilespmem:s28+$0x18710];
	[tilespmem:s25+$0x1C710] =	vst v16  }
0x19b: {  	v1 =	vld [tilespmem:s28+$0x18720];
	[tilespmem:s25+$0x1C720] =	vst v17  }
0x19c: {  	v2 =	vld [tilespmem:s28+$0x18730];
	[tilespmem:s25+$0x1C730] =	vst v18  }
0x19d: {  	v3 =	vld [tilespmem:s28+$0x18740];
	[tilespmem:s25+$0x1C740] =	vst v19  }
0x19e: {  	v4 =	vld [tilespmem:s28+$0x18750];
	[tilespmem:s25+$0x1C750] =	vst v20  }
0x19f: {  	v5 =	vld [tilespmem:s28+$0x18760];
	[tilespmem:s25+$0x1C760] =	vst v21  }
0x1a0: {  	v7 =	vld [tilespmem:s28+$0x18770];
	[tilespmem:s25+$0x1C770] =	vst v22  }
0x1a1: {  	v9 =	vld [tilespmem:s28+$0x18780];
	[tilespmem:s25+$0x1C780] =	vst v23  }
0x1a2: {  	v6 =	vld [tilespmem:s28+$0x18790];
	[tilespmem:s25+$0x1C790] =	vst v15  }
0x1a3: {  	v8 =	vld [tilespmem:s28+$0x187A0];
	[tilespmem:s25+$0x1C7A0] =	vst v24  }
0x1a4: {  	v10 =	vld [tilespmem:s28+$0x187B0];
	[tilespmem:s25+$0x1C7B0] =	vst v25  }
.Ltmp4:
0x1a5: {  	v11 =	vld [tilespmem:s28+$0x187C0];
	[tilespmem:s25+$0x1C7C0] =	vst v26;
	(pc) =	sbr.rel @p0 .LBB2_10-.Ltmp4, $4  }
0x1a6: {  	v12 =	vld [tilespmem:s28+$0x187D0];
	[tilespmem:s25+$0x1C7D0] =	vst v27  }
0x1a7: {  	v13 =	vld [tilespmem:s28+$0x187E0];
	[tilespmem:s25+$0x1C7E0] =	vst v28;
	s25 =	smov.u32 s28  }
0x1a8: {  	v15 =	vld [tilespmem:s25+$0x187F0]  }
0x1a9: {  	s26 =	sadd.s32 $0x400, s26;
	v14 =	vld.idx.msk [tilespmem:v29+s3+$0x0], $0xffff  }
0x1aa: {  	_ =	sdelay $0x3  }
0x1ab: {  	v0 =	vld.idx.msk [tilespmem:v0+s3+$0x0], $0xffff  }
0x1ac: {  	v1 =	vld.idx.msk [tilespmem:v1+s3+$0x0], $0xffff  }
0x1ad: {  	v2 =	vld.idx.msk [tilespmem:v2+s3+$0x0], $0xffff  }
0x1ae: {  	v3 =	vld.idx.msk [tilespmem:v3+s3+$0x0], $0xffff  }
0x1af: {  	v4 =	vld.idx.msk [tilespmem:v4+s3+$0x0], $0xffff  }
0x1b0: {  	v5 =	vld.idx.msk [tilespmem:v5+s3+$0x0], $0xffff  }
0x1b1: {  	v7 =	vld.idx.msk [tilespmem:v7+s3+$0x0], $0xffff  }
0x1b2: {  	v9 =	vld.idx.msk [tilespmem:v9+s3+$0x0], $0xffff  }
0x1b3: {  	v6 =	vld.idx.msk [tilespmem:v6+s3+$0x0], $0xffff  }
0x1b4: {  	v8 =	vld.idx.msk [tilespmem:v8+s3+$0x0], $0xffff  }
0x1b5: {  	v10 =	vld.idx.msk [tilespmem:v10+s3+$0x0], $0xffff  }
0x1b6: {  	v11 =	vld.idx.msk [tilespmem:v11+s3+$0x0], $0xffff  }
0x1b7: {  	v12 =	vld.idx.msk [tilespmem:v12+s3+$0x0], $0xffff  }
0x1b8: {  	v13 =	vld.idx.msk [tilespmem:v13+s3+$0x0], $0xffff  }
0x1b9: {  	v15 =	vld.idx.msk [tilespmem:v15+s3+$0x0], $0xffff;
	[tilespmem:s25+$0x1C700] =	vst v14  }
0x1ba: {  	[tilespmem:s25+$0x1C710] =	vst v0  }
0x1bb: {  	[tilespmem:s25+$0x1C720] =	vst v1  }
0x1bc: {  	[tilespmem:s25+$0x1C730] =	vst v2  }
0x1bd: {  	[tilespmem:s25+$0x1C740] =	vst v3  }
0x1be: {  	[tilespmem:s25+$0x1C750] =	vst v4  }
0x1bf: {  	[tilespmem:s25+$0x1C760] =	vst v5  }
0x1c0: {  	[tilespmem:s25+$0x1C770] =	vst v7  }
0x1c1: {  	[tilespmem:s25+$0x1C780] =	vst v9  }
0x1c2: {  	[tilespmem:s25+$0x1C790] =	vst v6  }
0x1c3: {  	[tilespmem:s25+$0x1C7A0] =	vst v8  }
0x1c4: {  	[tilespmem:s25+$0x1C7B0] =	vst v10  }
0x1c5: {  	[tilespmem:s25+$0x1C7C0] =	vst v11  }
0x1c6: {  	[tilespmem:s25+$0x1C7D0] =	vst v12  }
0x1c7: {  	[tilespmem:s25+$0x1C7E0] =	vst v13  }
0x1c8: {  	[tilespmem:s25+$0x1C7F0] =	vst v15;
	s25 =	simm.s32 $0x0  }
0x1c9: {  	[hbm4b:s11+s16] =	stream.strided.scatter [tilespmem:s21], [sflag:$0x2], $0x1000, s17, s16, $0x38;
	[tilespmem:$0x1E700] =	vst v63  }
0x1ca: {  	v14 =	vld [tilespmem:s25+$0x19700]  }
0x1cb: {  	v0 =	vld [tilespmem:s25+$0x19710]  }
0x1cc: {  	v1 =	vld [tilespmem:s25+$0x19720]  }
0x1cd: {  	v2 =	vld [tilespmem:s25+$0x19730]  }
0x1ce: {  	v3 =	vld [tilespmem:s25+$0x19740]  }
0x1cf: {  	v4 =	vld [tilespmem:s25+$0x19750]  }
0x1d0: {  	v5 =	vld [tilespmem:s25+$0x19760]  }
0x1d1: {  	v7 =	vld [tilespmem:s25+$0x19770]  }
0x1d2: {  	v9 =	vld [tilespmem:s25+$0x19780]  }
0x1d3: {  	v6 =	vld [tilespmem:s25+$0x19790]  }
0x1d4: {  	v8 =	vld [tilespmem:s25+$0x197A0]  }
0x1d5: {  	v10 =	vld [tilespmem:s25+$0x197B0]  }
0x1d6: {  	v11 =	vld [tilespmem:s25+$0x197C0]  }
0x1d7: {  	v12 =	vld [tilespmem:s25+$0x197D0]  }
0x1d8: {  	v13 =	vld [tilespmem:s25+$0x197E0]  }
0x1d9: {  	v15 =	vld [tilespmem:s25+$0x197F0]  }
0x1da: {  	s26 =	simm.s32 $0x400;
	v14 =	vld.idx.msk [tilespmem:v14+s3+$0x0], $0xffff  }
.LBB2_12:
0x1db: {  	p0 =	sne.s32 s26, $0x3C00;
	v16 =	vld.idx.msk [tilespmem:v0+s3+$0x0], $0xffff  }
0x1dc: {  	v17 =	vld.idx.msk [tilespmem:v1+s3+$0x0], $0xffff  }
0x1dd: {  	v18 =	vld.idx.msk [tilespmem:v2+s3+$0x0], $0xffff  }
0x1de: {  	v19 =	vld.idx.msk [tilespmem:v3+s3+$0x0], $0xffff  }
0x1df: {  	v20 =	vld.idx.msk [tilespmem:v4+s3+$0x0], $0xffff  }
0x1e0: {  	v21 =	vld.idx.msk [tilespmem:v5+s3+$0x0], $0xffff  }
0x1e1: {  	v22 =	vld.idx.msk [tilespmem:v7+s3+$0x0], $0xffff  }
0x1e2: {  	v23 =	vld.idx.msk [tilespmem:v9+s3+$0x0], $0xffff  }
0x1e3: {  	v0 =	vld.idx.msk [tilespmem:v15+s3+$0x0], $0xffff  }
0x1e4: {  	v15 =	vld.idx.msk [tilespmem:v6+s3+$0x0], $0xffff  }
0x1e5: {  	v24 =	vld.idx.msk [tilespmem:v8+s3+$0x0], $0xffff  }
0x1e6: {  	v25 =	vld.idx.msk [tilespmem:v10+s3+$0x0], $0xffff  }
0x1e7: {  	v26 =	vld.idx.msk [tilespmem:v11+s3+$0x0], $0xffff  }
0x1e8: {  	v27 =	vld.idx.msk [tilespmem:v12+s3+$0x0], $0xffff  }
0x1e9: {  	s28 =	sshra.s32 s26, $0x2;
	v28 =	vld.idx.msk [tilespmem:v13+s3+$0x0], $0xffff;
	[tilespmem:s25+$0x1D7F0] =	vst v0  }
0x1ea: {  	v29 =	vld [tilespmem:s28+$0x19700];
	[tilespmem:s25+$0x1D700] =	vst v14  }
0x1eb: {  	v0 =	vld [tilespmem:s28+$0x19710];
	[tilespmem:s25+$0x1D710] =	vst v16  }
0x1ec: {  	v1 =	vld [tilespmem:s28+$0x19720];
	[tilespmem:s25+$0x1D720] =	vst v17  }
0x1ed: {  	v2 =	vld [tilespmem:s28+$0x19730];
	[tilespmem:s25+$0x1D730] =	vst v18  }
0x1ee: {  	v3 =	vld [tilespmem:s28+$0x19740];
	[tilespmem:s25+$0x1D740] =	vst v19  }
0x1ef: {  	v4 =	vld [tilespmem:s28+$0x19750];
	[tilespmem:s25+$0x1D750] =	vst v20  }
0x1f0: {  	v5 =	vld [tilespmem:s28+$0x19760];
	[tilespmem:s25+$0x1D760] =	vst v21  }
0x1f1: {  	v7 =	vld [tilespmem:s28+$0x19770];
	[tilespmem:s25+$0x1D770] =	vst v22  }
0x1f2: {  	v9 =	vld [tilespmem:s28+$0x19780];
	[tilespmem:s25+$0x1D780] =	vst v23  }
0x1f3: {  	v6 =	vld [tilespmem:s28+$0x19790];
	[tilespmem:s25+$0x1D790] =	vst v15  }
0x1f4: {  	v8 =	vld [tilespmem:s28+$0x197A0];
	[tilespmem:s25+$0x1D7A0] =	vst v24  }
0x1f5: {  	v10 =	vld [tilespmem:s28+$0x197B0];
	[tilespmem:s25+$0x1D7B0] =	vst v25  }
.Ltmp5:
0x1f6: {  	v11 =	vld [tilespmem:s28+$0x197C0];
	[tilespmem:s25+$0x1D7C0] =	vst v26;
	(pc) =	sbr.rel @p0 .LBB2_12-.Ltmp5, $4  }
0x1f7: {  	v12 =	vld [tilespmem:s28+$0x197D0];
	[tilespmem:s25+$0x1D7D0] =	vst v27  }
0x1f8: {  	v13 =	vld [tilespmem:s28+$0x197E0];
	[tilespmem:s25+$0x1D7E0] =	vst v28;
	s25 =	smov.u32 s28  }
0x1f9: {  	v15 =	vld [tilespmem:s25+$0x197F0]  }
0x1fa: {  	s26 =	sadd.s32 $0x400, s26;
	v14 =	vld.idx.msk [tilespmem:v29+s3+$0x0], $0xffff  }
0x1fb: {  	_ =	sdelay $0x3  }
0x1fc: {  	v0 =	vld.idx.msk [tilespmem:v0+s3+$0x0], $0xffff  }
0x1fd: {  	v1 =	vld.idx.msk [tilespmem:v1+s3+$0x0], $0xffff  }
0x1fe: {  	v2 =	vld.idx.msk [tilespmem:v2+s3+$0x0], $0xffff  }
0x1ff: {  	v3 =	vld.idx.msk [tilespmem:v3+s3+$0x0], $0xffff  }
0x200: {  	v4 =	vld.idx.msk [tilespmem:v4+s3+$0x0], $0xffff  }
0x201: {  	v5 =	vld.idx.msk [tilespmem:v5+s3+$0x0], $0xffff  }
0x202: {  	v7 =	vld.idx.msk [tilespmem:v7+s3+$0x0], $0xffff  }
0x203: {  	v9 =	vld.idx.msk [tilespmem:v9+s3+$0x0], $0xffff  }
0x204: {  	v6 =	vld.idx.msk [tilespmem:v6+s3+$0x0], $0xffff  }
0x205: {  	v8 =	vld.idx.msk [tilespmem:v8+s3+$0x0], $0xffff  }
0x206: {  	v10 =	vld.idx.msk [tilespmem:v10+s3+$0x0], $0xffff  }
0x207: {  	v11 =	vld.idx.msk [tilespmem:v11+s3+$0x0], $0xffff  }
0x208: {  	v12 =	vld.idx.msk [tilespmem:v12+s3+$0x0], $0xffff  }
0x209: {  	v13 =	vld.idx.msk [tilespmem:v13+s3+$0x0], $0xffff  }
0x20a: {  	v15 =	vld.idx.msk [tilespmem:v15+s3+$0x0], $0xffff;
	[tilespmem:s25+$0x1D700] =	vst v14  }
0x20b: {  	[tilespmem:s25+$0x1D710] =	vst v0  }
0x20c: {  	[tilespmem:s25+$0x1D720] =	vst v1  }
0x20d: {  	[tilespmem:s25+$0x1D730] =	vst v2  }
0x20e: {  	[tilespmem:s25+$0x1D740] =	vst v3  }
0x20f: {  	[tilespmem:s25+$0x1D750] =	vst v4  }
0x210: {  	[tilespmem:s25+$0x1D760] =	vst v5  }
0x211: {  	[tilespmem:s25+$0x1D770] =	vst v7  }
0x212: {  	[tilespmem:s25+$0x1D780] =	vst v9  }
0x213: {  	[tilespmem:s25+$0x1D790] =	vst v6  }
0x214: {  	[tilespmem:s25+$0x1D7A0] =	vst v8  }
0x215: {  	[tilespmem:s25+$0x1D7B0] =	vst v10  }
0x216: {  	[tilespmem:s25+$0x1D7C0] =	vst v11  }
0x217: {  	[tilespmem:s25+$0x1D7D0] =	vst v12  }
0x218: {  	[tilespmem:s25+$0x1D7E0] =	vst v13  }
0x219: {  	[tilespmem:s25+$0x1D7F0] =	vst v15  }
0x21a: {  	[hbm4b:s12+s16] =	stream.strided.scatter [tilespmem:s22], [sflag:$0x3], $0x1000, s17, s16, $0x38;
	[tilespmem:$0x1E700] =	vst v63  }
0x21b: {  	_ =	swait.ge [sflag:s19], $0x1000  }
0x21c: {  	[sflag:s19] =	ssyncset.done $0x0  }
0x21d: {  	s25 =	simm.s32 $0x0;
	[sflag:s19] =	ssyncadd.s32 $0xFFFFF000  }
0x21e: {  	v14 =	vld [tilespmem:s25+$0x1A700]  }
0x21f: {  	v0 =	vld [tilespmem:s25+$0x1A710]  }
0x220: {  	v1 =	vld [tilespmem:s25+$0x1A720]  }
0x221: {  	v2 =	vld [tilespmem:s25+$0x1A730]  }
0x222: {  	v3 =	vld [tilespmem:s25+$0x1A740]  }
0x223: {  	v4 =	vld [tilespmem:s25+$0x1A750]  }
0x224: {  	v5 =	vld [tilespmem:s25+$0x1A760]  }
0x225: {  	v7 =	vld [tilespmem:s25+$0x1A770]  }
0x226: {  	v9 =	vld [tilespmem:s25+$0x1A780]  }
0x227: {  	v6 =	vld [tilespmem:s25+$0x1A790]  }
0x228: {  	v8 =	vld [tilespmem:s25+$0x1A7A0]  }
0x229: {  	v10 =	vld [tilespmem:s25+$0x1A7B0]  }
0x22a: {  	v11 =	vld [tilespmem:s25+$0x1A7C0]  }
0x22b: {  	v12 =	vld [tilespmem:s25+$0x1A7D0]  }
0x22c: {  	v13 =	vld [tilespmem:s25+$0x1A7E0]  }
0x22d: {  	v15 =	vld [tilespmem:s25+$0x1A7F0]  }
0x22e: {  	s26 =	simm.s32 $0x400;
	v14 =	vld.idx.msk [tilespmem:v14+s3+$0x0], $0xffff  }
.LBB2_14:
0x22f: {  	p0 =	sne.s32 s26, $0x3C00;
	v16 =	vld.idx.msk [tilespmem:v0+s3+$0x0], $0xffff  }
0x230: {  	v17 =	vld.idx.msk [tilespmem:v1+s3+$0x0], $0xffff  }
0x231: {  	v18 =	vld.idx.msk [tilespmem:v2+s3+$0x0], $0xffff  }
0x232: {  	v19 =	vld.idx.msk [tilespmem:v3+s3+$0x0], $0xffff  }
0x233: {  	v20 =	vld.idx.msk [tilespmem:v4+s3+$0x0], $0xffff  }
0x234: {  	v21 =	vld.idx.msk [tilespmem:v5+s3+$0x0], $0xffff  }
0x235: {  	v22 =	vld.idx.msk [tilespmem:v7+s3+$0x0], $0xffff  }
0x236: {  	v23 =	vld.idx.msk [tilespmem:v9+s3+$0x0], $0xffff  }
0x237: {  	v0 =	vld.idx.msk [tilespmem:v15+s3+$0x0], $0xffff  }
0x238: {  	v15 =	vld.idx.msk [tilespmem:v6+s3+$0x0], $0xffff  }
0x239: {  	v24 =	vld.idx.msk [tilespmem:v8+s3+$0x0], $0xffff  }
0x23a: {  	v25 =	vld.idx.msk [tilespmem:v10+s3+$0x0], $0xffff  }
0x23b: {  	v26 =	vld.idx.msk [tilespmem:v11+s3+$0x0], $0xffff  }
0x23c: {  	v27 =	vld.idx.msk [tilespmem:v12+s3+$0x0], $0xffff  }
0x23d: {  	s28 =	sshra.s32 s26, $0x2;
	v28 =	vld.idx.msk [tilespmem:v13+s3+$0x0], $0xffff;
	[tilespmem:s25+$0x1C7F0] =	vst v0  }
0x23e: {  	v29 =	vld [tilespmem:s28+$0x1A700];
	[tilespmem:s25+$0x1C700] =	vst v14  }
0x23f: {  	v0 =	vld [tilespmem:s28+$0x1A710];
	[tilespmem:s25+$0x1C710] =	vst v16  }
0x240: {  	v1 =	vld [tilespmem:s28+$0x1A720];
	[tilespmem:s25+$0x1C720] =	vst v17  }
0x241: {  	v2 =	vld [tilespmem:s28+$0x1A730];
	[tilespmem:s25+$0x1C730] =	vst v18  }
0x242: {  	v3 =	vld [tilespmem:s28+$0x1A740];
	[tilespmem:s25+$0x1C740] =	vst v19  }
0x243: {  	v4 =	vld [tilespmem:s28+$0x1A750];
	[tilespmem:s25+$0x1C750] =	vst v20  }
0x244: {  	v5 =	vld [tilespmem:s28+$0x1A760];
	[tilespmem:s25+$0x1C760] =	vst v21  }
0x245: {  	v7 =	vld [tilespmem:s28+$0x1A770];
	[tilespmem:s25+$0x1C770] =	vst v22  }
0x246: {  	v9 =	vld [tilespmem:s28+$0x1A780];
	[tilespmem:s25+$0x1C780] =	vst v23  }
0x247: {  	v6 =	vld [tilespmem:s28+$0x1A790];
	[tilespmem:s25+$0x1C790] =	vst v15  }
0x248: {  	v8 =	vld [tilespmem:s28+$0x1A7A0];
	[tilespmem:s25+$0x1C7A0] =	vst v24  }
0x249: {  	v10 =	vld [tilespmem:s28+$0x1A7B0];
	[tilespmem:s25+$0x1C7B0] =	vst v25  }
.Ltmp6:
0x24a: {  	v11 =	vld [tilespmem:s28+$0x1A7C0];
	[tilespmem:s25+$0x1C7C0] =	vst v26;
	(pc) =	sbr.rel @p0 .LBB2_14-.Ltmp6, $4  }
0x24b: {  	v12 =	vld [tilespmem:s28+$0x1A7D0];
	[tilespmem:s25+$0x1C7D0] =	vst v27  }
0x24c: {  	v13 =	vld [tilespmem:s28+$0x1A7E0];
	[tilespmem:s25+$0x1C7E0] =	vst v28;
	s25 =	smov.u32 s28  }
0x24d: {  	v15 =	vld [tilespmem:s25+$0x1A7F0]  }
0x24e: {  	s26 =	sadd.s32 $0x400, s26;
	v14 =	vld.idx.msk [tilespmem:v29+s3+$0x0], $0xffff  }
0x24f: {  	_ =	sdelay $0x3  }
0x250: {  	v0 =	vld.idx.msk [tilespmem:v0+s3+$0x0], $0xffff  }
0x251: {  	v1 =	vld.idx.msk [tilespmem:v1+s3+$0x0], $0xffff  }
0x252: {  	v2 =	vld.idx.msk [tilespmem:v2+s3+$0x0], $0xffff  }
0x253: {  	v3 =	vld.idx.msk [tilespmem:v3+s3+$0x0], $0xffff  }
0x254: {  	v4 =	vld.idx.msk [tilespmem:v4+s3+$0x0], $0xffff  }
0x255: {  	v5 =	vld.idx.msk [tilespmem:v5+s3+$0x0], $0xffff  }
0x256: {  	v7 =	vld.idx.msk [tilespmem:v7+s3+$0x0], $0xffff  }
0x257: {  	v9 =	vld.idx.msk [tilespmem:v9+s3+$0x0], $0xffff  }
0x258: {  	v6 =	vld.idx.msk [tilespmem:v6+s3+$0x0], $0xffff  }
0x259: {  	v8 =	vld.idx.msk [tilespmem:v8+s3+$0x0], $0xffff  }
0x25a: {  	v10 =	vld.idx.msk [tilespmem:v10+s3+$0x0], $0xffff  }
0x25b: {  	v11 =	vld.idx.msk [tilespmem:v11+s3+$0x0], $0xffff  }
0x25c: {  	v12 =	vld.idx.msk [tilespmem:v12+s3+$0x0], $0xffff  }
0x25d: {  	v13 =	vld.idx.msk [tilespmem:v13+s3+$0x0], $0xffff  }
0x25e: {  	v15 =	vld.idx.msk [tilespmem:v15+s3+$0x0], $0xffff;
	[tilespmem:s25+$0x1C700] =	vst v14  }
0x25f: {  	[tilespmem:s25+$0x1C710] =	vst v0  }
0x260: {  	[tilespmem:s25+$0x1C720] =	vst v1  }
0x261: {  	[tilespmem:s25+$0x1C730] =	vst v2  }
0x262: {  	[tilespmem:s25+$0x1C740] =	vst v3  }
0x263: {  	[tilespmem:s25+$0x1C750] =	vst v4  }
0x264: {  	[tilespmem:s25+$0x1C760] =	vst v5  }
0x265: {  	[tilespmem:s25+$0x1C770] =	vst v7  }
0x266: {  	[tilespmem:s25+$0x1C780] =	vst v9  }
0x267: {  	[tilespmem:s25+$0x1C790] =	vst v6  }
0x268: {  	[tilespmem:s25+$0x1C7A0] =	vst v8  }
0x269: {  	[tilespmem:s25+$0x1C7B0] =	vst v10  }
0x26a: {  	[tilespmem:s25+$0x1C7C0] =	vst v11  }
0x26b: {  	[tilespmem:s25+$0x1C7D0] =	vst v12  }
0x26c: {  	[tilespmem:s25+$0x1C7E0] =	vst v13  }
0x26d: {  	[tilespmem:s25+$0x1C7F0] =	vst v15  }
0x26e: {  	[hbm4b:s13+s16] =	stream.strided.scatter [tilespmem:s21], [sflag:$0x2], $0x1000, s17, s16, $0x38;
	[tilespmem:$0x1E700] =	vst v63  }
0x26f: {  	_ =	swait.ge [sflag:s23], $0x1000  }
0x270: {  	[sflag:s23] =	ssyncset.done $0x0  }
0x271: {  	s25 =	simm.s32 $0x0;
	[sflag:s23] =	ssyncadd.s32 $0xFFFFF000  }
0x272: {  	v14 =	vld [tilespmem:s25+$0x1B700]  }
0x273: {  	v0 =	vld [tilespmem:s25+$0x1B710]  }
0x274: {  	v1 =	vld [tilespmem:s25+$0x1B720]  }
0x275: {  	v2 =	vld [tilespmem:s25+$0x1B730]  }
0x276: {  	v3 =	vld [tilespmem:s25+$0x1B740]  }
0x277: {  	v4 =	vld [tilespmem:s25+$0x1B750]  }
0x278: {  	v5 =	vld [tilespmem:s25+$0x1B760]  }
0x279: {  	v7 =	vld [tilespmem:s25+$0x1B770]  }
0x27a: {  	v9 =	vld [tilespmem:s25+$0x1B780]  }
0x27b: {  	v6 =	vld [tilespmem:s25+$0x1B790]  }
0x27c: {  	v8 =	vld [tilespmem:s25+$0x1B7A0]  }
0x27d: {  	v10 =	vld [tilespmem:s25+$0x1B7B0]  }
0x27e: {  	v11 =	vld [tilespmem:s25+$0x1B7C0]  }
0x27f: {  	v12 =	vld [tilespmem:s25+$0x1B7D0]  }
0x280: {  	v13 =	vld [tilespmem:s25+$0x1B7E0]  }
0x281: {  	v15 =	vld [tilespmem:s25+$0x1B7F0]  }
0x282: {  	s26 =	simm.s32 $0x400;
	v14 =	vld.idx.msk [tilespmem:v14+s3+$0x0], $0xffff  }
.LBB2_16:
0x283: {  	p0 =	sne.s32 s26, $0x3C00;
	v16 =	vld.idx.msk [tilespmem:v0+s3+$0x0], $0xffff  }
0x284: {  	v17 =	vld.idx.msk [tilespmem:v1+s3+$0x0], $0xffff  }
0x285: {  	v18 =	vld.idx.msk [tilespmem:v2+s3+$0x0], $0xffff  }
0x286: {  	v19 =	vld.idx.msk [tilespmem:v3+s3+$0x0], $0xffff  }
0x287: {  	v20 =	vld.idx.msk [tilespmem:v4+s3+$0x0], $0xffff  }
0x288: {  	v21 =	vld.idx.msk [tilespmem:v5+s3+$0x0], $0xffff  }
0x289: {  	v22 =	vld.idx.msk [tilespmem:v7+s3+$0x0], $0xffff  }
0x28a: {  	v23 =	vld.idx.msk [tilespmem:v9+s3+$0x0], $0xffff  }
0x28b: {  	v0 =	vld.idx.msk [tilespmem:v15+s3+$0x0], $0xffff  }
0x28c: {  	v15 =	vld.idx.msk [tilespmem:v6+s3+$0x0], $0xffff  }
0x28d: {  	v24 =	vld.idx.msk [tilespmem:v8+s3+$0x0], $0xffff  }
0x28e: {  	v25 =	vld.idx.msk [tilespmem:v10+s3+$0x0], $0xffff  }
0x28f: {  	v26 =	vld.idx.msk [tilespmem:v11+s3+$0x0], $0xffff  }
0x290: {  	v27 =	vld.idx.msk [tilespmem:v12+s3+$0x0], $0xffff  }
0x291: {  	s28 =	sshra.s32 s26, $0x2;
	v28 =	vld.idx.msk [tilespmem:v13+s3+$0x0], $0xffff;
	[tilespmem:s25+$0x1D7F0] =	vst v0  }
0x292: {  	v29 =	vld [tilespmem:s28+$0x1B700];
	[tilespmem:s25+$0x1D700] =	vst v14  }
0x293: {  	v0 =	vld [tilespmem:s28+$0x1B710];
	[tilespmem:s25+$0x1D710] =	vst v16  }
0x294: {  	v1 =	vld [tilespmem:s28+$0x1B720];
	[tilespmem:s25+$0x1D720] =	vst v17  }
0x295: {  	v2 =	vld [tilespmem:s28+$0x1B730];
	[tilespmem:s25+$0x1D730] =	vst v18  }
0x296: {  	v3 =	vld [tilespmem:s28+$0x1B740];
	[tilespmem:s25+$0x1D740] =	vst v19  }
0x297: {  	v4 =	vld [tilespmem:s28+$0x1B750];
	[tilespmem:s25+$0x1D750] =	vst v20  }
0x298: {  	v5 =	vld [tilespmem:s28+$0x1B760];
	[tilespmem:s25+$0x1D760] =	vst v21  }
0x299: {  	v7 =	vld [tilespmem:s28+$0x1B770];
	[tilespmem:s25+$0x1D770] =	vst v22  }
0x29a: {  	v9 =	vld [tilespmem:s28+$0x1B780];
	[tilespmem:s25+$0x1D780] =	vst v23  }
0x29b: {  	v6 =	vld [tilespmem:s28+$0x1B790];
	[tilespmem:s25+$0x1D790] =	vst v15  }
0x29c: {  	v8 =	vld [tilespmem:s28+$0x1B7A0];
	[tilespmem:s25+$0x1D7A0] =	vst v24  }
0x29d: {  	v10 =	vld [tilespmem:s28+$0x1B7B0];
	[tilespmem:s25+$0x1D7B0] =	vst v25  }
.Ltmp7:
0x29e: {  	v11 =	vld [tilespmem:s28+$0x1B7C0];
	[tilespmem:s25+$0x1D7C0] =	vst v26;
	(pc) =	sbr.rel @p0 .LBB2_16-.Ltmp7, $4  }
0x29f: {  	v12 =	vld [tilespmem:s28+$0x1B7D0];
	[tilespmem:s25+$0x1D7D0] =	vst v27  }
0x2a0: {  	v13 =	vld [tilespmem:s28+$0x1B7E0];
	[tilespmem:s25+$0x1D7E0] =	vst v28;
	s25 =	smov.u32 s28  }
0x2a1: {  	v15 =	vld [tilespmem:s25+$0x1B7F0]  }
0x2a2: {  	s26 =	sadd.s32 $0x400, s26;
	v14 =	vld.idx.msk [tilespmem:v29+s3+$0x0], $0xffff  }
0x2a3: {  	_ =	sdelay $0x3  }
0x2a4: {  	v0 =	vld.idx.msk [tilespmem:v0+s3+$0x0], $0xffff  }
0x2a5: {  	v1 =	vld.idx.msk [tilespmem:v1+s3+$0x0], $0xffff  }
0x2a6: {  	v2 =	vld.idx.msk [tilespmem:v2+s3+$0x0], $0xffff  }
0x2a7: {  	v3 =	vld.idx.msk [tilespmem:v3+s3+$0x0], $0xffff  }
0x2a8: {  	v4 =	vld.idx.msk [tilespmem:v4+s3+$0x0], $0xffff  }
0x2a9: {  	v5 =	vld.idx.msk [tilespmem:v5+s3+$0x0], $0xffff  }
0x2aa: {  	v7 =	vld.idx.msk [tilespmem:v7+s3+$0x0], $0xffff  }
0x2ab: {  	v9 =	vld.idx.msk [tilespmem:v9+s3+$0x0], $0xffff  }
0x2ac: {  	v6 =	vld.idx.msk [tilespmem:v6+s3+$0x0], $0xffff  }
0x2ad: {  	v8 =	vld.idx.msk [tilespmem:v8+s3+$0x0], $0xffff  }
0x2ae: {  	v10 =	vld.idx.msk [tilespmem:v10+s3+$0x0], $0xffff  }
0x2af: {  	v11 =	vld.idx.msk [tilespmem:v11+s3+$0x0], $0xffff  }
0x2b0: {  	v12 =	vld.idx.msk [tilespmem:v12+s3+$0x0], $0xffff  }
0x2b1: {  	v13 =	vld.idx.msk [tilespmem:v13+s3+$0x0], $0xffff  }
0x2b2: {  	v15 =	vld.idx.msk [tilespmem:v15+s3+$0x0], $0xffff;
	[tilespmem:s25+$0x1D700] =	vst v14  }
0x2b3: {  	[tilespmem:s25+$0x1D710] =	vst v0  }
0x2b4: {  	[tilespmem:s25+$0x1D720] =	vst v1  }
0x2b5: {  	[tilespmem:s25+$0x1D730] =	vst v2  }
0x2b6: {  	[tilespmem:s25+$0x1D740] =	vst v3  }
0x2b7: {  	[tilespmem:s25+$0x1D750] =	vst v4  }
0x2b8: {  	[tilespmem:s25+$0x1D760] =	vst v5  }
0x2b9: {  	[tilespmem:s25+$0x1D770] =	vst v7  }
0x2ba: {  	[tilespmem:s25+$0x1D780] =	vst v9  }
0x2bb: {  	[tilespmem:s25+$0x1D790] =	vst v6  }
0x2bc: {  	[tilespmem:s25+$0x1D7A0] =	vst v8  }
0x2bd: {  	[tilespmem:s25+$0x1D7B0] =	vst v10  }
0x2be: {  	[tilespmem:s25+$0x1D7C0] =	vst v11  }
0x2bf: {  	[tilespmem:s25+$0x1D7D0] =	vst v12  }
0x2c0: {  	[tilespmem:s25+$0x1D7E0] =	vst v13  }
0x2c1: {  	s24 =	sadd.s32 $0x1, s24;
	[tilespmem:s25+$0x1D7F0] =	vst v15  }
0x2c2: {  	[hbm4b:s14+s16] =	stream.strided.scatter [tilespmem:s22], [sflag:$0x3], $0x1000, s17, s16, $0x38;
	[tilespmem:$0x1E700] =	vst v63  }
0x2c3: {  	p0 =	sne.s32 s24, s15;
	_ =	swait.ge [sflag:s19], $0x1000  }
.Ltmp8:
0x2c4: {  	[sflag:s19] =	ssyncset.done $0x0;
	(pc) =	sbr.rel @p0 .LBB2_1-.Ltmp8, $4  }
0x2c5: {  	[sflag:s19] =	ssyncadd.s32 $0xFFFFF000  }
0x2c6: {  	_ =	swait.ge [sflag:s23], $0x1000  }
0x2c7: {  	[sflag:s23] =	ssyncset.done $0x0  }
0x2c8: {  	[sflag:s23] =	ssyncadd.s32 $0xFFFFF000  }
0x2c9: {  	_ =	sfence.sel $0x180000  }
0x2ca: {  	[bflag:$0x0] =	sbarrier.arrive $0xFFFF  }
0x2cb: {  	p0 =	sne.s32 s4, $0x0;
	_ =	strace $0x90000047  }
0x2cc: {  	s0 =	sadd.s32 @!p0 $0x100000, s0;
	[bflag:$0x2] =	sbarrier.arrive $0xFFFF  }
0x2cd: {  	[sflag:s0] =	ssyncadd.tile.s32 @!p0 $0x1;
	_ =	shalt  }
.Lfunc_end2:
_tile_overlayer_lowered:
.L_overlay_start_2:
0x2ce: {  	(tag) =	ssettag $0x2  }
0x2cf: {  	s0 =	rddreg [dreg:$0x0];
	s2 =	stileid.u32  }
0x2d0: {  	s1 =	rddreg [dreg:$0x1];
	p0 =	sne.s32 s2, $0x0  }
0x2d1: {  	s3 =	rddreg [dreg:$0x2];
	[bflag:$0x3] =	sbarrier.arrive $0xFFFF;
	s2 =	simm.s32 @!p0 $0x1C04  }
0x2d2: {  	[timem:s3], [sflag:s2] =	dma.local @!p0 [hbm:s0], s1  }
0x2d3: {  	s0 =	simm.s32 @!p0 $0x4  }
0x2d4: {  	_ =	swait.ge @!p0 [sflag:s0], s1  }
0x2d5: {  	s1 =	ssub.s32 @!p0 $0x0, s1;
	[sflag:s0] =	ssyncset.done @!p0 $0x0  }
0x2d6: {  	[sflag:s0] =	ssyncadd.s32 @!p0 s1  }
0x2d7: {  	[bflag:$0x3] =	sbarrier.arrive $0xFFFF  }
0x2d8: {  	_ =	shalt  }

</sc_bundles>
